<compile_context>
chip_gen: v7x
topology: tpu7x:2x2x1
jax: 0.10.2.dev20260603
libtpu: 0.0.44.dev20260713+nightly
codegen_flags: <defaults>
</compile_context>

<pallas_src>
import jax
import jax.numpy as jnp
from jax import lax
from jax.experimental import pallas as pl
from jax.experimental.pallas import tpu as pltpu
from jax.experimental.pallas import tpu_sc as plsc

B, R = 2, 256
NUM_ROIS = B * R
PH, PW = 7, 7
NPTS = PH * PW
C = 256
NCH = C // 16

_Q = 0.21875 * 0.21875
T3 = _Q * 0.125
T4 = _Q * 0.5
T5 = _Q * 2.0

HI = 56
NROWS = 112


def _body(rois_hbm, t2, t3, t4, t5, out_hbm,
          box_v, y0r, y1r, x0r, x1r, wy7r, wx7r,
          wyp0, wxp0, wyp1, wxp1,
          idxA0, idxB0, idxA1, idxB1,
          dstA0, dstB0, dstA1, dstB1, sem0, sem1):
    nw = 32
    per_w = NUM_ROIS // nw
    wid = lax.axis_index("s") * 2 + lax.axis_index("c")
    base_roi = wid * per_w

    pltpu.sync_copy(rois_hbm.at[pl.ds(base_roi, per_w)], box_v)

    lane = lax.iota(jnp.int32, 16)
    grid = jnp.minimum(lane, 6).astype(jnp.float32) * jnp.float32(1.0 / 6.0)
    chunk_off = (0, 16, 32, 48, 40)
    sely = [(lane + o) // 7 for o in chunk_off]
    selx = [(lane + o) % 7 for o in chunk_off]
    zeros16 = lane * 0

    bufs = ((idxA0, idxB0, dstA0, dstB0, wyp0, wxp0, sem0),
            (idxA1, idxB1, dstA1, dstB1, wyp1, wxp1, sem1))

    def splat(v):
        return jnp.full((16,), v, jnp.int32)

    def build_fire(j, buf):
        idxA, idxB, dstA, dstB, wyp, wxp, sem = buf
        r = base_roi + j
        b_scalar = r // R
        jv = splat(j)
        y1v = plsc.load_gather(box_v, [jv, zeros16])
        x1v = plsc.load_gather(box_v, [jv, zeros16 + 1])
        y2v = plsc.load_gather(box_v, [jv, zeros16 + 2])
        x2v = plsc.load_gather(box_v, [jv, zeros16 + 3])
        t = (y2v - y1v) * (x2v - x1v)
        ts = jnp.max(t)
        lvl = (2 + (ts > T3).astype(jnp.int32) + (ts >= T4).astype(jnp.int32)
               + (ts > T5).astype(jnp.int32))

        def build(table, S):
            Sf = float(S - 1)
            ys = (y1v + grid * (y2v - y1v)) * Sf
            xs = (x1v + grid * (x2v - x1v)) * Sf
            y0i = ys.astype(jnp.int32)
            x0i = xs.astype(jnp.int32)
            wy = ys - y0i.astype(jnp.float32)
            wx = xs - x0i.astype(jnp.float32)
            y1i = jnp.minimum(y0i + 1, S - 1)
            x1i = jnp.minimum(x0i + 1, S - 1)
            y0r[...] = y0i
            y1r[...] = y1i
            x0r[...] = x0i
            x1r[...] = x1i
            wy7r[...] = wy
            wx7r[...] = wx
            base = jnp.full((16,), b_scalar * (S * S), jnp.int32)
            iy0s, iy1s = [], []
            for k in range(4):
                off = chunk_off[k]
                iy0 = plsc.load_gather(y0r, [sely[k]])
                iy1 = plsc.load_gather(y1r, [sely[k]])
                ix0 = plsc.load_gather(x0r, [selx[k]])
                iy0s.append(iy0)
                iy1s.append(iy1)
                wyp[pl.ds(off, 16)] = plsc.load_gather(wy7r, [sely[k]])
                wxp[pl.ds(off, 16)] = plsc.load_gather(wx7r, [selx[k]])
                idxA[pl.ds(off, 16)] = base + iy0 * S + ix0
                idxB[pl.ds(off, 16)] = base + iy1 * S + ix0
            for k in range(3):
                off = chunk_off[k]
                ix1 = plsc.load_gather(x1r, [selx[k]])
                idxA[pl.ds(HI + off, 16)] = base + iy0s[k] * S + ix1
                idxB[pl.ds(HI + off, 16)] = base + iy1s[k] * S + ix1
            iy0 = plsc.load_gather(y0r, [sely[4]])
            iy1 = plsc.load_gather(y1r, [sely[4]])
            ix1 = plsc.load_gather(x1r, [selx[4]])
            idxA[pl.ds(HI + 40, 16)] = base + iy0 * S + ix1
            idxB[pl.ds(HI + 40, 16)] = base + iy1 * S + ix1
            pltpu.async_copy(table.at[idxA], dstA, sem)
            pltpu.async_copy(table.at[idxB], dstB, sem)

        for lvl_c, table, S in ((2, t2, 256), (3, t3, 128), (4, t4, 64), (5, t5, 32)):
            @pl.when(lvl == lvl_c)
            def _():
                build(table, S)

    def wait_gather(buf):
        _, _, dstA, dstB, _, _, sem = buf
        pltpu.make_async_copy(t2.at[pl.ds(0, NROWS)], dstA, sem).wait()
        pltpu.make_async_copy(t2.at[pl.ds(0, NROWS)], dstB, sem).wait()

    def combine_out(j, buf):
        _, _, dstA, dstB, wyp, wxp, _ = buf
        r = base_roi + j

        def pt_body(p, c2):
            pv = splat(p)
            wxv = plsc.load_gather(wxp, [pv])
            wyv = plsc.load_gather(wyp, [pv])
            for c in range(NCH):
                sl = pl.ds(16 * c, 16)
                v00 = dstA[p, sl]
                v01 = dstA[HI + p, sl]
                v10 = dstB[p, sl]
                v11 = dstB[HI + p, sl]
                top = v00 + wxv * (v01 - v00)
                bot = v10 + wxv * (v11 - v10)
                dstA[p, sl] = top + wyv * (bot - top)
            return c2

        lax.fori_loop(0, NPTS, pt_body, 0)
        pltpu.sync_copy(dstA.at[pl.ds(0, 56)], out_hbm.at[r])

    def roi_body(j, carry):
        build_fire(j, bufs[0])
        wait_gather(bufs[0])
        combine_out(j, bufs[0])
        return carry

    lax.fori_loop(0, per_w, roi_body, 0)


@jax.jit
def _run(rois_flat, t2, t3, t4, t5):
    mesh = plsc.VectorSubcoreMesh(core_axis_name="c", subcore_axis_name="s")
    f = pl.kernel(
        _body,
        out_type=jax.ShapeDtypeStruct((NUM_ROIS, 56, C), jnp.float32),
        mesh=mesh,
        compiler_params=pltpu.CompilerParams(needs_layout_passes=False),
        scratch_types=[
            pltpu.VMEM((16, 4), jnp.float32),
            pltpu.VMEM((16,), jnp.int32),
            pltpu.VMEM((16,), jnp.int32),
            pltpu.VMEM((16,), jnp.int32),
            pltpu.VMEM((16,), jnp.int32),
            pltpu.VMEM((16,), jnp.float32),
            pltpu.VMEM((16,), jnp.float32),
            pltpu.VMEM((64,), jnp.float32),
            pltpu.VMEM((64,), jnp.float32),
            pltpu.VMEM((64,), jnp.float32),
            pltpu.VMEM((64,), jnp.float32),
            pltpu.VMEM((NROWS,), jnp.int32),
            pltpu.VMEM((NROWS,), jnp.int32),
            pltpu.VMEM((NROWS,), jnp.int32),
            pltpu.VMEM((NROWS,), jnp.int32),
            pltpu.VMEM((NROWS, C), jnp.float32),
            pltpu.VMEM((NROWS, C), jnp.float32),
            pltpu.VMEM((NROWS, C), jnp.float32),
            pltpu.VMEM((NROWS, C), jnp.float32),
            pltpu.SemaphoreType.DMA,
            pltpu.SemaphoreType.DMA,
        ],
    )
    return f(rois_flat, t2, t3, t4, t5)


def kernel(rois, feat_p2, feat_p3, feat_p4, feat_p5):
    rois_flat = rois.reshape(NUM_ROIS, 4)
    t2 = feat_p2.reshape(-1, C)
    t3 = feat_p3.reshape(-1, C)
    t4 = feat_p4.reshape(-1, C)
    t5 = feat_p5.reshape(-1, C)
    out = _run(rois_flat, t2, t3, t4, t5)
    return out[:, :NPTS].reshape(B, R, PH, PW, C)

# --- scband reference (transcript-rebuilt; emitter-appended) ---
"""Pipeline reference for scband-pyramid-roialign-layer-23390391894691 (READ-ONLY COPY).

The authoritative reference and input builder live on the scoring server;
editing this copy changes nothing except your own understanding.
"""

import jax, jax.numpy as jnp
import numpy as np

IMAGE_SHAPE = (1024, 1024, 3)
POOL_SHAPE = (7, 7)


def crop_and_resize(image, boxes, box_indices, crop_size):
    H = image.shape[1]
    W = image.shape[2]
    ph, pw = crop_size
    y1 = boxes[:, 0]; x1 = boxes[:, 1]; y2 = boxes[:, 2]; x2 = boxes[:, 3]
    gy = jnp.linspace(0.0, 1.0, ph)
    gx = jnp.linspace(0.0, 1.0, pw)
    ys = (y1[:, None] + gy[None, :] * (y2 - y1)[:, None]) * (H - 1)
    xs = (x1[:, None] + gx[None, :] * (x2 - x1)[:, None]) * (W - 1)
    y0 = jnp.floor(ys)
    x0 = jnp.floor(xs)
    y0i = jnp.clip(y0.astype(jnp.int32), 0, H - 1)
    y1i = jnp.clip(y0i + 1, 0, H - 1)
    x0i = jnp.clip(x0.astype(jnp.int32), 0, W - 1)
    x1i = jnp.clip(x0i + 1, 0, W - 1)
    wy = (ys - y0)[:, :, None, None]
    wx = (xs - x0)[:, None, :, None]
    bi = box_indices[:, None, None]
    v00 = image[bi, y0i[:, :, None], x0i[:, None, :]]
    v01 = image[bi, y0i[:, :, None], x1i[:, None, :]]
    v10 = image[bi, y1i[:, :, None], x0i[:, None, :]]
    v11 = image[bi, y1i[:, :, None], x1i[:, None, :]]
    top = v00 * (1.0 - wx) + v01 * wx
    bot = v10 * (1.0 - wx) + v11 * wx
    return top * (1.0 - wy) + bot * wy


def pyramid_roi_align(rois, feats):
    B, R, _ = rois.shape
    C = feats[0].shape[-1]
    y1, x1, y2, x2 = jnp.split(rois, 4, axis=2)
    h = y2 - y1
    w = x2 - x1
    image_area = float(IMAGE_SHAPE[0] * IMAGE_SHAPE[1])
    roi_level = jnp.log(jnp.sqrt(h * w) / (224.0 / jnp.sqrt(image_area))) / jnp.log(2.0)
    roi_level = jnp.minimum(5, jnp.maximum(2, 4 + jnp.round(roi_level).astype(jnp.int32)))
    levels = jnp.squeeze(roi_level, 2).reshape(-1)
    # original applies tf.stop_gradient to level boxes before crop_and_resize
    flat_boxes = jax.lax.stop_gradient(rois.reshape(-1, 4))
    box_indices = jnp.repeat(jnp.arange(B), R)
    pooled = jnp.zeros((B * R, POOL_SHAPE[0], POOL_SHAPE[1], C), dtype=feats[0].dtype)
    for i, lvl in enumerate(range(2, 6)):
        crop = crop_and_resize(feats[i], flat_boxes, box_indices, POOL_SHAPE)
        mask = (levels == lvl)[:, None, None, None]
        pooled = jnp.where(mask, crop, pooled)
    # original scatters per-level crops then re-sorts back to original roi order;
    # the masked select above yields the identical ordering/values.
    return pooled.reshape(B, R, POOL_SHAPE[0], POOL_SHAPE[1], C)


def setup_inputs(seed: int = 0):
    key = jax.random.key(seed)
    k1, k2, k3, k4, k5, k6, k7, k8 = jax.random.split(key, 8)
    B, R = 2, 256
    y1 = jax.random.uniform(k1, (B, R, 1), minval=0.0, maxval=0.5)
    x1 = jax.random.uniform(k2, (B, R, 1), minval=0.0, maxval=0.5)
    h = jax.random.uniform(k3, (B, R, 1), minval=0.02, maxval=0.5)
    w = jax.random.uniform(k4, (B, R, 1), minval=0.02, maxval=0.5)
    rois = jnp.concatenate([y1, x1, jnp.minimum(y1 + h, 1.0), jnp.minimum(x1 + w, 1.0)], axis=2).astype(jnp.float32)
    feat_p2 = jax.random.normal(k5, (B, 256, 256, 256), dtype=jnp.float32)
    feat_p3 = jax.random.normal(k6, (B, 128, 128, 256), dtype=jnp.float32)
    feat_p4 = jax.random.normal(k7, (B, 64, 64, 256), dtype=jnp.float32)
    feat_p5 = jax.random.normal(k8, (B, 32, 32, 256), dtype=jnp.float32)
    return {"rois": rois, "feat_p2": feat_p2, "feat_p3": feat_p3, "feat_p4": feat_p4, "feat_p5": feat_p5}


def reference(rois, feat_p2, feat_p3, feat_p4, feat_p5):
    return pyramid_roi_align(rois, [feat_p2, feat_p3, feat_p4, feat_p5])

if __name__ == "__main__":
    import jax
    _d = setup_inputs()
    print(jax.jit(kernel)(*tuple(_d.values())))

</pallas_src>

<mosaic_0001>
#map = affine_map<(d0, d1) -> (0, 0)>
#map1 = affine_map<(d0, d1) -> (0, 0, 0)>
module attributes {stable_mosaic.version = 14 : i64} {
  func.func @_body(%arg0: i32, %arg1: i32, %arg2: memref<512x4xf32, #tpu.memory_space<hbm>>, %arg3: memref<131072x256xf32, #tpu.memory_space<hbm>>, %arg4: memref<32768x256xf32, #tpu.memory_space<hbm>>, %arg5: memref<8192x256xf32, #tpu.memory_space<hbm>>, %arg6: memref<2048x256xf32, #tpu.memory_space<hbm>>, %arg7: memref<512x56x256xf32, #tpu.memory_space<hbm>>, %arg8: memref<16x4xf32, #tpu.memory_space<vmem>>, %arg9: memref<16xi32, #tpu.memory_space<vmem>>, %arg10: memref<16xi32, #tpu.memory_space<vmem>>, %arg11: memref<16xi32, #tpu.memory_space<vmem>>, %arg12: memref<16xi32, #tpu.memory_space<vmem>>, %arg13: memref<16xf32, #tpu.memory_space<vmem>>, %arg14: memref<16xf32, #tpu.memory_space<vmem>>, %arg15: memref<64xf32, #tpu.memory_space<vmem>>, %arg16: memref<64xf32, #tpu.memory_space<vmem>>, %arg17: memref<64xf32, #tpu.memory_space<vmem>>, %arg18: memref<64xf32, #tpu.memory_space<vmem>>, %arg19: memref<112xi32, #tpu.memory_space<vmem>>, %arg20: memref<112xi32, #tpu.memory_space<vmem>>, %arg21: memref<112xi32, #tpu.memory_space<vmem>>, %arg22: memref<112xi32, #tpu.memory_space<vmem>>, %arg23: memref<112x256xf32, #tpu.memory_space<vmem>>, %arg24: memref<112x256xf32, #tpu.memory_space<vmem>>, %arg25: memref<112x256xf32, #tpu.memory_space<vmem>>, %arg26: memref<112x256xf32, #tpu.memory_space<vmem>>, %arg27: memref<!tpu.dma_semaphore, #tpu.memory_space<semaphore_mem>>, %arg28: memref<!tpu.dma_semaphore, #tpu.memory_space<semaphore_mem>>) attributes {dimension_semantics = [#tpu.dimension_semantics<core_parallel>, #tpu.dimension_semantics<subcore_parallel>], iteration_bounds = array<i64: 2, 16>, scalar_prefetch = 0 : i64, scratch_operands = 21 : i64, tpu.core_type = #tpu.core_type<sc_vector_subcore>, window_params = [{transform_indices = #map}, {transform_indices = #map}, {transform_indices = #map}, {transform_indices = #map}, {transform_indices = #map}, {transform_indices = #map1}]} {
    %mul3A = arith.constant 2 : i32
    %mul3A_0 = arith.muli %arg1, %mul3A : i32
    %add3A = arith.addi %mul3A_0, %arg0 : i32
    %mul3A_1 = arith.constant 16 : i32
    %mul3A_2 = arith.muli %add3A, %mul3A_1 : i32
    "tpu.region"() ({
      %run_scoped3A = tpu.sem_alloc : memref<!tpu.dma_semaphore, #tpu.memory_space<semaphore_mem>>
      %dma_start3A = arith.constant 0 : i32
      %dma_start3A_301 = tpu.memref_slice %arg2[%mul3A_2, %dma_start3A] : memref<512x4xf32, #tpu.memory_space<hbm>> -> memref<16x4xf32, #tpu.memory_space<hbm>>
      %dma_start3A_302 = arith.constant 0 : i32
      %dma_start3A_303 = tpu.memref_slice %arg2[%mul3A_2, %dma_start3A_302] : memref<512x4xf32, #tpu.memory_space<hbm>> -> memref<16x4xf32, #tpu.memory_space<hbm>>
      tpu.enqueue_dma source(%dma_start3A_303 : memref<16x4xf32, #tpu.memory_space<hbm>>) target(%arg8 : memref<16x4xf32, #tpu.memory_space<vmem>>) target_semaphore(%run_scoped3A : memref<!tpu.dma_semaphore, #tpu.memory_space<semaphore_mem>>)
      %dma_wait3A = arith.constant 0 : i32
      %dma_wait3A_304 = tpu.memref_slice %arg2[%mul3A_2, %dma_wait3A] : memref<512x4xf32, #tpu.memory_space<hbm>> -> memref<16x4xf32, #tpu.memory_space<hbm>>
      %dma_wait3A_305 = arith.constant 0 : i32
      %dma_wait3A_306 = tpu.memref_slice %arg2[%mul3A_2, %dma_wait3A_305] : memref<512x4xf32, #tpu.memory_space<hbm>> -> memref<16x4xf32, #tpu.memory_space<hbm>>
      tpu.wait_dma2 semaphore(%run_scoped3A : memref<!tpu.dma_semaphore, #tpu.memory_space<semaphore_mem>>) src(%dma_wait3A_306 : memref<16x4xf32, #tpu.memory_space<hbm>>) dst(%arg8 : memref<16x4xf32, #tpu.memory_space<vmem>>)
      tpu.yield
    }) : () -> ()
    %iota3A = tpu.iota {dimensions = array<i32: 0>} : vector<16xi32>
    %min3A = arith.constant 6 : i32
    %min3A_3 = vector.broadcast %min3A : i32 to vector<16xi32>
    %min3A_4 = arith.minsi %iota3A, %min3A_3 : vector<16xi32>
    %convert_element_type3A = arith.sitofp %min3A_4 : vector<16xi32> to vector<16xf32>
    %mul3A_5 = arith.constant 0.166666672 : f32
    %mul3A_6 = vector.broadcast %mul3A_5 : f32 to vector<16xf32>
    %mul3A_7 = arith.mulf %convert_element_type3A, %mul3A_6 : vector<16xf32>
    %add3A_8 = arith.constant 0 : i32
    %add3A_9 = vector.broadcast %add3A_8 : i32 to vector<16xi32>
    %add3A_10 = arith.addi %iota3A, %add3A_9 : vector<16xi32>
    %jit3A = arith.constant 7 : i32
    %div3A = vector.broadcast %jit3A : i32 to vector<16xi32>
    %div3A_11 = arith.divsi %add3A_10, %div3A : vector<16xi32>
    %sign3A = arith.constant 0 : i32
    %sign3A_12 = vector.broadcast %sign3A : i32 to vector<16xi32>
    %sign3A_13 = arith.cmpi sgt, %add3A_10, %sign3A_12 : vector<16xi32>
    %sign3A_14 = arith.extui %sign3A_13 : vector<16xi1> to vector<16xi32>
    %sign3A_15 = arith.constant 0 : i32
    %sign3A_16 = vector.broadcast %sign3A_15 : i32 to vector<16xi32>
    %sign3A_17 = arith.cmpi slt, %add3A_10, %sign3A_16 : vector<16xi32>
    %sign3A_18 = arith.extui %sign3A_17 : vector<16xi1> to vector<16xi32>
    %sign3A_19 = arith.subi %sign3A_14, %sign3A_18 : vector<16xi32>
    %sign3A_20 = arith.constant 0 : i32
    %sign3A_21 = arith.cmpi sgt, %jit3A, %sign3A_20 : i32
    %sign3A_22 = arith.extui %sign3A_21 : i1 to i32
    %sign3A_23 = arith.constant 0 : i32
    %sign3A_24 = arith.cmpi slt, %jit3A, %sign3A_23 : i32
    %sign3A_25 = arith.extui %sign3A_24 : i1 to i32
    %sign3A_26 = arith.subi %sign3A_22, %sign3A_25 : i32
    %ne3A = vector.broadcast %sign3A_26 : i32 to vector<16xi32>
    %ne3A_27 = arith.cmpi ne, %sign3A_19, %ne3A : vector<16xi32>
    %rem3A = vector.broadcast %jit3A : i32 to vector<16xi32>
    %rem3A_28 = arith.remsi %add3A_10, %rem3A : vector<16xi32>
    %ne3A_29 = arith.constant 0 : i32
    %ne3A_30 = vector.broadcast %ne3A_29 : i32 to vector<16xi32>
    %ne3A_31 = arith.cmpi ne, %rem3A_28, %ne3A_30 : vector<16xi32>
    %and3A = arith.andi %ne3A_27, %ne3A_31 : vector<16xi1>
    %sub3A = arith.constant 1 : i32
    %sub3A_32 = vector.broadcast %sub3A : i32 to vector<16xi32>
    %sub3A_33 = arith.subi %div3A_11, %sub3A_32 : vector<16xi32>
    %select_n3A = arith.select %and3A, %sub3A_33, %div3A_11 : vector<16xi1>, vector<16xi32>
    %add3A_34 = arith.constant 16 : i32
    %add3A_35 = vector.broadcast %add3A_34 : i32 to vector<16xi32>
    %add3A_36 = arith.addi %iota3A, %add3A_35 : vector<16xi32>
    %jit3A_37 = arith.constant 7 : i32
    %div3A_38 = vector.broadcast %jit3A_37 : i32 to vector<16xi32>
    %div3A_39 = arith.divsi %add3A_36, %div3A_38 : vector<16xi32>
    %sign3A_40 = arith.constant 0 : i32
    %sign3A_41 = vector.broadcast %sign3A_40 : i32 to vector<16xi32>
    %sign3A_42 = arith.cmpi sgt, %add3A_36, %sign3A_41 : vector<16xi32>
    %sign3A_43 = arith.extui %sign3A_42 : vector<16xi1> to vector<16xi32>
    %sign3A_44 = arith.constant 0 : i32
    %sign3A_45 = vector.broadcast %sign3A_44 : i32 to vector<16xi32>
    %sign3A_46 = arith.cmpi slt, %add3A_36, %sign3A_45 : vector<16xi32>
    %sign3A_47 = arith.extui %sign3A_46 : vector<16xi1> to vector<16xi32>
    %sign3A_48 = arith.subi %sign3A_43, %sign3A_47 : vector<16xi32>
    %sign3A_49 = arith.constant 0 : i32
    %sign3A_50 = arith.cmpi sgt, %jit3A_37, %sign3A_49 : i32
    %sign3A_51 = arith.extui %sign3A_50 : i1 to i32
    %sign3A_52 = arith.constant 0 : i32
    %sign3A_53 = arith.cmpi slt, %jit3A_37, %sign3A_52 : i32
    %sign3A_54 = arith.extui %sign3A_53 : i1 to i32
    %sign3A_55 = arith.subi %sign3A_51, %sign3A_54 : i32
    %ne3A_56 = vector.broadcast %sign3A_55 : i32 to vector<16xi32>
    %ne3A_57 = arith.cmpi ne, %sign3A_48, %ne3A_56 : vector<16xi32>
    %rem3A_58 = vector.broadcast %jit3A_37 : i32 to vector<16xi32>
    %rem3A_59 = arith.remsi %add3A_36, %rem3A_58 : vector<16xi32>
    %ne3A_60 = arith.constant 0 : i32
    %ne3A_61 = vector.broadcast %ne3A_60 : i32 to vector<16xi32>
    %ne3A_62 = arith.cmpi ne, %rem3A_59, %ne3A_61 : vector<16xi32>
    %and3A_63 = arith.andi %ne3A_57, %ne3A_62 : vector<16xi1>
    %sub3A_64 = arith.constant 1 : i32
    %sub3A_65 = vector.broadcast %sub3A_64 : i32 to vector<16xi32>
    %sub3A_66 = arith.subi %div3A_39, %sub3A_65 : vector<16xi32>
    %select_n3A_67 = arith.select %and3A_63, %sub3A_66, %div3A_39 : vector<16xi1>, vector<16xi32>
    %add3A_68 = arith.constant 32 : i32
    %add3A_69 = vector.broadcast %add3A_68 : i32 to vector<16xi32>
    %add3A_70 = arith.addi %iota3A, %add3A_69 : vector<16xi32>
    %jit3A_71 = arith.constant 7 : i32
    %div3A_72 = vector.broadcast %jit3A_71 : i32 to vector<16xi32>
    %div3A_73 = arith.divsi %add3A_70, %div3A_72 : vector<16xi32>
    %sign3A_74 = arith.constant 0 : i32
    %sign3A_75 = vector.broadcast %sign3A_74 : i32 to vector<16xi32>
    %sign3A_76 = arith.cmpi sgt, %add3A_70, %sign3A_75 : vector<16xi32>
    %sign3A_77 = arith.extui %sign3A_76 : vector<16xi1> to vector<16xi32>
    %sign3A_78 = arith.constant 0 : i32
    %sign3A_79 = vector.broadcast %sign3A_78 : i32 to vector<16xi32>
    %sign3A_80 = arith.cmpi slt, %add3A_70, %sign3A_79 : vector<16xi32>
    %sign3A_81 = arith.extui %sign3A_80 : vector<16xi1> to vector<16xi32>
    %sign3A_82 = arith.subi %sign3A_77, %sign3A_81 : vector<16xi32>
    %sign3A_83 = arith.constant 0 : i32
    %sign3A_84 = arith.cmpi sgt, %jit3A_71, %sign3A_83 : i32
    %sign3A_85 = arith.extui %sign3A_84 : i1 to i32
    %sign3A_86 = arith.constant 0 : i32
    %sign3A_87 = arith.cmpi slt, %jit3A_71, %sign3A_86 : i32
    %sign3A_88 = arith.extui %sign3A_87 : i1 to i32
    %sign3A_89 = arith.subi %sign3A_85, %sign3A_88 : i32
    %ne3A_90 = vector.broadcast %sign3A_89 : i32 to vector<16xi32>
    %ne3A_91 = arith.cmpi ne, %sign3A_82, %ne3A_90 : vector<16xi32>
    %rem3A_92 = vector.broadcast %jit3A_71 : i32 to vector<16xi32>
    %rem3A_93 = arith.remsi %add3A_70, %rem3A_92 : vector<16xi32>
    %ne3A_94 = arith.constant 0 : i32
    %ne3A_95 = vector.broadcast %ne3A_94 : i32 to vector<16xi32>
    %ne3A_96 = arith.cmpi ne, %rem3A_93, %ne3A_95 : vector<16xi32>
    %and3A_97 = arith.andi %ne3A_91, %ne3A_96 : vector<16xi1>
    %sub3A_98 = arith.constant 1 : i32
    %sub3A_99 = vector.broadcast %sub3A_98 : i32 to vector<16xi32>
    %sub3A_100 = arith.subi %div3A_73, %sub3A_99 : vector<16xi32>
    %select_n3A_101 = arith.select %and3A_97, %sub3A_100, %div3A_73 : vector<16xi1>, vector<16xi32>
    %add3A_102 = arith.constant 48 : i32
    %add3A_103 = vector.broadcast %add3A_102 : i32 to vector<16xi32>
    %add3A_104 = arith.addi %iota3A, %add3A_103 : vector<16xi32>
    %jit3A_105 = arith.constant 7 : i32
    %div3A_106 = vector.broadcast %jit3A_105 : i32 to vector<16xi32>
    %div3A_107 = arith.divsi %add3A_104, %div3A_106 : vector<16xi32>
    %sign3A_108 = arith.constant 0 : i32
    %sign3A_109 = vector.broadcast %sign3A_108 : i32 to vector<16xi32>
    %sign3A_110 = arith.cmpi sgt, %add3A_104, %sign3A_109 : vector<16xi32>
    %sign3A_111 = arith.extui %sign3A_110 : vector<16xi1> to vector<16xi32>
    %sign3A_112 = arith.constant 0 : i32
    %sign3A_113 = vector.broadcast %sign3A_112 : i32 to vector<16xi32>
    %sign3A_114 = arith.cmpi slt, %add3A_104, %sign3A_113 : vector<16xi32>
    %sign3A_115 = arith.extui %sign3A_114 : vector<16xi1> to vector<16xi32>
    %sign3A_116 = arith.subi %sign3A_111, %sign3A_115 : vector<16xi32>
    %sign3A_117 = arith.constant 0 : i32
    %sign3A_118 = arith.cmpi sgt, %jit3A_105, %sign3A_117 : i32
    %sign3A_119 = arith.extui %sign3A_118 : i1 to i32
    %sign3A_120 = arith.constant 0 : i32
    %sign3A_121 = arith.cmpi slt, %jit3A_105, %sign3A_120 : i32
    %sign3A_122 = arith.extui %sign3A_121 : i1 to i32
    %sign3A_123 = arith.subi %sign3A_119, %sign3A_122 : i32
    %ne3A_124 = vector.broadcast %sign3A_123 : i32 to vector<16xi32>
    %ne3A_125 = arith.cmpi ne, %sign3A_116, %ne3A_124 : vector<16xi32>
    %rem3A_126 = vector.broadcast %jit3A_105 : i32 to vector<16xi32>
    %rem3A_127 = arith.remsi %add3A_104, %rem3A_126 : vector<16xi32>
    %ne3A_128 = arith.constant 0 : i32
    %ne3A_129 = vector.broadcast %ne3A_128 : i32 to vector<16xi32>
    %ne3A_130 = arith.cmpi ne, %rem3A_127, %ne3A_129 : vector<16xi32>
    %and3A_131 = arith.andi %ne3A_125, %ne3A_130 : vector<16xi1>
    %sub3A_132 = arith.constant 1 : i32
    %sub3A_133 = vector.broadcast %sub3A_132 : i32 to vector<16xi32>
    %sub3A_134 = arith.subi %div3A_107, %sub3A_133 : vector<16xi32>
    %select_n3A_135 = arith.select %and3A_131, %sub3A_134, %div3A_107 : vector<16xi1>, vector<16xi32>
    %add3A_136 = arith.constant 40 : i32
    %add3A_137 = vector.broadcast %add3A_136 : i32 to vector<16xi32>
    %add3A_138 = arith.addi %iota3A, %add3A_137 : vector<16xi32>
    %jit3A_139 = arith.constant 7 : i32
    %div3A_140 = vector.broadcast %jit3A_139 : i32 to vector<16xi32>
    %div3A_141 = arith.divsi %add3A_138, %div3A_140 : vector<16xi32>
    %sign3A_142 = arith.constant 0 : i32
    %sign3A_143 = vector.broadcast %sign3A_142 : i32 to vector<16xi32>
    %sign3A_144 = arith.cmpi sgt, %add3A_138, %sign3A_143 : vector<16xi32>
    %sign3A_145 = arith.extui %sign3A_144 : vector<16xi1> to vector<16xi32>
    %sign3A_146 = arith.constant 0 : i32
    %sign3A_147 = vector.broadcast %sign3A_146 : i32 to vector<16xi32>
    %sign3A_148 = arith.cmpi slt, %add3A_138, %sign3A_147 : vector<16xi32>
    %sign3A_149 = arith.extui %sign3A_148 : vector<16xi1> to vector<16xi32>
    %sign3A_150 = arith.subi %sign3A_145, %sign3A_149 : vector<16xi32>
    %sign3A_151 = arith.constant 0 : i32
    %sign3A_152 = arith.cmpi sgt, %jit3A_139, %sign3A_151 : i32
    %sign3A_153 = arith.extui %sign3A_152 : i1 to i32
    %sign3A_154 = arith.constant 0 : i32
    %sign3A_155 = arith.cmpi slt, %jit3A_139, %sign3A_154 : i32
    %sign3A_156 = arith.extui %sign3A_155 : i1 to i32
    %sign3A_157 = arith.subi %sign3A_153, %sign3A_156 : i32
    %ne3A_158 = vector.broadcast %sign3A_157 : i32 to vector<16xi32>
    %ne3A_159 = arith.cmpi ne, %sign3A_150, %ne3A_158 : vector<16xi32>
    %rem3A_160 = vector.broadcast %jit3A_139 : i32 to vector<16xi32>
    %rem3A_161 = arith.remsi %add3A_138, %rem3A_160 : vector<16xi32>
    %ne3A_162 = arith.constant 0 : i32
    %ne3A_163 = vector.broadcast %ne3A_162 : i32 to vector<16xi32>
    %ne3A_164 = arith.cmpi ne, %rem3A_161, %ne3A_163 : vector<16xi32>
    %and3A_165 = arith.andi %ne3A_159, %ne3A_164 : vector<16xi1>
    %sub3A_166 = arith.constant 1 : i32
    %sub3A_167 = vector.broadcast %sub3A_166 : i32 to vector<16xi32>
    %sub3A_168 = arith.subi %div3A_141, %sub3A_167 : vector<16xi32>
    %select_n3A_169 = arith.select %and3A_165, %sub3A_168, %div3A_141 : vector<16xi1>, vector<16xi32>
    %add3A_170 = arith.constant 0 : i32
    %add3A_171 = vector.broadcast %add3A_170 : i32 to vector<16xi32>
    %add3A_172 = arith.addi %iota3A, %add3A_171 : vector<16xi32>
    %jit3A_173 = arith.constant 7 : i32
    %eq3A = arith.constant 0 : i32
    %eq3A_174 = arith.cmpi eq, %jit3A_173, %eq3A : i32
    %jit3A_175 = arith.constant 1 : i32
    %select_n3A_176 = arith.select %eq3A_174, %jit3A_175, %jit3A_173 : i32
    %rem3A_177 = vector.broadcast %select_n3A_176 : i32 to vector<16xi32>
    %rem3A_178 = arith.remsi %add3A_172, %rem3A_177 : vector<16xi32>
    %ne3A_179 = arith.constant 0 : i32
    %ne3A_180 = vector.broadcast %ne3A_179 : i32 to vector<16xi32>
    %ne3A_181 = arith.cmpi ne, %rem3A_178, %ne3A_180 : vector<16xi32>
    %lt3A = arith.constant 0 : i32
    %lt3A_182 = vector.broadcast %lt3A : i32 to vector<16xi32>
    %lt3A_183 = arith.cmpi slt, %rem3A_178, %lt3A_182 : vector<16xi32>
    %lt3A_184 = arith.constant 0 : i32
    %lt3A_185 = arith.cmpi slt, %select_n3A_176, %lt3A_184 : i32
    %ne3A_186 = vector.broadcast %lt3A_185 : i1 to vector<16xi1>
    %ne3A_187 = vector.broadcast %ne3A_186 : vector<16xi1> to vector<16xi1>
    %ne3A_188 = arith.xori %lt3A_183, %ne3A_187 : vector<16xi1>
    %and3A_189 = arith.andi %ne3A_188, %ne3A_181 : vector<16xi1>
    %add3A_190 = vector.broadcast %select_n3A_176 : i32 to vector<16xi32>
    %add3A_191 = arith.addi %rem3A_178, %add3A_190 : vector<16xi32>
    %select_n3A_192 = arith.select %and3A_189, %add3A_191, %rem3A_178 : vector<16xi1>, vector<16xi32>
    %add3A_193 = arith.constant 16 : i32
    %add3A_194 = vector.broadcast %add3A_193 : i32 to vector<16xi32>
    %add3A_195 = arith.addi %iota3A, %add3A_194 : vector<16xi32>
    %jit3A_196 = arith.constant 7 : i32
    %eq3A_197 = arith.constant 0 : i32
    %eq3A_198 = arith.cmpi eq, %jit3A_196, %eq3A_197 : i32
    %jit3A_199 = arith.constant 1 : i32
    %select_n3A_200 = arith.select %eq3A_198, %jit3A_199, %jit3A_196 : i32
    %rem3A_201 = vector.broadcast %select_n3A_200 : i32 to vector<16xi32>
    %rem3A_202 = arith.remsi %add3A_195, %rem3A_201 : vector<16xi32>
    %ne3A_203 = arith.constant 0 : i32
    %ne3A_204 = vector.broadcast %ne3A_203 : i32 to vector<16xi32>
    %ne3A_205 = arith.cmpi ne, %rem3A_202, %ne3A_204 : vector<16xi32>
    %lt3A_206 = arith.constant 0 : i32
    %lt3A_207 = vector.broadcast %lt3A_206 : i32 to vector<16xi32>
    %lt3A_208 = arith.cmpi slt, %rem3A_202, %lt3A_207 : vector<16xi32>
    %lt3A_209 = arith.constant 0 : i32
    %lt3A_210 = arith.cmpi slt, %select_n3A_200, %lt3A_209 : i32
    %ne3A_211 = vector.broadcast %lt3A_210 : i1 to vector<16xi1>
    %ne3A_212 = vector.broadcast %ne3A_211 : vector<16xi1> to vector<16xi1>
    %ne3A_213 = arith.xori %lt3A_208, %ne3A_212 : vector<16xi1>
    %and3A_214 = arith.andi %ne3A_213, %ne3A_205 : vector<16xi1>
    %add3A_215 = vector.broadcast %select_n3A_200 : i32 to vector<16xi32>
    %add3A_216 = arith.addi %rem3A_202, %add3A_215 : vector<16xi32>
    %select_n3A_217 = arith.select %and3A_214, %add3A_216, %rem3A_202 : vector<16xi1>, vector<16xi32>
    %add3A_218 = arith.constant 32 : i32
    %add3A_219 = vector.broadcast %add3A_218 : i32 to vector<16xi32>
    %add3A_220 = arith.addi %iota3A, %add3A_219 : vector<16xi32>
    %jit3A_221 = arith.constant 7 : i32
    %eq3A_222 = arith.constant 0 : i32
    %eq3A_223 = arith.cmpi eq, %jit3A_221, %eq3A_222 : i32
    %jit3A_224 = arith.constant 1 : i32
    %select_n3A_225 = arith.select %eq3A_223, %jit3A_224, %jit3A_221 : i32
    %rem3A_226 = vector.broadcast %select_n3A_225 : i32 to vector<16xi32>
    %rem3A_227 = arith.remsi %add3A_220, %rem3A_226 : vector<16xi32>
    %ne3A_228 = arith.constant 0 : i32
    %ne3A_229 = vector.broadcast %ne3A_228 : i32 to vector<16xi32>
    %ne3A_230 = arith.cmpi ne, %rem3A_227, %ne3A_229 : vector<16xi32>
    %lt3A_231 = arith.constant 0 : i32
    %lt3A_232 = vector.broadcast %lt3A_231 : i32 to vector<16xi32>
    %lt3A_233 = arith.cmpi slt, %rem3A_227, %lt3A_232 : vector<16xi32>
    %lt3A_234 = arith.constant 0 : i32
    %lt3A_235 = arith.cmpi slt, %select_n3A_225, %lt3A_234 : i32
    %ne3A_236 = vector.broadcast %lt3A_235 : i1 to vector<16xi1>
    %ne3A_237 = vector.broadcast %ne3A_236 : vector<16xi1> to vector<16xi1>
    %ne3A_238 = arith.xori %lt3A_233, %ne3A_237 : vector<16xi1>
    %and3A_239 = arith.andi %ne3A_238, %ne3A_230 : vector<16xi1>
    %add3A_240 = vector.broadcast %select_n3A_225 : i32 to vector<16xi32>
    %add3A_241 = arith.addi %rem3A_227, %add3A_240 : vector<16xi32>
    %select_n3A_242 = arith.select %and3A_239, %add3A_241, %rem3A_227 : vector<16xi1>, vector<16xi32>
    %add3A_243 = arith.constant 48 : i32
    %add3A_244 = vector.broadcast %add3A_243 : i32 to vector<16xi32>
    %add3A_245 = arith.addi %iota3A, %add3A_244 : vector<16xi32>
    %jit3A_246 = arith.constant 7 : i32
    %eq3A_247 = arith.constant 0 : i32
    %eq3A_248 = arith.cmpi eq, %jit3A_246, %eq3A_247 : i32
    %jit3A_249 = arith.constant 1 : i32
    %select_n3A_250 = arith.select %eq3A_248, %jit3A_249, %jit3A_246 : i32
    %rem3A_251 = vector.broadcast %select_n3A_250 : i32 to vector<16xi32>
    %rem3A_252 = arith.remsi %add3A_245, %rem3A_251 : vector<16xi32>
    %ne3A_253 = arith.constant 0 : i32
    %ne3A_254 = vector.broadcast %ne3A_253 : i32 to vector<16xi32>
    %ne3A_255 = arith.cmpi ne, %rem3A_252, %ne3A_254 : vector<16xi32>
    %lt3A_256 = arith.constant 0 : i32
    %lt3A_257 = vector.broadcast %lt3A_256 : i32 to vector<16xi32>
    %lt3A_258 = arith.cmpi slt, %rem3A_252, %lt3A_257 : vector<16xi32>
    %lt3A_259 = arith.constant 0 : i32
    %lt3A_260 = arith.cmpi slt, %select_n3A_250, %lt3A_259 : i32
    %ne3A_261 = vector.broadcast %lt3A_260 : i1 to vector<16xi1>
    %ne3A_262 = vector.broadcast %ne3A_261 : vector<16xi1> to vector<16xi1>
    %ne3A_263 = arith.xori %lt3A_258, %ne3A_262 : vector<16xi1>
    %and3A_264 = arith.andi %ne3A_263, %ne3A_255 : vector<16xi1>
    %add3A_265 = vector.broadcast %select_n3A_250 : i32 to vector<16xi32>
    %add3A_266 = arith.addi %rem3A_252, %add3A_265 : vector<16xi32>
    %select_n3A_267 = arith.select %and3A_264, %add3A_266, %rem3A_252 : vector<16xi1>, vector<16xi32>
    %add3A_268 = arith.constant 40 : i32
    %add3A_269 = vector.broadcast %add3A_268 : i32 to vector<16xi32>
    %add3A_270 = arith.addi %iota3A, %add3A_269 : vector<16xi32>
    %jit3A_271 = arith.constant 7 : i32
    %eq3A_272 = arith.constant 0 : i32
    %eq3A_273 = arith.cmpi eq, %jit3A_271, %eq3A_272 : i32
    %jit3A_274 = arith.constant 1 : i32
    %select_n3A_275 = arith.select %eq3A_273, %jit3A_274, %jit3A_271 : i32
    %rem3A_276 = vector.broadcast %select_n3A_275 : i32 to vector<16xi32>
    %rem3A_277 = arith.remsi %add3A_270, %rem3A_276 : vector<16xi32>
    %ne3A_278 = arith.constant 0 : i32
    %ne3A_279 = vector.broadcast %ne3A_278 : i32 to vector<16xi32>
    %ne3A_280 = arith.cmpi ne, %rem3A_277, %ne3A_279 : vector<16xi32>
    %lt3A_281 = arith.constant 0 : i32
    %lt3A_282 = vector.broadcast %lt3A_281 : i32 to vector<16xi32>
    %lt3A_283 = arith.cmpi slt, %rem3A_277, %lt3A_282 : vector<16xi32>
    %lt3A_284 = arith.constant 0 : i32
    %lt3A_285 = arith.cmpi slt, %select_n3A_275, %lt3A_284 : i32
    %ne3A_286 = vector.broadcast %lt3A_285 : i1 to vector<16xi1>
    %ne3A_287 = vector.broadcast %ne3A_286 : vector<16xi1> to vector<16xi1>
    %ne3A_288 = arith.xori %lt3A_283, %ne3A_287 : vector<16xi1>
    %and3A_289 = arith.andi %ne3A_288, %ne3A_280 : vector<16xi1>
    %add3A_290 = vector.broadcast %select_n3A_275 : i32 to vector<16xi32>
    %add3A_291 = arith.addi %rem3A_277, %add3A_290 : vector<16xi32>
    %select_n3A_292 = arith.select %and3A_289, %add3A_291, %rem3A_277 : vector<16xi1>, vector<16xi32>
    %mul3A_293 = arith.constant 0 : i32
    %mul3A_294 = vector.broadcast %mul3A_293 : i32 to vector<16xi32>
    %mul3A_295 = arith.muli %iota3A, %mul3A_294 : vector<16xi32>
    %scan3A = arith.constant 0 : i32
    %scan3A_296 = arith.constant 0 : i32
    %scan3A_297 = arith.constant 16 : i32
    %scan3A_298 = arith.addi %scan3A_296, %scan3A_297 : i32
    %scan3A_299 = arith.constant 1 : i32
    scf.for %scan3A_301 = %scan3A_296 to %scan3A_298 step %scan3A_299  : i32 {
      %add3A_302 = arith.addi %mul3A_2, %scan3A_301 : i32
      %jit3A_303 = arith.constant 256 : i32
      %div3A_304 = arith.divsi %add3A_302, %jit3A_303 : i32
      %sign3A_305 = arith.constant 0 : i32
      %sign3A_306 = arith.cmpi sgt, %add3A_302, %sign3A_305 : i32
      %sign3A_307 = arith.extui %sign3A_306 : i1 to i32
      %sign3A_308 = arith.constant 0 : i32
      %sign3A_309 = arith.cmpi slt, %add3A_302, %sign3A_308 : i32
      %sign3A_310 = arith.extui %sign3A_309 : i1 to i32
      %sign3A_311 = arith.subi %sign3A_307, %sign3A_310 : i32
      %sign3A_312 = arith.constant 0 : i32
      %sign3A_313 = arith.cmpi sgt, %jit3A_303, %sign3A_312 : i32
      %sign3A_314 = arith.extui %sign3A_313 : i1 to i32
      %sign3A_315 = arith.constant 0 : i32
      %sign3A_316 = arith.cmpi slt, %jit3A_303, %sign3A_315 : i32
      %sign3A_317 = arith.extui %sign3A_316 : i1 to i32
      %sign3A_318 = arith.subi %sign3A_314, %sign3A_317 : i32
      %ne3A_319 = arith.cmpi ne, %sign3A_311, %sign3A_318 : i32
      %rem3A_320 = arith.remsi %add3A_302, %jit3A_303 : i32
      %ne3A_321 = arith.constant 0 : i32
      %ne3A_322 = arith.cmpi ne, %rem3A_320, %ne3A_321 : i32
      %and3A_323 = arith.andi %ne3A_319, %ne3A_322 : i1
      %sub3A_324 = arith.constant 1 : i32
      %sub3A_325 = arith.subi %div3A_304, %sub3A_324 : i32
      %select_n3A_326 = arith.select %and3A_323, %sub3A_325, %div3A_304 : i32
      %broadcast_in_dim3A = vector.broadcast %scan3A_301 : i32 to vector<16xi32>
      %gather3A = tpu.vector_load_idx %arg8[%broadcast_in_dim3A, %mul3A_295] : memref<16x4xf32, #tpu.memory_space<vmem>>[vector<16xi32>, vector<16xi32>], vector<16xf32>,
      %add3A_327 = arith.constant 1 : i32
      %add3A_328 = vector.broadcast %add3A_327 : i32 to vector<16xi32>
      %add3A_329 = arith.addi %mul3A_295, %add3A_328 : vector<16xi32>
      %gather3A_330 = tpu.vector_load_idx %arg8[%broadcast_in_dim3A, %add3A_329] : memref<16x4xf32, #tpu.memory_space<vmem>>[vector<16xi32>, vector<16xi32>], vector<16xf32>,
      %add3A_331 = arith.constant 2 : i32
      %add3A_332 = vector.broadcast %add3A_331 : i32 to vector<16xi32>
      %add3A_333 = arith.addi %mul3A_295, %add3A_332 : vector<16xi32>
      %gather3A_334 = tpu.vector_load_idx %arg8[%broadcast_in_dim3A, %add3A_333] : memref<16x4xf32, #tpu.memory_space<vmem>>[vector<16xi32>, vector<16xi32>], vector<16xf32>,
      %add3A_335 = arith.constant 3 : i32
      %add3A_336 = vector.broadcast %add3A_335 : i32 to vector<16xi32>
      %add3A_337 = arith.addi %mul3A_295, %add3A_336 : vector<16xi32>
      %gather3A_338 = tpu.vector_load_idx %arg8[%broadcast_in_dim3A, %add3A_337] : memref<16x4xf32, #tpu.memory_space<vmem>>[vector<16xi32>, vector<16xi32>], vector<16xf32>,
      %sub3A_339 = arith.subf %gather3A_334, %gather3A : vector<16xf32>
      %sub3A_340 = arith.subf %gather3A_338, %gather3A_330 : vector<16xf32>
      %mul3A_341 = arith.mulf %sub3A_339, %sub3A_340 : vector<16xf32>
      %reduce_max3A = arith.constant true
      %reduce_max3A_342 = vector.broadcast %reduce_max3A : i1 to vector<16xi1>
      %reduce_max3A_343 = tpu.scan <max>, %mul3A_341 masked %reduce_max3A_342 : vector<16xf32>, vector<16xi1> -> vector<16xf32>
      %reduce_max3A_344 = vector.extract %reduce_max3A_343[15] : f32 from vector<16xf32>
      %gt3A = arith.constant 0.00598144531 : f32
      %gt3A_345 = arith.cmpf ogt, %reduce_max3A_344, %gt3A : f32
      %convert_element_type3A_346 = arith.extui %gt3A_345 : i1 to i32
      %add3A_347 = arith.constant 2 : i32
      %add3A_348 = arith.addi %add3A_347, %convert_element_type3A_346 : i32
      %ge3A = arith.constant 0.0239257813 : f32
      %ge3A_349 = arith.cmpf oge, %reduce_max3A_344, %ge3A : f32
      %convert_element_type3A_350 = arith.extui %ge3A_349 : i1 to i32
      %add3A_351 = arith.addi %add3A_348, %convert_element_type3A_350 : i32
      %gt3A_352 = arith.constant 0.095703125 : f32
      %gt3A_353 = arith.cmpf ogt, %reduce_max3A_344, %gt3A_352 : f32
      %convert_element_type3A_354 = arith.extui %gt3A_353 : i1 to i32
      %add3A_355 = arith.addi %add3A_351, %convert_element_type3A_354 : i32
      %eq3A_356 = arith.constant 2 : i32
      %eq3A_357 = arith.cmpi eq, %add3A_355, %eq3A_356 : i32
      %convert_element_type3A_358 = arith.extui %eq3A_357 : i1 to i32
      %cond3A = arith.constant 0 : i32
      %cond3A_359 = arith.cmpi ne, %convert_element_type3A_358, %cond3A : i32
      scf.if %cond3A_359 {
        %sub3A_393 = arith.subf %gather3A_334, %gather3A : vector<16xf32>
        %mul3A_394 = arith.mulf %mul3A_7, %sub3A_393 : vector<16xf32>
        %add3A_395 = arith.addf %gather3A, %mul3A_394 : vector<16xf32>
        %mul3A_396 = arith.constant 2.550000e+02 : f32
        %mul3A_397 = vector.broadcast %mul3A_396 : f32 to vector<16xf32>
        %mul3A_398 = arith.mulf %add3A_395, %mul3A_397 : vector<16xf32>
        %sub3A_399 = arith.subf %gather3A_338, %gather3A_330 : vector<16xf32>
        %mul3A_400 = arith.mulf %mul3A_7, %sub3A_399 : vector<16xf32>
        %add3A_401 = arith.addf %gather3A_330, %mul3A_400 : vector<16xf32>
        %mul3A_402 = arith.constant 2.550000e+02 : f32
        %mul3A_403 = vector.broadcast %mul3A_402 : f32 to vector<16xf32>
        %mul3A_404 = arith.mulf %add3A_401, %mul3A_403 : vector<16xf32>
        %convert_element_type3A_405 = arith.fptosi %mul3A_398 : vector<16xf32> to vector<16xi32>
        %convert_element_type3A_406 = arith.fptosi %mul3A_404 : vector<16xf32> to vector<16xi32>
        %convert_element_type3A_407 = arith.sitofp %convert_element_type3A_405 : vector<16xi32> to vector<16xf32>
        %sub3A_408 = arith.subf %mul3A_398, %convert_element_type3A_407 : vector<16xf32>
        %convert_element_type3A_409 = arith.sitofp %convert_element_type3A_406 : vector<16xi32> to vector<16xf32>
        %sub3A_410 = arith.subf %mul3A_404, %convert_element_type3A_409 : vector<16xf32>
        %add3A_411 = arith.constant 1 : i32
        %add3A_412 = vector.broadcast %add3A_411 : i32 to vector<16xi32>
        %add3A_413 = arith.addi %convert_element_type3A_405, %add3A_412 : vector<16xi32>
        %min3A_414 = arith.constant 255 : i32
        %min3A_415 = vector.broadcast %min3A_414 : i32 to vector<16xi32>
        %min3A_416 = arith.minsi %add3A_413, %min3A_415 : vector<16xi32>
        %add3A_417 = arith.constant 1 : i32
        %add3A_418 = vector.broadcast %add3A_417 : i32 to vector<16xi32>
        %add3A_419 = arith.addi %convert_element_type3A_406, %add3A_418 : vector<16xi32>
        %min3A_420 = arith.constant 255 : i32
        %min3A_421 = vector.broadcast %min3A_420 : i32 to vector<16xi32>
        %min3A_422 = arith.minsi %add3A_419, %min3A_421 : vector<16xi32>
        %swap3A = arith.constant 0 : index
        %swap3A_423 = tpu.vector_load %arg9[%swap3A] {strides = array<i32>} : memref<16xi32, #tpu.memory_space<vmem>>, vector<16xi32>,
        tpu.vector_store %arg9[%swap3A], %convert_element_type3A_405 {strides = array<i32>} : memref<16xi32, #tpu.memory_space<vmem>>, vector<16xi32>,
        %swap3A_424 = arith.constant 0 : index
        %swap3A_425 = tpu.vector_load %arg10[%swap3A_424] {strides = array<i32>} : memref<16xi32, #tpu.memory_space<vmem>>, vector<16xi32>,
        tpu.vector_store %arg10[%swap3A_424], %min3A_416 {strides = array<i32>} : memref<16xi32, #tpu.memory_space<vmem>>, vector<16xi32>,
        %swap3A_426 = arith.constant 0 : index
        %swap3A_427 = tpu.vector_load %arg11[%swap3A_426] {strides = array<i32>} : memref<16xi32, #tpu.memory_space<vmem>>, vector<16xi32>,
        tpu.vector_store %arg11[%swap3A_426], %convert_element_type3A_406 {strides = array<i32>} : memref<16xi32, #tpu.memory_space<vmem>>, vector<16xi32>,
        %swap3A_428 = arith.constant 0 : index
        %swap3A_429 = tpu.vector_load %arg12[%swap3A_428] {strides = array<i32>} : memref<16xi32, #tpu.memory_space<vmem>>, vector<16xi32>,
        tpu.vector_store %arg12[%swap3A_428], %min3A_422 {strides = array<i32>} : memref<16xi32, #tpu.memory_space<vmem>>, vector<16xi32>,
        %swap3A_430 = arith.constant 0 : index
        %swap3A_431 = tpu.vector_load %arg13[%swap3A_430] {strides = array<i32>} : memref<16xf32, #tpu.memory_space<vmem>>, vector<16xf32>,
        tpu.vector_store %arg13[%swap3A_430], %sub3A_408 {strides = array<i32>} : memref<16xf32, #tpu.memory_space<vmem>>, vector<16xf32>,
        %swap3A_432 = arith.constant 0 : index
        %swap3A_433 = tpu.vector_load %arg14[%swap3A_432] {strides = array<i32>} : memref<16xf32, #tpu.memory_space<vmem>>, vector<16xf32>,
        tpu.vector_store %arg14[%swap3A_432], %sub3A_410 {strides = array<i32>} : memref<16xf32, #tpu.memory_space<vmem>>, vector<16xf32>,
        %mul3A_434 = arith.constant 65536 : i32
        %mul3A_435 = arith.muli %select_n3A_326, %mul3A_434 : i32
        %broadcast_in_dim3A_436 = vector.broadcast %mul3A_435 : i32 to vector<16xi32>
        %gather3A_437 = tpu.vector_load_idx %arg9[%select_n3A] : memref<16xi32, #tpu.memory_space<vmem>>[vector<16xi32>], vector<16xi32>,
        %gather3A_438 = tpu.vector_load_idx %arg10[%select_n3A] : memref<16xi32, #tpu.memory_space<vmem>>[vector<16xi32>], vector<16xi32>,
        %gather3A_439 = tpu.vector_load_idx %arg11[%select_n3A_192] : memref<16xi32, #tpu.memory_space<vmem>>[vector<16xi32>], vector<16xi32>,
        %gather3A_440 = tpu.vector_load_idx %arg13[%select_n3A] : memref<16xf32, #tpu.memory_space<vmem>>[vector<16xi32>], vector<16xf32>,
        %swap3A_441 = arith.constant 0 : index
        %swap3A_442 = tpu.vector_load %arg15[%swap3A_441] {strides = array<i32>} : memref<64xf32, #tpu.memory_space<vmem>>, vector<16xf32>,
        tpu.vector_store %arg15[%swap3A_441], %gather3A_440 {strides = array<i32>} : memref<64xf32, #tpu.memory_space<vmem>>, vector<16xf32>,
        %gather3A_443 = tpu.vector_load_idx %arg14[%select_n3A_192] : memref<16xf32, #tpu.memory_space<vmem>>[vector<16xi32>], vector<16xf32>,
        %swap3A_444 = arith.constant 0 : index
        %swap3A_445 = tpu.vector_load %arg16[%swap3A_444] {strides = array<i32>} : memref<64xf32, #tpu.memory_space<vmem>>, vector<16xf32>,
        tpu.vector_store %arg16[%swap3A_444], %gather3A_443 {strides = array<i32>} : memref<64xf32, #tpu.memory_space<vmem>>, vector<16xf32>,
        %mul3A_446 = arith.constant 256 : i32
        %mul3A_447 = vector.broadcast %mul3A_446 : i32 to vector<16xi32>
        %mul3A_448 = arith.muli %gather3A_437, %mul3A_447 : vector<16xi32>
        %add3A_449 = arith.addi %broadcast_in_dim3A_436, %mul3A_448 : vector<16xi32>
        %add3A_450 = arith.addi %add3A_449, %gather3A_439 : vector<16xi32>
        %swap3A_451 = arith.constant 0 : index
        %swap3A_452 = tpu.vector_load %arg19[%swap3A_451] {strides = array<i32>} : memref<112xi32, #tpu.memory_space<vmem>>, vector<16xi32>,
        tpu.vector_store %arg19[%swap3A_451], %add3A_450 {strides = array<i32>} : memref<112xi32, #tpu.memory_space<vmem>>, vector<16xi32>,
        %mul3A_453 = arith.constant 256 : i32
        %mul3A_454 = vector.broadcast %mul3A_453 : i32 to vector<16xi32>
        %mul3A_455 = arith.muli %gather3A_438, %mul3A_454 : vector<16xi32>
        %add3A_456 = arith.addi %broadcast_in_dim3A_436, %mul3A_455 : vector<16xi32>
        %add3A_457 = arith.addi %add3A_456, %gather3A_439 : vector<16xi32>
        %swap3A_458 = arith.constant 0 : index
        %swap3A_459 = tpu.vector_load %arg20[%swap3A_458] {strides = array<i32>} : memref<112xi32, #tpu.memory_space<vmem>>, vector<16xi32>,
        tpu.vector_store %arg20[%swap3A_458], %add3A_457 {strides = array<i32>} : memref<112xi32, #tpu.memory_space<vmem>>, vector<16xi32>,
        %gather3A_460 = tpu.vector_load_idx %arg9[%select_n3A_67] : memref<16xi32, #tpu.memory_space<vmem>>[vector<16xi32>], vector<16xi32>,
        %gather3A_461 = tpu.vector_load_idx %arg10[%select_n3A_67] : memref<16xi32, #tpu.memory_space<vmem>>[vector<16xi32>], vector<16xi32>,
        %gather3A_462 = tpu.vector_load_idx %arg11[%select_n3A_217] : memref<16xi32, #tpu.memory_space<vmem>>[vector<16xi32>], vector<16xi32>,
        %gather3A_463 = tpu.vector_load_idx %arg13[%select_n3A_67] : memref<16xf32, #tpu.memory_space<vmem>>[vector<16xi32>], vector<16xf32>,
        %swap3A_464 = arith.constant 16 : index
        %swap3A_465 = tpu.vector_load %arg15[%swap3A_464] {strides = array<i32>} : memref<64xf32, #tpu.memory_space<vmem>>, vector<16xf32>,
        tpu.vector_store %arg15[%swap3A_464], %gather3A_463 {strides = array<i32>} : memref<64xf32, #tpu.memory_space<vmem>>, vector<16xf32>,
        %gather3A_466 = tpu.vector_load_idx %arg14[%select_n3A_217] : memref<16xf32, #tpu.memory_space<vmem>>[vector<16xi32>], vector<16xf32>,
        %swap3A_467 = arith.constant 16 : index
        %swap3A_468 = tpu.vector_load %arg16[%swap3A_467] {strides = array<i32>} : memref<64xf32, #tpu.memory_space<vmem>>, vector<16xf32>,
        tpu.vector_store %arg16[%swap3A_467], %gather3A_466 {strides = array<i32>} : memref<64xf32, #tpu.memory_space<vmem>>, vector<16xf32>,
        %mul3A_469 = arith.constant 256 : i32
        %mul3A_470 = vector.broadcast %mul3A_469 : i32 to vector<16xi32>
        %mul3A_471 = arith.muli %gather3A_460, %mul3A_470 : vector<16xi32>
        %add3A_472 = arith.addi %broadcast_in_dim3A_436, %mul3A_471 : vector<16xi32>
        %add3A_473 = arith.addi %add3A_472, %gather3A_462 : vector<16xi32>
        %swap3A_474 = arith.constant 16 : index
        %swap3A_475 = tpu.vector_load %arg19[%swap3A_474] {strides = array<i32>} : memref<112xi32, #tpu.memory_space<vmem>>, vector<16xi32>,
        tpu.vector_store %arg19[%swap3A_474], %add3A_473 {strides = array<i32>} : memref<112xi32, #tpu.memory_space<vmem>>, vector<16xi32>,
        %mul3A_476 = arith.constant 256 : i32
        %mul3A_477 = vector.broadcast %mul3A_476 : i32 to vector<16xi32>
        %mul3A_478 = arith.muli %gather3A_461, %mul3A_477 : vector<16xi32>
        %add3A_479 = arith.addi %broadcast_in_dim3A_436, %mul3A_478 : vector<16xi32>
        %add3A_480 = arith.addi %add3A_479, %gather3A_462 : vector<16xi32>
        %swap3A_481 = arith.constant 16 : index
        %swap3A_482 = tpu.vector_load %arg20[%swap3A_481] {strides = array<i32>} : memref<112xi32, #tpu.memory_space<vmem>>, vector<16xi32>,
        tpu.vector_store %arg20[%swap3A_481], %add3A_480 {strides = array<i32>} : memref<112xi32, #tpu.memory_space<vmem>>, vector<16xi32>,
        %gather3A_483 = tpu.vector_load_idx %arg9[%select_n3A_101] : memref<16xi32, #tpu.memory_space<vmem>>[vector<16xi32>], vector<16xi32>,
        %gather3A_484 = tpu.vector_load_idx %arg10[%select_n3A_101] : memref<16xi32, #tpu.memory_space<vmem>>[vector<16xi32>], vector<16xi32>,
        %gather3A_485 = tpu.vector_load_idx %arg11[%select_n3A_242] : memref<16xi32, #tpu.memory_space<vmem>>[vector<16xi32>], vector<16xi32>,
        %gather3A_486 = tpu.vector_load_idx %arg13[%select_n3A_101] : memref<16xf32, #tpu.memory_space<vmem>>[vector<16xi32>], vector<16xf32>,
        %swap3A_487 = arith.constant 32 : index
        %swap3A_488 = tpu.vector_load %arg15[%swap3A_487] {strides = array<i32>} : memref<64xf32, #tpu.memory_space<vmem>>, vector<16xf32>,
        tpu.vector_store %arg15[%swap3A_487], %gather3A_486 {strides = array<i32>} : memref<64xf32, #tpu.memory_space<vmem>>, vector<16xf32>,
        %gather3A_489 = tpu.vector_load_idx %arg14[%select_n3A_242] : memref<16xf32, #tpu.memory_space<vmem>>[vector<16xi32>], vector<16xf32>,
        %swap3A_490 = arith.constant 32 : index
        %swap3A_491 = tpu.vector_load %arg16[%swap3A_490] {strides = array<i32>} : memref<64xf32, #tpu.memory_space<vmem>>, vector<16xf32>,
        tpu.vector_store %arg16[%swap3A_490], %gather3A_489 {strides = array<i32>} : memref<64xf32, #tpu.memory_space<vmem>>, vector<16xf32>,
        %mul3A_492 = arith.constant 256 : i32
        %mul3A_493 = vector.broadcast %mul3A_492 : i32 to vector<16xi32>
        %mul3A_494 = arith.muli %gather3A_483, %mul3A_493 : vector<16xi32>
        %add3A_495 = arith.addi %broadcast_in_dim3A_436, %mul3A_494 : vector<16xi32>
        %add3A_496 = arith.addi %add3A_495, %gather3A_485 : vector<16xi32>
        %swap3A_497 = arith.constant 32 : index
        %swap3A_498 = tpu.vector_load %arg19[%swap3A_497] {strides = array<i32>} : memref<112xi32, #tpu.memory_space<vmem>>, vector<16xi32>,
        tpu.vector_store %arg19[%swap3A_497], %add3A_496 {strides = array<i32>} : memref<112xi32, #tpu.memory_space<vmem>>, vector<16xi32>,
        %mul3A_499 = arith.constant 256 : i32
        %mul3A_500 = vector.broadcast %mul3A_499 : i32 to vector<16xi32>
        %mul3A_501 = arith.muli %gather3A_484, %mul3A_500 : vector<16xi32>
        %add3A_502 = arith.addi %broadcast_in_dim3A_436, %mul3A_501 : vector<16xi32>
        %add3A_503 = arith.addi %add3A_502, %gather3A_485 : vector<16xi32>
        %swap3A_504 = arith.constant 32 : index
        %swap3A_505 = tpu.vector_load %arg20[%swap3A_504] {strides = array<i32>} : memref<112xi32, #tpu.memory_space<vmem>>, vector<16xi32>,
        tpu.vector_store %arg20[%swap3A_504], %add3A_503 {strides = array<i32>} : memref<112xi32, #tpu.memory_space<vmem>>, vector<16xi32>,
        %gather3A_506 = tpu.vector_load_idx %arg9[%select_n3A_135] : memref<16xi32, #tpu.memory_space<vmem>>[vector<16xi32>], vector<16xi32>,
        %gather3A_507 = tpu.vector_load_idx %arg10[%select_n3A_135] : memref<16xi32, #tpu.memory_space<vmem>>[vector<16xi32>], vector<16xi32>,
        %gather3A_508 = tpu.vector_load_idx %arg11[%select_n3A_267] : memref<16xi32, #tpu.memory_space<vmem>>[vector<16xi32>], vector<16xi32>,
        %gather3A_509 = tpu.vector_load_idx %arg13[%select_n3A_135] : memref<16xf32, #tpu.memory_space<vmem>>[vector<16xi32>], vector<16xf32>,
        %swap3A_510 = arith.constant 48 : index
        %swap3A_511 = tpu.vector_load %arg15[%swap3A_510] {strides = array<i32>} : memref<64xf32, #tpu.memory_space<vmem>>, vector<16xf32>,
        tpu.vector_store %arg15[%swap3A_510], %gather3A_509 {strides = array<i32>} : memref<64xf32, #tpu.memory_space<vmem>>, vector<16xf32>,
        %gather3A_512 = tpu.vector_load_idx %arg14[%select_n3A_267] : memref<16xf32, #tpu.memory_space<vmem>>[vector<16xi32>], vector<16xf32>,
        %swap3A_513 = arith.constant 48 : index
        %swap3A_514 = tpu.vector_load %arg16[%swap3A_513] {strides = array<i32>} : memref<64xf32, #tpu.memory_space<vmem>>, vector<16xf32>,
        tpu.vector_store %arg16[%swap3A_513], %gather3A_512 {strides = array<i32>} : memref<64xf32, #tpu.memory_space<vmem>>, vector<16xf32>,
        %mul3A_515 = arith.constant 256 : i32
        %mul3A_516 = vector.broadcast %mul3A_515 : i32 to vector<16xi32>
        %mul3A_517 = arith.muli %gather3A_506, %mul3A_516 : vector<16xi32>
        %add3A_518 = arith.addi %broadcast_in_dim3A_436, %mul3A_517 : vector<16xi32>
        %add3A_519 = arith.addi %add3A_518, %gather3A_508 : vector<16xi32>
        %swap3A_520 = arith.constant 48 : index
        %swap3A_521 = tpu.vector_load %arg19[%swap3A_520] {strides = array<i32>} : memref<112xi32, #tpu.memory_space<vmem>>, vector<16xi32>,
        tpu.vector_store %arg19[%swap3A_520], %add3A_519 {strides = array<i32>} : memref<112xi32, #tpu.memory_space<vmem>>, vector<16xi32>,
        %mul3A_522 = arith.constant 256 : i32
        %mul3A_523 = vector.broadcast %mul3A_522 : i32 to vector<16xi32>
        %mul3A_524 = arith.muli %gather3A_507, %mul3A_523 : vector<16xi32>
        %add3A_525 = arith.addi %broadcast_in_dim3A_436, %mul3A_524 : vector<16xi32>
        %add3A_526 = arith.addi %add3A_525, %gather3A_508 : vector<16xi32>
        %swap3A_527 = arith.constant 48 : index
        %swap3A_528 = tpu.vector_load %arg20[%swap3A_527] {strides = array<i32>} : memref<112xi32, #tpu.memory_space<vmem>>, vector<16xi32>,
        tpu.vector_store %arg20[%swap3A_527], %add3A_526 {strides = array<i32>} : memref<112xi32, #tpu.memory_space<vmem>>, vector<16xi32>,
        %gather3A_529 = tpu.vector_load_idx %arg12[%select_n3A_192] : memref<16xi32, #tpu.memory_space<vmem>>[vector<16xi32>], vector<16xi32>,
        %mul3A_530 = arith.constant 256 : i32
        %mul3A_531 = vector.broadcast %mul3A_530 : i32 to vector<16xi32>
        %mul3A_532 = arith.muli %gather3A_437, %mul3A_531 : vector<16xi32>
        %add3A_533 = arith.addi %broadcast_in_dim3A_436, %mul3A_532 : vector<16xi32>
        %add3A_534 = arith.addi %add3A_533, %gather3A_529 : vector<16xi32>
        %swap3A_535 = arith.constant 56 : index
        %swap3A_536 = tpu.vector_load %arg19[%swap3A_535] {strides = array<i32>} : memref<112xi32, #tpu.memory_space<vmem>>, vector<16xi32>,
        tpu.vector_store %arg19[%swap3A_535], %add3A_534 {strides = array<i32>} : memref<112xi32, #tpu.memory_space<vmem>>, vector<16xi32>,
        %mul3A_537 = arith.constant 256 : i32
        %mul3A_538 = vector.broadcast %mul3A_537 : i32 to vector<16xi32>
        %mul3A_539 = arith.muli %gather3A_438, %mul3A_538 : vector<16xi32>
        %add3A_540 = arith.addi %broadcast_in_dim3A_436, %mul3A_539 : vector<16xi32>
        %add3A_541 = arith.addi %add3A_540, %gather3A_529 : vector<16xi32>
        %swap3A_542 = arith.constant 56 : index
        %swap3A_543 = tpu.vector_load %arg20[%swap3A_542] {strides = array<i32>} : memref<112xi32, #tpu.memory_space<vmem>>, vector<16xi32>,
        tpu.vector_store %arg20[%swap3A_542], %add3A_541 {strides = array<i32>} : memref<112xi32, #tpu.memory_space<vmem>>, vector<16xi32>,
        %gather3A_544 = tpu.vector_load_idx %arg12[%select_n3A_217] : memref<16xi32, #tpu.memory_space<vmem>>[vector<16xi32>], vector<16xi32>,
        %mul3A_545 = arith.constant 256 : i32
        %mul3A_546 = vector.broadcast %mul3A_545 : i32 to vector<16xi32>
        %mul3A_547 = arith.muli %gather3A_460, %mul3A_546 : vector<16xi32>
        %add3A_548 = arith.addi %broadcast_in_dim3A_436, %mul3A_547 : vector<16xi32>
        %add3A_549 = arith.addi %add3A_548, %gather3A_544 : vector<16xi32>
        %swap3A_550 = arith.constant 72 : index
        %swap3A_551 = tpu.vector_load %arg19[%swap3A_550] {strides = array<i32>} : memref<112xi32, #tpu.memory_space<vmem>>, vector<16xi32>,
        tpu.vector_store %arg19[%swap3A_550], %add3A_549 {strides = array<i32>} : memref<112xi32, #tpu.memory_space<vmem>>, vector<16xi32>,
        %mul3A_552 = arith.constant 256 : i32
        %mul3A_553 = vector.broadcast %mul3A_552 : i32 to vector<16xi32>
        %mul3A_554 = arith.muli %gather3A_461, %mul3A_553 : vector<16xi32>
        %add3A_555 = arith.addi %broadcast_in_dim3A_436, %mul3A_554 : vector<16xi32>
        %add3A_556 = arith.addi %add3A_555, %gather3A_544 : vector<16xi32>
        %swap3A_557 = arith.constant 72 : index
        %swap3A_558 = tpu.vector_load %arg20[%swap3A_557] {strides = array<i32>} : memref<112xi32, #tpu.memory_space<vmem>>, vector<16xi32>,
        tpu.vector_store %arg20[%swap3A_557], %add3A_556 {strides = array<i32>} : memref<112xi32, #tpu.memory_space<vmem>>, vector<16xi32>,
        %gather3A_559 = tpu.vector_load_idx %arg12[%select_n3A_242] : memref<16xi32, #tpu.memory_space<vmem>>[vector<16xi32>], vector<16xi32>,
        %mul3A_560 = arith.constant 256 : i32
        %mul3A_561 = vector.broadcast %mul3A_560 : i32 to vector<16xi32>
        %mul3A_562 = arith.muli %gather3A_483, %mul3A_561 : vector<16xi32>
        %add3A_563 = arith.addi %broadcast_in_dim3A_436, %mul3A_562 : vector<16xi32>
        %add3A_564 = arith.addi %add3A_563, %gather3A_559 : vector<16xi32>
        %swap3A_565 = arith.constant 88 : index
        %swap3A_566 = tpu.vector_load %arg19[%swap3A_565] {strides = array<i32>} : memref<112xi32, #tpu.memory_space<vmem>>, vector<16xi32>,
        tpu.vector_store %arg19[%swap3A_565], %add3A_564 {strides = array<i32>} : memref<112xi32, #tpu.memory_space<vmem>>, vector<16xi32>,
        %mul3A_567 = arith.constant 256 : i32
        %mul3A_568 = vector.broadcast %mul3A_567 : i32 to vector<16xi32>
        %mul3A_569 = arith.muli %gather3A_484, %mul3A_568 : vector<16xi32>
        %add3A_570 = arith.addi %broadcast_in_dim3A_436, %mul3A_569 : vector<16xi32>
        %add3A_571 = arith.addi %add3A_570, %gather3A_559 : vector<16xi32>
        %swap3A_572 = arith.constant 88 : index
        %swap3A_573 = tpu.vector_load %arg20[%swap3A_572] {strides = array<i32>} : memref<112xi32, #tpu.memory_space<vmem>>, vector<16xi32>,
        tpu.vector_store %arg20[%swap3A_572], %add3A_571 {strides = array<i32>} : memref<112xi32, #tpu.memory_space<vmem>>, vector<16xi32>,
        %gather3A_574 = tpu.vector_load_idx %arg9[%select_n3A_169] : memref<16xi32, #tpu.memory_space<vmem>>[vector<16xi32>], vector<16xi32>,
        %gather3A_575 = tpu.vector_load_idx %arg10[%select_n3A_169] : memref<16xi32, #tpu.memory_space<vmem>>[vector<16xi32>], vector<16xi32>,
        %gather3A_576 = tpu.vector_load_idx %arg12[%select_n3A_292] : memref<16xi32, #tpu.memory_space<vmem>>[vector<16xi32>], vector<16xi32>,
        %mul3A_577 = arith.constant 256 : i32
        %mul3A_578 = vector.broadcast %mul3A_577 : i32 to vector<16xi32>
        %mul3A_579 = arith.muli %gather3A_574, %mul3A_578 : vector<16xi32>
        %add3A_580 = arith.addi %broadcast_in_dim3A_436, %mul3A_579 : vector<16xi32>
        %add3A_581 = arith.addi %add3A_580, %gather3A_576 : vector<16xi32>
        %swap3A_582 = arith.constant 96 : index
        %swap3A_583 = tpu.vector_load %arg19[%swap3A_582] {strides = array<i32>} : memref<112xi32, #tpu.memory_space<vmem>>, vector<16xi32>,
        tpu.vector_store %arg19[%swap3A_582], %add3A_581 {strides = array<i32>} : memref<112xi32, #tpu.memory_space<vmem>>, vector<16xi32>,
        %mul3A_584 = arith.constant 256 : i32
        %mul3A_585 = vector.broadcast %mul3A_584 : i32 to vector<16xi32>
        %mul3A_586 = arith.muli %gather3A_575, %mul3A_585 : vector<16xi32>
        %add3A_587 = arith.addi %broadcast_in_dim3A_436, %mul3A_586 : vector<16xi32>
        %add3A_588 = arith.addi %add3A_587, %gather3A_576 : vector<16xi32>
        %swap3A_589 = arith.constant 96 : index
        %swap3A_590 = tpu.vector_load %arg20[%swap3A_589] {strides = array<i32>} : memref<112xi32, #tpu.memory_space<vmem>>, vector<16xi32>,
        tpu.vector_store %arg20[%swap3A_589], %add3A_588 {strides = array<i32>} : memref<112xi32, #tpu.memory_space<vmem>>, vector<16xi32>,
        %dma_start3A = arith.constant 0 : i32
        %dma_start3A_591 = arith.constant 0 : i32
        %dma_start3A_592 = tpu.memref_slice %arg3[%dma_start3A, %dma_start3A_591] : memref<131072x256xf32, #tpu.memory_space<hbm>> -> memref<131072x256xf32, #tpu.memory_space<hbm>>
        tpu.enqueue_indirect_dma source(%dma_start3A_592 : memref<131072x256xf32, #tpu.memory_space<hbm>>) target(%arg23 : memref<112x256xf32, #tpu.memory_space<vmem>>) offsets(%arg19 : memref<112xi32, #tpu.memory_space<vmem>>) semaphore(%arg27 : memref<!tpu.dma_semaphore, #tpu.memory_space<semaphore_mem>>)
        %dma_start3A_593 = arith.constant 0 : i32
        %dma_start3A_594 = arith.constant 0 : i32
        %dma_start3A_595 = tpu.memref_slice %arg3[%dma_start3A_593, %dma_start3A_594] : memref<131072x256xf32, #tpu.memory_space<hbm>> -> memref<131072x256xf32, #tpu.memory_space<hbm>>
        tpu.enqueue_indirect_dma source(%dma_start3A_595 : memref<131072x256xf32, #tpu.memory_space<hbm>>) target(%arg24 : memref<112x256xf32, #tpu.memory_space<vmem>>) offsets(%arg20 : memref<112xi32, #tpu.memory_space<vmem>>) semaphore(%arg27 : memref<!tpu.dma_semaphore, #tpu.memory_space<semaphore_mem>>)
      } else {
      }
      %eq3A_360 = arith.constant 3 : i32
      %eq3A_361 = arith.cmpi eq, %add3A_355, %eq3A_360 : i32
      %convert_element_type3A_362 = arith.extui %eq3A_361 : i1 to i32
      %cond3A_363 = arith.constant 0 : i32
      %cond3A_364 = arith.cmpi ne, %convert_element_type3A_362, %cond3A_363 : i32
      scf.if %cond3A_364 {
        %sub3A_393 = arith.subf %gather3A_334, %gather3A : vector<16xf32>
        %mul3A_394 = arith.mulf %mul3A_7, %sub3A_393 : vector<16xf32>
        %add3A_395 = arith.addf %gather3A, %mul3A_394 : vector<16xf32>
        %mul3A_396 = arith.constant 1.270000e+02 : f32
        %mul3A_397 = vector.broadcast %mul3A_396 : f32 to vector<16xf32>
        %mul3A_398 = arith.mulf %add3A_395, %mul3A_397 : vector<16xf32>
        %sub3A_399 = arith.subf %gather3A_338, %gather3A_330 : vector<16xf32>
        %mul3A_400 = arith.mulf %mul3A_7, %sub3A_399 : vector<16xf32>
        %add3A_401 = arith.addf %gather3A_330, %mul3A_400 : vector<16xf32>
        %mul3A_402 = arith.constant 1.270000e+02 : f32
        %mul3A_403 = vector.broadcast %mul3A_402 : f32 to vector<16xf32>
        %mul3A_404 = arith.mulf %add3A_401, %mul3A_403 : vector<16xf32>
        %convert_element_type3A_405 = arith.fptosi %mul3A_398 : vector<16xf32> to vector<16xi32>
        %convert_element_type3A_406 = arith.fptosi %mul3A_404 : vector<16xf32> to vector<16xi32>
        %convert_element_type3A_407 = arith.sitofp %convert_element_type3A_405 : vector<16xi32> to vector<16xf32>
        %sub3A_408 = arith.subf %mul3A_398, %convert_element_type3A_407 : vector<16xf32>
        %convert_element_type3A_409 = arith.sitofp %convert_element_type3A_406 : vector<16xi32> to vector<16xf32>
        %sub3A_410 = arith.subf %mul3A_404, %convert_element_type3A_409 : vector<16xf32>
        %add3A_411 = arith.constant 1 : i32
        %add3A_412 = vector.broadcast %add3A_411 : i32 to vector<16xi32>
        %add3A_413 = arith.addi %convert_element_type3A_405, %add3A_412 : vector<16xi32>
        %min3A_414 = arith.constant 127 : i32
        %min3A_415 = vector.broadcast %min3A_414 : i32 to vector<16xi32>
        %min3A_416 = arith.minsi %add3A_413, %min3A_415 : vector<16xi32>
        %add3A_417 = arith.constant 1 : i32
        %add3A_418 = vector.broadcast %add3A_417 : i32 to vector<16xi32>
        %add3A_419 = arith.addi %convert_element_type3A_406, %add3A_418 : vector<16xi32>
        %min3A_420 = arith.constant 127 : i32
        %min3A_421 = vector.broadcast %min3A_420 : i32 to vector<16xi32>
        %min3A_422 = arith.minsi %add3A_419, %min3A_421 : vector<16xi32>
        %swap3A = arith.constant 0 : index
        %swap3A_423 = tpu.vector_load %arg9[%swap3A] {strides = array<i32>} : memref<16xi32, #tpu.memory_space<vmem>>, vector<16xi32>,
        tpu.vector_store %arg9[%swap3A], %convert_element_type3A_405 {strides = array<i32>} : memref<16xi32, #tpu.memory_space<vmem>>, vector<16xi32>,
        %swap3A_424 = arith.constant 0 : index
        %swap3A_425 = tpu.vector_load %arg10[%swap3A_424] {strides = array<i32>} : memref<16xi32, #tpu.memory_space<vmem>>, vector<16xi32>,
        tpu.vector_store %arg10[%swap3A_424], %min3A_416 {strides = array<i32>} : memref<16xi32, #tpu.memory_space<vmem>>, vector<16xi32>,
        %swap3A_426 = arith.constant 0 : index
        %swap3A_427 = tpu.vector_load %arg11[%swap3A_426] {strides = array<i32>} : memref<16xi32, #tpu.memory_space<vmem>>, vector<16xi32>,
        tpu.vector_store %arg11[%swap3A_426], %convert_element_type3A_406 {strides = array<i32>} : memref<16xi32, #tpu.memory_space<vmem>>, vector<16xi32>,
        %swap3A_428 = arith.constant 0 : index
        %swap3A_429 = tpu.vector_load %arg12[%swap3A_428] {strides = array<i32>} : memref<16xi32, #tpu.memory_space<vmem>>, vector<16xi32>,
        tpu.vector_store %arg12[%swap3A_428], %min3A_422 {strides = array<i32>} : memref<16xi32, #tpu.memory_space<vmem>>, vector<16xi32>,
        %swap3A_430 = arith.constant 0 : index
        %swap3A_431 = tpu.vector_load %arg13[%swap3A_430] {strides = array<i32>} : memref<16xf32, #tpu.memory_space<vmem>>, vector<16xf32>,
        tpu.vector_store %arg13[%swap3A_430], %sub3A_408 {strides = array<i32>} : memref<16xf32, #tpu.memory_space<vmem>>, vector<16xf32>,
        %swap3A_432 = arith.constant 0 : index
        %swap3A_433 = tpu.vector_load %arg14[%swap3A_432] {strides = array<i32>} : memref<16xf32, #tpu.memory_space<vmem>>, vector<16xf32>,
        tpu.vector_store %arg14[%swap3A_432], %sub3A_410 {strides = array<i32>} : memref<16xf32, #tpu.memory_space<vmem>>, vector<16xf32>,
        %mul3A_434 = arith.constant 16384 : i32
        %mul3A_435 = arith.muli %select_n3A_326, %mul3A_434 : i32
        %broadcast_in_dim3A_436 = vector.broadcast %mul3A_435 : i32 to vector<16xi32>
        %gather3A_437 = tpu.vector_load_idx %arg9[%select_n3A] : memref<16xi32, #tpu.memory_space<vmem>>[vector<16xi32>], vector<16xi32>,
        %gather3A_438 = tpu.vector_load_idx %arg10[%select_n3A] : memref<16xi32, #tpu.memory_space<vmem>>[vector<16xi32>], vector<16xi32>,
        %gather3A_439 = tpu.vector_load_idx %arg11[%select_n3A_192] : memref<16xi32, #tpu.memory_space<vmem>>[vector<16xi32>], vector<16xi32>,
        %gather3A_440 = tpu.vector_load_idx %arg13[%select_n3A] : memref<16xf32, #tpu.memory_space<vmem>>[vector<16xi32>], vector<16xf32>,
        %swap3A_441 = arith.constant 0 : index
        %swap3A_442 = tpu.vector_load %arg15[%swap3A_441] {strides = array<i32>} : memref<64xf32, #tpu.memory_space<vmem>>, vector<16xf32>,
        tpu.vector_store %arg15[%swap3A_441], %gather3A_440 {strides = array<i32>} : memref<64xf32, #tpu.memory_space<vmem>>, vector<16xf32>,
        %gather3A_443 = tpu.vector_load_idx %arg14[%select_n3A_192] : memref<16xf32, #tpu.memory_space<vmem>>[vector<16xi32>], vector<16xf32>,
        %swap3A_444 = arith.constant 0 : index
        %swap3A_445 = tpu.vector_load %arg16[%swap3A_444] {strides = array<i32>} : memref<64xf32, #tpu.memory_space<vmem>>, vector<16xf32>,
        tpu.vector_store %arg16[%swap3A_444], %gather3A_443 {strides = array<i32>} : memref<64xf32, #tpu.memory_space<vmem>>, vector<16xf32>,
        %mul3A_446 = arith.constant 128 : i32
        %mul3A_447 = vector.broadcast %mul3A_446 : i32 to vector<16xi32>
        %mul3A_448 = arith.muli %gather3A_437, %mul3A_447 : vector<16xi32>
        %add3A_449 = arith.addi %broadcast_in_dim3A_436, %mul3A_448 : vector<16xi32>
        %add3A_450 = arith.addi %add3A_449, %gather3A_439 : vector<16xi32>
        %swap3A_451 = arith.constant 0 : index
        %swap3A_452 = tpu.vector_load %arg19[%swap3A_451] {strides = array<i32>} : memref<112xi32, #tpu.memory_space<vmem>>, vector<16xi32>,
        tpu.vector_store %arg19[%swap3A_451], %add3A_450 {strides = array<i32>} : memref<112xi32, #tpu.memory_space<vmem>>, vector<16xi32>,
        %mul3A_453 = arith.constant 128 : i32
        %mul3A_454 = vector.broadcast %mul3A_453 : i32 to vector<16xi32>
        %mul3A_455 = arith.muli %gather3A_438, %mul3A_454 : vector<16xi32>
        %add3A_456 = arith.addi %broadcast_in_dim3A_436, %mul3A_455 : vector<16xi32>
        %add3A_457 = arith.addi %add3A_456, %gather3A_439 : vector<16xi32>
        %swap3A_458 = arith.constant 0 : index
        %swap3A_459 = tpu.vector_load %arg20[%swap3A_458] {strides = array<i32>} : memref<112xi32, #tpu.memory_space<vmem>>, vector<16xi32>,
        tpu.vector_store %arg20[%swap3A_458], %add3A_457 {strides = array<i32>} : memref<112xi32, #tpu.memory_space<vmem>>, vector<16xi32>,
        %gather3A_460 = tpu.vector_load_idx %arg9[%select_n3A_67] : memref<16xi32, #tpu.memory_space<vmem>>[vector<16xi32>], vector<16xi32>,
        %gather3A_461 = tpu.vector_load_idx %arg10[%select_n3A_67] : memref<16xi32, #tpu.memory_space<vmem>>[vector<16xi32>], vector<16xi32>,
        %gather3A_462 = tpu.vector_load_idx %arg11[%select_n3A_217] : memref<16xi32, #tpu.memory_space<vmem>>[vector<16xi32>], vector<16xi32>,
        %gather3A_463 = tpu.vector_load_idx %arg13[%select_n3A_67] : memref<16xf32, #tpu.memory_space<vmem>>[vector<16xi32>], vector<16xf32>,
        %swap3A_464 = arith.constant 16 : index
        %swap3A_465 = tpu.vector_load %arg15[%swap3A_464] {strides = array<i32>} : memref<64xf32, #tpu.memory_space<vmem>>, vector<16xf32>,
        tpu.vector_store %arg15[%swap3A_464], %gather3A_463 {strides = array<i32>} : memref<64xf32, #tpu.memory_space<vmem>>, vector<16xf32>,
        %gather3A_466 = tpu.vector_load_idx %arg14[%select_n3A_217] : memref<16xf32, #tpu.memory_space<vmem>>[vector<16xi32>], vector<16xf32>,
        %swap3A_467 = arith.constant 16 : index
        %swap3A_468 = tpu.vector_load %arg16[%swap3A_467] {strides = array<i32>} : memref<64xf32, #tpu.memory_space<vmem>>, vector<16xf32>,
        tpu.vector_store %arg16[%swap3A_467], %gather3A_466 {strides = array<i32>} : memref<64xf32, #tpu.memory_space<vmem>>, vector<16xf32>,
        %mul3A_469 = arith.constant 128 : i32
        %mul3A_470 = vector.broadcast %mul3A_469 : i32 to vector<16xi32>
        %mul3A_471 = arith.muli %gather3A_460, %mul3A_470 : vector<16xi32>
        %add3A_472 = arith.addi %broadcast_in_dim3A_436, %mul3A_471 : vector<16xi32>
        %add3A_473 = arith.addi %add3A_472, %gather3A_462 : vector<16xi32>
        %swap3A_474 = arith.constant 16 : index
        %swap3A_475 = tpu.vector_load %arg19[%swap3A_474] {strides = array<i32>} : memref<112xi32, #tpu.memory_space<vmem>>, vector<16xi32>,
        tpu.vector_store %arg19[%swap3A_474], %add3A_473 {strides = array<i32>} : memref<112xi32, #tpu.memory_space<vmem>>, vector<16xi32>,
        %mul3A_476 = arith.constant 128 : i32
        %mul3A_477 = vector.broadcast %mul3A_476 : i32 to vector<16xi32>
        %mul3A_478 = arith.muli %gather3A_461, %mul3A_477 : vector<16xi32>
        %add3A_479 = arith.addi %broadcast_in_dim3A_436, %mul3A_478 : vector<16xi32>
        %add3A_480 = arith.addi %add3A_479, %gather3A_462 : vector<16xi32>
        %swap3A_481 = arith.constant 16 : index
        %swap3A_482 = tpu.vector_load %arg20[%swap3A_481] {strides = array<i32>} : memref<112xi32, #tpu.memory_space<vmem>>, vector<16xi32>,
        tpu.vector_store %arg20[%swap3A_481], %add3A_480 {strides = array<i32>} : memref<112xi32, #tpu.memory_space<vmem>>, vector<16xi32>,
        %gather3A_483 = tpu.vector_load_idx %arg9[%select_n3A_101] : memref<16xi32, #tpu.memory_space<vmem>>[vector<16xi32>], vector<16xi32>,
        %gather3A_484 = tpu.vector_load_idx %arg10[%select_n3A_101] : memref<16xi32, #tpu.memory_space<vmem>>[vector<16xi32>], vector<16xi32>,
        %gather3A_485 = tpu.vector_load_idx %arg11[%select_n3A_242] : memref<16xi32, #tpu.memory_space<vmem>>[vector<16xi32>], vector<16xi32>,
        %gather3A_486 = tpu.vector_load_idx %arg13[%select_n3A_101] : memref<16xf32, #tpu.memory_space<vmem>>[vector<16xi32>], vector<16xf32>,
        %swap3A_487 = arith.constant 32 : index
        %swap3A_488 = tpu.vector_load %arg15[%swap3A_487] {strides = array<i32>} : memref<64xf32, #tpu.memory_space<vmem>>, vector<16xf32>,
        tpu.vector_store %arg15[%swap3A_487], %gather3A_486 {strides = array<i32>} : memref<64xf32, #tpu.memory_space<vmem>>, vector<16xf32>,
        %gather3A_489 = tpu.vector_load_idx %arg14[%select_n3A_242] : memref<16xf32, #tpu.memory_space<vmem>>[vector<16xi32>], vector<16xf32>,
        %swap3A_490 = arith.constant 32 : index
        %swap3A_491 = tpu.vector_load %arg16[%swap3A_490] {strides = array<i32>} : memref<64xf32, #tpu.memory_space<vmem>>, vector<16xf32>,
        tpu.vector_store %arg16[%swap3A_490], %gather3A_489 {strides = array<i32>} : memref<64xf32, #tpu.memory_space<vmem>>, vector<16xf32>,
        %mul3A_492 = arith.constant 128 : i32
        %mul3A_493 = vector.broadcast %mul3A_492 : i32 to vector<16xi32>
        %mul3A_494 = arith.muli %gather3A_483, %mul3A_493 : vector<16xi32>
        %add3A_495 = arith.addi %broadcast_in_dim3A_436, %mul3A_494 : vector<16xi32>
        %add3A_496 = arith.addi %add3A_495, %gather3A_485 : vector<16xi32>
        %swap3A_497 = arith.constant 32 : index
        %swap3A_498 = tpu.vector_load %arg19[%swap3A_497] {strides = array<i32>} : memref<112xi32, #tpu.memory_space<vmem>>, vector<16xi32>,
        tpu.vector_store %arg19[%swap3A_497], %add3A_496 {strides = array<i32>} : memref<112xi32, #tpu.memory_space<vmem>>, vector<16xi32>,
        %mul3A_499 = arith.constant 128 : i32
        %mul3A_500 = vector.broadcast %mul3A_499 : i32 to vector<16xi32>
        %mul3A_501 = arith.muli %gather3A_484, %mul3A_500 : vector<16xi32>
        %add3A_502 = arith.addi %broadcast_in_dim3A_436, %mul3A_501 : vector<16xi32>
        %add3A_503 = arith.addi %add3A_502, %gather3A_485 : vector<16xi32>
        %swap3A_504 = arith.constant 32 : index
        %swap3A_505 = tpu.vector_load %arg20[%swap3A_504] {strides = array<i32>} : memref<112xi32, #tpu.memory_space<vmem>>, vector<16xi32>,
        tpu.vector_store %arg20[%swap3A_504], %add3A_503 {strides = array<i32>} : memref<112xi32, #tpu.memory_space<vmem>>, vector<16xi32>,
        %gather3A_506 = tpu.vector_load_idx %arg9[%select_n3A_135] : memref<16xi32, #tpu.memory_space<vmem>>[vector<16xi32>], vector<16xi32>,
        %gather3A_507 = tpu.vector_load_idx %arg10[%select_n3A_135] : memref<16xi32, #tpu.memory_space<vmem>>[vector<16xi32>], vector<16xi32>,
        %gather3A_508 = tpu.vector_load_idx %arg11[%select_n3A_267] : memref<16xi32, #tpu.memory_space<vmem>>[vector<16xi32>], vector<16xi32>,
        %gather3A_509 = tpu.vector_load_idx %arg13[%select_n3A_135] : memref<16xf32, #tpu.memory_space<vmem>>[vector<16xi32>], vector<16xf32>,
        %swap3A_510 = arith.constant 48 : index
        %swap3A_511 = tpu.vector_load %arg15[%swap3A_510] {strides = array<i32>} : memref<64xf32, #tpu.memory_space<vmem>>, vector<16xf32>,
        tpu.vector_store %arg15[%swap3A_510], %gather3A_509 {strides = array<i32>} : memref<64xf32, #tpu.memory_space<vmem>>, vector<16xf32>,
        %gather3A_512 = tpu.vector_load_idx %arg14[%select_n3A_267] : memref<16xf32, #tpu.memory_space<vmem>>[vector<16xi32>], vector<16xf32>,
        %swap3A_513 = arith.constant 48 : index
        %swap3A_514 = tpu.vector_load %arg16[%swap3A_513] {strides = array<i32>} : memref<64xf32, #tpu.memory_space<vmem>>, vector<16xf32>,
        tpu.vector_store %arg16[%swap3A_513], %gather3A_512 {strides = array<i32>} : memref<64xf32, #tpu.memory_space<vmem>>, vector<16xf32>,
        %mul3A_515 = arith.constant 128 : i32
        %mul3A_516 = vector.broadcast %mul3A_515 : i32 to vector<16xi32>
        %mul3A_517 = arith.muli %gather3A_506, %mul3A_516 : vector<16xi32>
        %add3A_518 = arith.addi %broadcast_in_dim3A_436, %mul3A_517 : vector<16xi32>
        %add3A_519 = arith.addi %add3A_518, %gather3A_508 : vector<16xi32>
        %swap3A_520 = arith.constant 48 : index
        %swap3A_521 = tpu.vector_load %arg19[%swap3A_520] {strides = array<i32>} : memref<112xi32, #tpu.memory_space<vmem>>, vector<16xi32>,
        tpu.vector_store %arg19[%swap3A_520], %add3A_519 {strides = array<i32>} : memref<112xi32, #tpu.memory_space<vmem>>, vector<16xi32>,
        %mul3A_522 = arith.constant 128 : i32
        %mul3A_523 = vector.broadcast %mul3A_522 : i32 to vector<16xi32>
        %mul3A_524 = arith.muli %gather3A_507, %mul3A_523 : vector<16xi32>
        %add3A_525 = arith.addi %broadcast_in_dim3A_436, %mul3A_524 : vector<16xi32>
        %add3A_526 = arith.addi %add3A_525, %gather3A_508 : vector<16xi32>
        %swap3A_527 = arith.constant 48 : index
        %swap3A_528 = tpu.vector_load %arg20[%swap3A_527] {strides = array<i32>} : memref<112xi32, #tpu.memory_space<vmem>>, vector<16xi32>,
        tpu.vector_store %arg20[%swap3A_527], %add3A_526 {strides = array<i32>} : memref<112xi32, #tpu.memory_space<vmem>>, vector<16xi32>,
        %gather3A_529 = tpu.vector_load_idx %arg12[%select_n3A_192] : memref<16xi32, #tpu.memory_space<vmem>>[vector<16xi32>], vector<16xi32>,
        %mul3A_530 = arith.constant 128 : i32
        %mul3A_531 = vector.broadcast %mul3A_530 : i32 to vector<16xi32>
        %mul3A_532 = arith.muli %gather3A_437, %mul3A_531 : vector<16xi32>
        %add3A_533 = arith.addi %broadcast_in_dim3A_436, %mul3A_532 : vector<16xi32>
        %add3A_534 = arith.addi %add3A_533, %gather3A_529 : vector<16xi32>
        %swap3A_535 = arith.constant 56 : index
        %swap3A_536 = tpu.vector_load %arg19[%swap3A_535] {strides = array<i32>} : memref<112xi32, #tpu.memory_space<vmem>>, vector<16xi32>,
        tpu.vector_store %arg19[%swap3A_535], %add3A_534 {strides = array<i32>} : memref<112xi32, #tpu.memory_space<vmem>>, vector<16xi32>,
        %mul3A_537 = arith.constant 128 : i32
        %mul3A_538 = vector.broadcast %mul3A_537 : i32 to vector<16xi32>
        %mul3A_539 = arith.muli %gather3A_438, %mul3A_538 : vector<16xi32>
        %add3A_540 = arith.addi %broadcast_in_dim3A_436, %mul3A_539 : vector<16xi32>
        %add3A_541 = arith.addi %add3A_540, %gather3A_529 : vector<16xi32>
        %swap3A_542 = arith.constant 56 : index
        %swap3A_543 = tpu.vector_load %arg20[%swap3A_542] {strides = array<i32>} : memref<112xi32, #tpu.memory_space<vmem>>, vector<16xi32>,
        tpu.vector_store %arg20[%swap3A_542], %add3A_541 {strides = array<i32>} : memref<112xi32, #tpu.memory_space<vmem>>, vector<16xi32>,
        %gather3A_544 = tpu.vector_load_idx %arg12[%select_n3A_217] : memref<16xi32, #tpu.memory_space<vmem>>[vector<16xi32>], vector<16xi32>,
        %mul3A_545 = arith.constant 128 : i32
        %mul3A_546 = vector.broadcast %mul3A_545 : i32 to vector<16xi32>
        %mul3A_547 = arith.muli %gather3A_460, %mul3A_546 : vector<16xi32>
        %add3A_548 = arith.addi %broadcast_in_dim3A_436, %mul3A_547 : vector<16xi32>
        %add3A_549 = arith.addi %add3A_548, %gather3A_544 : vector<16xi32>
        %swap3A_550 = arith.constant 72 : index
        %swap3A_551 = tpu.vector_load %arg19[%swap3A_550] {strides = array<i32>} : memref<112xi32, #tpu.memory_space<vmem>>, vector<16xi32>,
        tpu.vector_store %arg19[%swap3A_550], %add3A_549 {strides = array<i32>} : memref<112xi32, #tpu.memory_space<vmem>>, vector<16xi32>,
        %mul3A_552 = arith.constant 128 : i32
        %mul3A_553 = vector.broadcast %mul3A_552 : i32 to vector<16xi32>
        %mul3A_554 = arith.muli %gather3A_461, %mul3A_553 : vector<16xi32>
        %add3A_555 = arith.addi %broadcast_in_dim3A_436, %mul3A_554 : vector<16xi32>
        %add3A_556 = arith.addi %add3A_555, %gather3A_544 : vector<16xi32>
        %swap3A_557 = arith.constant 72 : index
        %swap3A_558 = tpu.vector_load %arg20[%swap3A_557] {strides = array<i32>} : memref<112xi32, #tpu.memory_space<vmem>>, vector<16xi32>,
        tpu.vector_store %arg20[%swap3A_557], %add3A_556 {strides = array<i32>} : memref<112xi32, #tpu.memory_space<vmem>>, vector<16xi32>,
        %gather3A_559 = tpu.vector_load_idx %arg12[%select_n3A_242] : memref<16xi32, #tpu.memory_space<vmem>>[vector<16xi32>], vector<16xi32>,
        %mul3A_560 = arith.constant 128 : i32
        %mul3A_561 = vector.broadcast %mul3A_560 : i32 to vector<16xi32>
        %mul3A_562 = arith.muli %gather3A_483, %mul3A_561 : vector<16xi32>
        %add3A_563 = arith.addi %broadcast_in_dim3A_436, %mul3A_562 : vector<16xi32>
        %add3A_564 = arith.addi %add3A_563, %gather3A_559 : vector<16xi32>
        %swap3A_565 = arith.constant 88 : index
        %swap3A_566 = tpu.vector_load %arg19[%swap3A_565] {strides = array<i32>} : memref<112xi32, #tpu.memory_space<vmem>>, vector<16xi32>,
        tpu.vector_store %arg19[%swap3A_565], %add3A_564 {strides = array<i32>} : memref<112xi32, #tpu.memory_space<vmem>>, vector<16xi32>,
        %mul3A_567 = arith.constant 128 : i32
        %mul3A_568 = vector.broadcast %mul3A_567 : i32 to vector<16xi32>
        %mul3A_569 = arith.muli %gather3A_484, %mul3A_568 : vector<16xi32>
        %add3A_570 = arith.addi %broadcast_in_dim3A_436, %mul3A_569 : vector<16xi32>
        %add3A_571 = arith.addi %add3A_570, %gather3A_559 : vector<16xi32>
        %swap3A_572 = arith.constant 88 : index
        %swap3A_573 = tpu.vector_load %arg20[%swap3A_572] {strides = array<i32>} : memref<112xi32, #tpu.memory_space<vmem>>, vector<16xi32>,
        tpu.vector_store %arg20[%swap3A_572], %add3A_571 {strides = array<i32>} : memref<112xi32, #tpu.memory_space<vmem>>, vector<16xi32>,
        %gather3A_574 = tpu.vector_load_idx %arg9[%select_n3A_169] : memref<16xi32, #tpu.memory_space<vmem>>[vector<16xi32>], vector<16xi32>,
        %gather3A_575 = tpu.vector_load_idx %arg10[%select_n3A_169] : memref<16xi32, #tpu.memory_space<vmem>>[vector<16xi32>], vector<16xi32>,
        %gather3A_576 = tpu.vector_load_idx %arg12[%select_n3A_292] : memref<16xi32, #tpu.memory_space<vmem>>[vector<16xi32>], vector<16xi32>,
        %mul3A_577 = arith.constant 128 : i32
        %mul3A_578 = vector.broadcast %mul3A_577 : i32 to vector<16xi32>
        %mul3A_579 = arith.muli %gather3A_574, %mul3A_578 : vector<16xi32>
        %add3A_580 = arith.addi %broadcast_in_dim3A_436, %mul3A_579 : vector<16xi32>
        %add3A_581 = arith.addi %add3A_580, %gather3A_576 : vector<16xi32>
        %swap3A_582 = arith.constant 96 : index
        %swap3A_583 = tpu.vector_load %arg19[%swap3A_582] {strides = array<i32>} : memref<112xi32, #tpu.memory_space<vmem>>, vector<16xi32>,
        tpu.vector_store %arg19[%swap3A_582], %add3A_581 {strides = array<i32>} : memref<112xi32, #tpu.memory_space<vmem>>, vector<16xi32>,
        %mul3A_584 = arith.constant 128 : i32
        %mul3A_585 = vector.broadcast %mul3A_584 : i32 to vector<16xi32>
        %mul3A_586 = arith.muli %gather3A_575, %mul3A_585 : vector<16xi32>
        %add3A_587 = arith.addi %broadcast_in_dim3A_436, %mul3A_586 : vector<16xi32>
        %add3A_588 = arith.addi %add3A_587, %gather3A_576 : vector<16xi32>
        %swap3A_589 = arith.constant 96 : index
        %swap3A_590 = tpu.vector_load %arg20[%swap3A_589] {strides = array<i32>} : memref<112xi32, #tpu.memory_space<vmem>>, vector<16xi32>,
        tpu.vector_store %arg20[%swap3A_589], %add3A_588 {strides = array<i32>} : memref<112xi32, #tpu.memory_space<vmem>>, vector<16xi32>,
        %dma_start3A = arith.constant 0 : i32
        %dma_start3A_591 = arith.constant 0 : i32
        %dma_start3A_592 = tpu.memref_slice %arg4[%dma_start3A, %dma_start3A_591] : memref<32768x256xf32, #tpu.memory_space<hbm>> -> memref<32768x256xf32, #tpu.memory_space<hbm>>
        tpu.enqueue_indirect_dma source(%dma_start3A_592 : memref<32768x256xf32, #tpu.memory_space<hbm>>) target(%arg23 : memref<112x256xf32, #tpu.memory_space<vmem>>) offsets(%arg19 : memref<112xi32, #tpu.memory_space<vmem>>) semaphore(%arg27 : memref<!tpu.dma_semaphore, #tpu.memory_space<semaphore_mem>>)
        %dma_start3A_593 = arith.constant 0 : i32
        %dma_start3A_594 = arith.constant 0 : i32
        %dma_start3A_595 = tpu.memref_slice %arg4[%dma_start3A_593, %dma_start3A_594] : memref<32768x256xf32, #tpu.memory_space<hbm>> -> memref<32768x256xf32, #tpu.memory_space<hbm>>
        tpu.enqueue_indirect_dma source(%dma_start3A_595 : memref<32768x256xf32, #tpu.memory_space<hbm>>) target(%arg24 : memref<112x256xf32, #tpu.memory_space<vmem>>) offsets(%arg20 : memref<112xi32, #tpu.memory_space<vmem>>) semaphore(%arg27 : memref<!tpu.dma_semaphore, #tpu.memory_space<semaphore_mem>>)
      } else {
      }
      %eq3A_365 = arith.constant 4 : i32
      %eq3A_366 = arith.cmpi eq, %add3A_355, %eq3A_365 : i32
      %convert_element_type3A_367 = arith.extui %eq3A_366 : i1 to i32
      %cond3A_368 = arith.constant 0 : i32
      %cond3A_369 = arith.cmpi ne, %convert_element_type3A_367, %cond3A_368 : i32
      scf.if %cond3A_369 {
        %sub3A_393 = arith.subf %gather3A_334, %gather3A : vector<16xf32>
        %mul3A_394 = arith.mulf %mul3A_7, %sub3A_393 : vector<16xf32>
        %add3A_395 = arith.addf %gather3A, %mul3A_394 : vector<16xf32>
        %mul3A_396 = arith.constant 6.300000e+01 : f32
        %mul3A_397 = vector.broadcast %mul3A_396 : f32 to vector<16xf32>
        %mul3A_398 = arith.mulf %add3A_395, %mul3A_397 : vector<16xf32>
        %sub3A_399 = arith.subf %gather3A_338, %gather3A_330 : vector<16xf32>
        %mul3A_400 = arith.mulf %mul3A_7, %sub3A_399 : vector<16xf32>
        %add3A_401 = arith.addf %gather3A_330, %mul3A_400 : vector<16xf32>
        %mul3A_402 = arith.constant 6.300000e+01 : f32
        %mul3A_403 = vector.broadcast %mul3A_402 : f32 to vector<16xf32>
        %mul3A_404 = arith.mulf %add3A_401, %mul3A_403 : vector<16xf32>
        %convert_element_type3A_405 = arith.fptosi %mul3A_398 : vector<16xf32> to vector<16xi32>
        %convert_element_type3A_406 = arith.fptosi %mul3A_404 : vector<16xf32> to vector<16xi32>
        %convert_element_type3A_407 = arith.sitofp %convert_element_type3A_405 : vector<16xi32> to vector<16xf32>
        %sub3A_408 = arith.subf %mul3A_398, %convert_element_type3A_407 : vector<16xf32>
        %convert_element_type3A_409 = arith.sitofp %convert_element_type3A_406 : vector<16xi32> to vector<16xf32>
        %sub3A_410 = arith.subf %mul3A_404, %convert_element_type3A_409 : vector<16xf32>
        %add3A_411 = arith.constant 1 : i32
        %add3A_412 = vector.broadcast %add3A_411 : i32 to vector<16xi32>
        %add3A_413 = arith.addi %convert_element_type3A_405, %add3A_412 : vector<16xi32>
        %min3A_414 = arith.constant 63 : i32
        %min3A_415 = vector.broadcast %min3A_414 : i32 to vector<16xi32>
        %min3A_416 = arith.minsi %add3A_413, %min3A_415 : vector<16xi32>
        %add3A_417 = arith.constant 1 : i32
        %add3A_418 = vector.broadcast %add3A_417 : i32 to vector<16xi32>
        %add3A_419 = arith.addi %convert_element_type3A_406, %add3A_418 : vector<16xi32>
        %min3A_420 = arith.constant 63 : i32
        %min3A_421 = vector.broadcast %min3A_420 : i32 to vector<16xi32>
        %min3A_422 = arith.minsi %add3A_419, %min3A_421 : vector<16xi32>
        %swap3A = arith.constant 0 : index
        %swap3A_423 = tpu.vector_load %arg9[%swap3A] {strides = array<i32>} : memref<16xi32, #tpu.memory_space<vmem>>, vector<16xi32>,
        tpu.vector_store %arg9[%swap3A], %convert_element_type3A_405 {strides = array<i32>} : memref<16xi32, #tpu.memory_space<vmem>>, vector<16xi32>,
        %swap3A_424 = arith.constant 0 : index
        %swap3A_425 = tpu.vector_load %arg10[%swap3A_424] {strides = array<i32>} : memref<16xi32, #tpu.memory_space<vmem>>, vector<16xi32>,
        tpu.vector_store %arg10[%swap3A_424], %min3A_416 {strides = array<i32>} : memref<16xi32, #tpu.memory_space<vmem>>, vector<16xi32>,
        %swap3A_426 = arith.constant 0 : index
        %swap3A_427 = tpu.vector_load %arg11[%swap3A_426] {strides = array<i32>} : memref<16xi32, #tpu.memory_space<vmem>>, vector<16xi32>,
        tpu.vector_store %arg11[%swap3A_426], %convert_element_type3A_406 {strides = array<i32>} : memref<16xi32, #tpu.memory_space<vmem>>, vector<16xi32>,
        %swap3A_428 = arith.constant 0 : index
        %swap3A_429 = tpu.vector_load %arg12[%swap3A_428] {strides = array<i32>} : memref<16xi32, #tpu.memory_space<vmem>>, vector<16xi32>,
        tpu.vector_store %arg12[%swap3A_428], %min3A_422 {strides = array<i32>} : memref<16xi32, #tpu.memory_space<vmem>>, vector<16xi32>,
        %swap3A_430 = arith.constant 0 : index
        %swap3A_431 = tpu.vector_load %arg13[%swap3A_430] {strides = array<i32>} : memref<16xf32, #tpu.memory_space<vmem>>, vector<16xf32>,
        tpu.vector_store %arg13[%swap3A_430], %sub3A_408 {strides = array<i32>} : memref<16xf32, #tpu.memory_space<vmem>>, vector<16xf32>,
        %swap3A_432 = arith.constant 0 : index
        %swap3A_433 = tpu.vector_load %arg14[%swap3A_432] {strides = array<i32>} : memref<16xf32, #tpu.memory_space<vmem>>, vector<16xf32>,
        tpu.vector_store %arg14[%swap3A_432], %sub3A_410 {strides = array<i32>} : memref<16xf32, #tpu.memory_space<vmem>>, vector<16xf32>,
        %mul3A_434 = arith.constant 4096 : i32
        %mul3A_435 = arith.muli %select_n3A_326, %mul3A_434 : i32
        %broadcast_in_dim3A_436 = vector.broadcast %mul3A_435 : i32 to vector<16xi32>
        %gather3A_437 = tpu.vector_load_idx %arg9[%select_n3A] : memref<16xi32, #tpu.memory_space<vmem>>[vector<16xi32>], vector<16xi32>,
        %gather3A_438 = tpu.vector_load_idx %arg10[%select_n3A] : memref<16xi32, #tpu.memory_space<vmem>>[vector<16xi32>], vector<16xi32>,
        %gather3A_439 = tpu.vector_load_idx %arg11[%select_n3A_192] : memref<16xi32, #tpu.memory_space<vmem>>[vector<16xi32>], vector<16xi32>,
        %gather3A_440 = tpu.vector_load_idx %arg13[%select_n3A] : memref<16xf32, #tpu.memory_space<vmem>>[vector<16xi32>], vector<16xf32>,
        %swap3A_441 = arith.constant 0 : index
        %swap3A_442 = tpu.vector_load %arg15[%swap3A_441] {strides = array<i32>} : memref<64xf32, #tpu.memory_space<vmem>>, vector<16xf32>,
        tpu.vector_store %arg15[%swap3A_441], %gather3A_440 {strides = array<i32>} : memref<64xf32, #tpu.memory_space<vmem>>, vector<16xf32>,
        %gather3A_443 = tpu.vector_load_idx %arg14[%select_n3A_192] : memref<16xf32, #tpu.memory_space<vmem>>[vector<16xi32>], vector<16xf32>,
        %swap3A_444 = arith.constant 0 : index
        %swap3A_445 = tpu.vector_load %arg16[%swap3A_444] {strides = array<i32>} : memref<64xf32, #tpu.memory_space<vmem>>, vector<16xf32>,
        tpu.vector_store %arg16[%swap3A_444], %gather3A_443 {strides = array<i32>} : memref<64xf32, #tpu.memory_space<vmem>>, vector<16xf32>,
        %mul3A_446 = arith.constant 64 : i32
        %mul3A_447 = vector.broadcast %mul3A_446 : i32 to vector<16xi32>
        %mul3A_448 = arith.muli %gather3A_437, %mul3A_447 : vector<16xi32>
        %add3A_449 = arith.addi %broadcast_in_dim3A_436, %mul3A_448 : vector<16xi32>
        %add3A_450 = arith.addi %add3A_449, %gather3A_439 : vector<16xi32>
        %swap3A_451 = arith.constant 0 : index
        %swap3A_452 = tpu.vector_load %arg19[%swap3A_451] {strides = array<i32>} : memref<112xi32, #tpu.memory_space<vmem>>, vector<16xi32>,
        tpu.vector_store %arg19[%swap3A_451], %add3A_450 {strides = array<i32>} : memref<112xi32, #tpu.memory_space<vmem>>, vector<16xi32>,
        %mul3A_453 = arith.constant 64 : i32
        %mul3A_454 = vector.broadcast %mul3A_453 : i32 to vector<16xi32>
        %mul3A_455 = arith.muli %gather3A_438, %mul3A_454 : vector<16xi32>
        %add3A_456 = arith.addi %broadcast_in_dim3A_436, %mul3A_455 : vector<16xi32>
        %add3A_457 = arith.addi %add3A_456, %gather3A_439 : vector<16xi32>
        %swap3A_458 = arith.constant 0 : index
        %swap3A_459 = tpu.vector_load %arg20[%swap3A_458] {strides = array<i32>} : memref<112xi32, #tpu.memory_space<vmem>>, vector<16xi32>,
        tpu.vector_store %arg20[%swap3A_458], %add3A_457 {strides = array<i32>} : memref<112xi32, #tpu.memory_space<vmem>>, vector<16xi32>,
        %gather3A_460 = tpu.vector_load_idx %arg9[%select_n3A_67] : memref<16xi32, #tpu.memory_space<vmem>>[vector<16xi32>], vector<16xi32>,
        %gather3A_461 = tpu.vector_load_idx %arg10[%select_n3A_67] : memref<16xi32, #tpu.memory_space<vmem>>[vector<16xi32>], vector<16xi32>,
        %gather3A_462 = tpu.vector_load_idx %arg11[%select_n3A_217] : memref<16xi32, #tpu.memory_space<vmem>>[vector<16xi32>], vector<16xi32>,
        %gather3A_463 = tpu.vector_load_idx %arg13[%select_n3A_67] : memref<16xf32, #tpu.memory_space<vmem>>[vector<16xi32>], vector<16xf32>,
        %swap3A_464 = arith.constant 16 : index
        %swap3A_465 = tpu.vector_load %arg15[%swap3A_464] {strides = array<i32>} : memref<64xf32, #tpu.memory_space<vmem>>, vector<16xf32>,
        tpu.vector_store %arg15[%swap3A_464], %gather3A_463 {strides = array<i32>} : memref<64xf32, #tpu.memory_space<vmem>>, vector<16xf32>,
        %gather3A_466 = tpu.vector_load_idx %arg14[%select_n3A_217] : memref<16xf32, #tpu.memory_space<vmem>>[vector<16xi32>], vector<16xf32>,
        %swap3A_467 = arith.constant 16 : index
        %swap3A_468 = tpu.vector_load %arg16[%swap3A_467] {strides = array<i32>} : memref<64xf32, #tpu.memory_space<vmem>>, vector<16xf32>,
        tpu.vector_store %arg16[%swap3A_467], %gather3A_466 {strides = array<i32>} : memref<64xf32, #tpu.memory_space<vmem>>, vector<16xf32>,
        %mul3A_469 = arith.constant 64 : i32
        %mul3A_470 = vector.broadcast %mul3A_469 : i32 to vector<16xi32>
        %mul3A_471 = arith.muli %gather3A_460, %mul3A_470 : vector<16xi32>
        %add3A_472 = arith.addi %broadcast_in_dim3A_436, %mul3A_471 : vector<16xi32>
        %add3A_473 = arith.addi %add3A_472, %gather3A_462 : vector<16xi32>
        %swap3A_474 = arith.constant 16 : index
        %swap3A_475 = tpu.vector_load %arg19[%swap3A_474] {strides = array<i32>} : memref<112xi32, #tpu.memory_space<vmem>>, vector<16xi32>,
        tpu.vector_store %arg19[%swap3A_474], %add3A_473 {strides = array<i32>} : memref<112xi32, #tpu.memory_space<vmem>>, vector<16xi32>,
        %mul3A_476 = arith.constant 64 : i32
        %mul3A_477 = vector.broadcast %mul3A_476 : i32 to vector<16xi32>
        %mul3A_478 = arith.muli %gather3A_461, %mul3A_477 : vector<16xi32>
        %add3A_479 = arith.addi %broadcast_in_dim3A_436, %mul3A_478 : vector<16xi32>
        %add3A_480 = arith.addi %add3A_479, %gather3A_462 : vector<16xi32>
        %swap3A_481 = arith.constant 16 : index
        %swap3A_482 = tpu.vector_load %arg20[%swap3A_481] {strides = array<i32>} : memref<112xi32, #tpu.memory_space<vmem>>, vector<16xi32>,
        tpu.vector_store %arg20[%swap3A_481], %add3A_480 {strides = array<i32>} : memref<112xi32, #tpu.memory_space<vmem>>, vector<16xi32>,
        %gather3A_483 = tpu.vector_load_idx %arg9[%select_n3A_101] : memref<16xi32, #tpu.memory_space<vmem>>[vector<16xi32>], vector<16xi32>,
        %gather3A_484 = tpu.vector_load_idx %arg10[%select_n3A_101] : memref<16xi32, #tpu.memory_space<vmem>>[vector<16xi32>], vector<16xi32>,
        %gather3A_485 = tpu.vector_load_idx %arg11[%select_n3A_242] : memref<16xi32, #tpu.memory_space<vmem>>[vector<16xi32>], vector<16xi32>,
        %gather3A_486 = tpu.vector_load_idx %arg13[%select_n3A_101] : memref<16xf32, #tpu.memory_space<vmem>>[vector<16xi32>], vector<16xf32>,
        %swap3A_487 = arith.constant 32 : index
        %swap3A_488 = tpu.vector_load %arg15[%swap3A_487] {strides = array<i32>} : memref<64xf32, #tpu.memory_space<vmem>>, vector<16xf32>,
        tpu.vector_store %arg15[%swap3A_487], %gather3A_486 {strides = array<i32>} : memref<64xf32, #tpu.memory_space<vmem>>, vector<16xf32>,
        %gather3A_489 = tpu.vector_load_idx %arg14[%select_n3A_242] : memref<16xf32, #tpu.memory_space<vmem>>[vector<16xi32>], vector<16xf32>,
        %swap3A_490 = arith.constant 32 : index
        %swap3A_491 = tpu.vector_load %arg16[%swap3A_490] {strides = array<i32>} : memref<64xf32, #tpu.memory_space<vmem>>, vector<16xf32>,
        tpu.vector_store %arg16[%swap3A_490], %gather3A_489 {strides = array<i32>} : memref<64xf32, #tpu.memory_space<vmem>>, vector<16xf32>,
        %mul3A_492 = arith.constant 64 : i32
        %mul3A_493 = vector.broadcast %mul3A_492 : i32 to vector<16xi32>
        %mul3A_494 = arith.muli %gather3A_483, %mul3A_493 : vector<16xi32>
        %add3A_495 = arith.addi %broadcast_in_dim3A_436, %mul3A_494 : vector<16xi32>
        %add3A_496 = arith.addi %add3A_495, %gather3A_485 : vector<16xi32>
        %swap3A_497 = arith.constant 32 : index
        %swap3A_498 = tpu.vector_load %arg19[%swap3A_497] {strides = array<i32>} : memref<112xi32, #tpu.memory_space<vmem>>, vector<16xi32>,
        tpu.vector_store %arg19[%swap3A_497], %add3A_496 {strides = array<i32>} : memref<112xi32, #tpu.memory_space<vmem>>, vector<16xi32>,
        %mul3A_499 = arith.constant 64 : i32
        %mul3A_500 = vector.broadcast %mul3A_499 : i32 to vector<16xi32>
        %mul3A_501 = arith.muli %gather3A_484, %mul3A_500 : vector<16xi32>
        %add3A_502 = arith.addi %broadcast_in_dim3A_436, %mul3A_501 : vector<16xi32>
        %add3A_503 = arith.addi %add3A_502, %gather3A_485 : vector<16xi32>
        %swap3A_504 = arith.constant 32 : index
        %swap3A_505 = tpu.vector_load %arg20[%swap3A_504] {strides = array<i32>} : memref<112xi32, #tpu.memory_space<vmem>>, vector<16xi32>,
        tpu.vector_store %arg20[%swap3A_504], %add3A_503 {strides = array<i32>} : memref<112xi32, #tpu.memory_space<vmem>>, vector<16xi32>,
        %gather3A_506 = tpu.vector_load_idx %arg9[%select_n3A_135] : memref<16xi32, #tpu.memory_space<vmem>>[vector<16xi32>], vector<16xi32>,
        %gather3A_507 = tpu.vector_load_idx %arg10[%select_n3A_135] : memref<16xi32, #tpu.memory_space<vmem>>[vector<16xi32>], vector<16xi32>,
        %gather3A_508 = tpu.vector_load_idx %arg11[%select_n3A_267] : memref<16xi32, #tpu.memory_space<vmem>>[vector<16xi32>], vector<16xi32>,
        %gather3A_509 = tpu.vector_load_idx %arg13[%select_n3A_135] : memref<16xf32, #tpu.memory_space<vmem>>[vector<16xi32>], vector<16xf32>,
        %swap3A_510 = arith.constant 48 : index
        %swap3A_511 = tpu.vector_load %arg15[%swap3A_510] {strides = array<i32>} : memref<64xf32, #tpu.memory_space<vmem>>, vector<16xf32>,
        tpu.vector_store %arg15[%swap3A_510], %gather3A_509 {strides = array<i32>} : memref<64xf32, #tpu.memory_space<vmem>>, vector<16xf32>,
        %gather3A_512 = tpu.vector_load_idx %arg14[%select_n3A_267] : memref<16xf32, #tpu.memory_space<vmem>>[vector<16xi32>], vector<16xf32>,
        %swap3A_513 = arith.constant 48 : index
        %swap3A_514 = tpu.vector_load %arg16[%swap3A_513] {strides = array<i32>} : memref<64xf32, #tpu.memory_space<vmem>>, vector<16xf32>,
        tpu.vector_store %arg16[%swap3A_513], %gather3A_512 {strides = array<i32>} : memref<64xf32, #tpu.memory_space<vmem>>, vector<16xf32>,
        %mul3A_515 = arith.constant 64 : i32
        %mul3A_516 = vector.broadcast %mul3A_515 : i32 to vector<16xi32>
        %mul3A_517 = arith.muli %gather3A_506, %mul3A_516 : vector<16xi32>
        %add3A_518 = arith.addi %broadcast_in_dim3A_436, %mul3A_517 : vector<16xi32>
        %add3A_519 = arith.addi %add3A_518, %gather3A_508 : vector<16xi32>
        %swap3A_520 = arith.constant 48 : index
        %swap3A_521 = tpu.vector_load %arg19[%swap3A_520] {strides = array<i32>} : memref<112xi32, #tpu.memory_space<vmem>>, vector<16xi32>,
        tpu.vector_store %arg19[%swap3A_520], %add3A_519 {strides = array<i32>} : memref<112xi32, #tpu.memory_space<vmem>>, vector<16xi32>,
        %mul3A_522 = arith.constant 64 : i32
        %mul3A_523 = vector.broadcast %mul3A_522 : i32 to vector<16xi32>
        %mul3A_524 = arith.muli %gather3A_507, %mul3A_523 : vector<16xi32>
        %add3A_525 = arith.addi %broadcast_in_dim3A_436, %mul3A_524 : vector<16xi32>
        %add3A_526 = arith.addi %add3A_525, %gather3A_508 : vector<16xi32>
        %swap3A_527 = arith.constant 48 : index
        %swap3A_528 = tpu.vector_load %arg20[%swap3A_527] {strides = array<i32>} : memref<112xi32, #tpu.memory_space<vmem>>, vector<16xi32>,
        tpu.vector_store %arg20[%swap3A_527], %add3A_526 {strides = array<i32>} : memref<112xi32, #tpu.memory_space<vmem>>, vector<16xi32>,
        %gather3A_529 = tpu.vector_load_idx %arg12[%select_n3A_192] : memref<16xi32, #tpu.memory_space<vmem>>[vector<16xi32>], vector<16xi32>,
        %mul3A_530 = arith.constant 64 : i32
        %mul3A_531 = vector.broadcast %mul3A_530 : i32 to vector<16xi32>
        %mul3A_532 = arith.muli %gather3A_437, %mul3A_531 : vector<16xi32>
        %add3A_533 = arith.addi %broadcast_in_dim3A_436, %mul3A_532 : vector<16xi32>
        %add3A_534 = arith.addi %add3A_533, %gather3A_529 : vector<16xi32>
        %swap3A_535 = arith.constant 56 : index
        %swap3A_536 = tpu.vector_load %arg19[%swap3A_535] {strides = array<i32>} : memref<112xi32, #tpu.memory_space<vmem>>, vector<16xi32>,
        tpu.vector_store %arg19[%swap3A_535], %add3A_534 {strides = array<i32>} : memref<112xi32, #tpu.memory_space<vmem>>, vector<16xi32>,
        %mul3A_537 = arith.constant 64 : i32
        %mul3A_538 = vector.broadcast %mul3A_537 : i32 to vector<16xi32>
        %mul3A_539 = arith.muli %gather3A_438, %mul3A_538 : vector<16xi32>
        %add3A_540 = arith.addi %broadcast_in_dim3A_436, %mul3A_539 : vector<16xi32>
        %add3A_541 = arith.addi %add3A_540, %gather3A_529 : vector<16xi32>
        %swap3A_542 = arith.constant 56 : index
        %swap3A_543 = tpu.vector_load %arg20[%swap3A_542] {strides = array<i32>} : memref<112xi32, #tpu.memory_space<vmem>>, vector<16xi32>,
        tpu.vector_store %arg20[%swap3A_542], %add3A_541 {strides = array<i32>} : memref<112xi32, #tpu.memory_space<vmem>>, vector<16xi32>,
        %gather3A_544 = tpu.vector_load_idx %arg12[%select_n3A_217] : memref<16xi32, #tpu.memory_space<vmem>>[vector<16xi32>], vector<16xi32>,
        %mul3A_545 = arith.constant 64 : i32
        %mul3A_546 = vector.broadcast %mul3A_545 : i32 to vector<16xi32>
        %mul3A_547 = arith.muli %gather3A_460, %mul3A_546 : vector<16xi32>
        %add3A_548 = arith.addi %broadcast_in_dim3A_436, %mul3A_547 : vector<16xi32>
        %add3A_549 = arith.addi %add3A_548, %gather3A_544 : vector<16xi32>
        %swap3A_550 = arith.constant 72 : index
        %swap3A_551 = tpu.vector_load %arg19[%swap3A_550] {strides = array<i32>} : memref<112xi32, #tpu.memory_space<vmem>>, vector<16xi32>,
        tpu.vector_store %arg19[%swap3A_550], %add3A_549 {strides = array<i32>} : memref<112xi32, #tpu.memory_space<vmem>>, vector<16xi32>,
        %mul3A_552 = arith.constant 64 : i32
        %mul3A_553 = vector.broadcast %mul3A_552 : i32 to vector<16xi32>
        %mul3A_554 = arith.muli %gather3A_461, %mul3A_553 : vector<16xi32>
        %add3A_555 = arith.addi %broadcast_in_dim3A_436, %mul3A_554 : vector<16xi32>
        %add3A_556 = arith.addi %add3A_555, %gather3A_544 : vector<16xi32>
        %swap3A_557 = arith.constant 72 : index
        %swap3A_558 = tpu.vector_load %arg20[%swap3A_557] {strides = array<i32>} : memref<112xi32, #tpu.memory_space<vmem>>, vector<16xi32>,
        tpu.vector_store %arg20[%swap3A_557], %add3A_556 {strides = array<i32>} : memref<112xi32, #tpu.memory_space<vmem>>, vector<16xi32>,
        %gather3A_559 = tpu.vector_load_idx %arg12[%select_n3A_242] : memref<16xi32, #tpu.memory_space<vmem>>[vector<16xi32>], vector<16xi32>,
        %mul3A_560 = arith.constant 64 : i32
        %mul3A_561 = vector.broadcast %mul3A_560 : i32 to vector<16xi32>
        %mul3A_562 = arith.muli %gather3A_483, %mul3A_561 : vector<16xi32>
        %add3A_563 = arith.addi %broadcast_in_dim3A_436, %mul3A_562 : vector<16xi32>
        %add3A_564 = arith.addi %add3A_563, %gather3A_559 : vector<16xi32>
        %swap3A_565 = arith.constant 88 : index
        %swap3A_566 = tpu.vector_load %arg19[%swap3A_565] {strides = array<i32>} : memref<112xi32, #tpu.memory_space<vmem>>, vector<16xi32>,
        tpu.vector_store %arg19[%swap3A_565], %add3A_564 {strides = array<i32>} : memref<112xi32, #tpu.memory_space<vmem>>, vector<16xi32>,
        %mul3A_567 = arith.constant 64 : i32
        %mul3A_568 = vector.broadcast %mul3A_567 : i32 to vector<16xi32>
        %mul3A_569 = arith.muli %gather3A_484, %mul3A_568 : vector<16xi32>
        %add3A_570 = arith.addi %broadcast_in_dim3A_436, %mul3A_569 : vector<16xi32>
        %add3A_571 = arith.addi %add3A_570, %gather3A_559 : vector<16xi32>
        %swap3A_572 = arith.constant 88 : index
        %swap3A_573 = tpu.vector_load %arg20[%swap3A_572] {strides = array<i32>} : memref<112xi32, #tpu.memory_space<vmem>>, vector<16xi32>,
        tpu.vector_store %arg20[%swap3A_572], %add3A_571 {strides = array<i32>} : memref<112xi32, #tpu.memory_space<vmem>>, vector<16xi32>,
        %gather3A_574 = tpu.vector_load_idx %arg9[%select_n3A_169] : memref<16xi32, #tpu.memory_space<vmem>>[vector<16xi32>], vector<16xi32>,
        %gather3A_575 = tpu.vector_load_idx %arg10[%select_n3A_169] : memref<16xi32, #tpu.memory_space<vmem>>[vector<16xi32>], vector<16xi32>,
        %gather3A_576 = tpu.vector_load_idx %arg12[%select_n3A_292] : memref<16xi32, #tpu.memory_space<vmem>>[vector<16xi32>], vector<16xi32>,
        %mul3A_577 = arith.constant 64 : i32
        %mul3A_578 = vector.broadcast %mul3A_577 : i32 to vector<16xi32>
        %mul3A_579 = arith.muli %gather3A_574, %mul3A_578 : vector<16xi32>
        %add3A_580 = arith.addi %broadcast_in_dim3A_436, %mul3A_579 : vector<16xi32>
        %add3A_581 = arith.addi %add3A_580, %gather3A_576 : vector<16xi32>
        %swap3A_582 = arith.constant 96 : index
        %swap3A_583 = tpu.vector_load %arg19[%swap3A_582] {strides = array<i32>} : memref<112xi32, #tpu.memory_space<vmem>>, vector<16xi32>,
        tpu.vector_store %arg19[%swap3A_582], %add3A_581 {strides = array<i32>} : memref<112xi32, #tpu.memory_space<vmem>>, vector<16xi32>,
        %mul3A_584 = arith.constant 64 : i32
        %mul3A_585 = vector.broadcast %mul3A_584 : i32 to vector<16xi32>
        %mul3A_586 = arith.muli %gather3A_575, %mul3A_585 : vector<16xi32>
        %add3A_587 = arith.addi %broadcast_in_dim3A_436, %mul3A_586 : vector<16xi32>
        %add3A_588 = arith.addi %add3A_587, %gather3A_576 : vector<16xi32>
        %swap3A_589 = arith.constant 96 : index
        %swap3A_590 = tpu.vector_load %arg20[%swap3A_589] {strides = array<i32>} : memref<112xi32, #tpu.memory_space<vmem>>, vector<16xi32>,
        tpu.vector_store %arg20[%swap3A_589], %add3A_588 {strides = array<i32>} : memref<112xi32, #tpu.memory_space<vmem>>, vector<16xi32>,
        %dma_start3A = arith.constant 0 : i32
        %dma_start3A_591 = arith.constant 0 : i32
        %dma_start3A_592 = tpu.memref_slice %arg5[%dma_start3A, %dma_start3A_591] : memref<8192x256xf32, #tpu.memory_space<hbm>> -> memref<8192x256xf32, #tpu.memory_space<hbm>>
        tpu.enqueue_indirect_dma source(%dma_start3A_592 : memref<8192x256xf32, #tpu.memory_space<hbm>>) target(%arg23 : memref<112x256xf32, #tpu.memory_space<vmem>>) offsets(%arg19 : memref<112xi32, #tpu.memory_space<vmem>>) semaphore(%arg27 : memref<!tpu.dma_semaphore, #tpu.memory_space<semaphore_mem>>)
        %dma_start3A_593 = arith.constant 0 : i32
        %dma_start3A_594 = arith.constant 0 : i32
        %dma_start3A_595 = tpu.memref_slice %arg5[%dma_start3A_593, %dma_start3A_594] : memref<8192x256xf32, #tpu.memory_space<hbm>> -> memref<8192x256xf32, #tpu.memory_space<hbm>>
        tpu.enqueue_indirect_dma source(%dma_start3A_595 : memref<8192x256xf32, #tpu.memory_space<hbm>>) target(%arg24 : memref<112x256xf32, #tpu.memory_space<vmem>>) offsets(%arg20 : memref<112xi32, #tpu.memory_space<vmem>>) semaphore(%arg27 : memref<!tpu.dma_semaphore, #tpu.memory_space<semaphore_mem>>)
      } else {
      }
      %eq3A_370 = arith.constant 5 : i32
      %eq3A_371 = arith.cmpi eq, %add3A_355, %eq3A_370 : i32
      %convert_element_type3A_372 = arith.extui %eq3A_371 : i1 to i32
      %cond3A_373 = arith.constant 0 : i32
      %cond3A_374 = arith.cmpi ne, %convert_element_type3A_372, %cond3A_373 : i32
      scf.if %cond3A_374 {
        %sub3A_393 = arith.subf %gather3A_334, %gather3A : vector<16xf32>
        %mul3A_394 = arith.mulf %mul3A_7, %sub3A_393 : vector<16xf32>
        %add3A_395 = arith.addf %gather3A, %mul3A_394 : vector<16xf32>
        %mul3A_396 = arith.constant 3.100000e+01 : f32
        %mul3A_397 = vector.broadcast %mul3A_396 : f32 to vector<16xf32>
        %mul3A_398 = arith.mulf %add3A_395, %mul3A_397 : vector<16xf32>
        %sub3A_399 = arith.subf %gather3A_338, %gather3A_330 : vector<16xf32>
        %mul3A_400 = arith.mulf %mul3A_7, %sub3A_399 : vector<16xf32>
        %add3A_401 = arith.addf %gather3A_330, %mul3A_400 : vector<16xf32>
        %mul3A_402 = arith.constant 3.100000e+01 : f32
        %mul3A_403 = vector.broadcast %mul3A_402 : f32 to vector<16xf32>
        %mul3A_404 = arith.mulf %add3A_401, %mul3A_403 : vector<16xf32>
        %convert_element_type3A_405 = arith.fptosi %mul3A_398 : vector<16xf32> to vector<16xi32>
        %convert_element_type3A_406 = arith.fptosi %mul3A_404 : vector<16xf32> to vector<16xi32>
        %convert_element_type3A_407 = arith.sitofp %convert_element_type3A_405 : vector<16xi32> to vector<16xf32>
        %sub3A_408 = arith.subf %mul3A_398, %convert_element_type3A_407 : vector<16xf32>
        %convert_element_type3A_409 = arith.sitofp %convert_element_type3A_406 : vector<16xi32> to vector<16xf32>
        %sub3A_410 = arith.subf %mul3A_404, %convert_element_type3A_409 : vector<16xf32>
        %add3A_411 = arith.constant 1 : i32
        %add3A_412 = vector.broadcast %add3A_411 : i32 to vector<16xi32>
        %add3A_413 = arith.addi %convert_element_type3A_405, %add3A_412 : vector<16xi32>
        %min3A_414 = arith.constant 31 : i32
        %min3A_415 = vector.broadcast %min3A_414 : i32 to vector<16xi32>
        %min3A_416 = arith.minsi %add3A_413, %min3A_415 : vector<16xi32>
        %add3A_417 = arith.constant 1 : i32
        %add3A_418 = vector.broadcast %add3A_417 : i32 to vector<16xi32>
        %add3A_419 = arith.addi %convert_element_type3A_406, %add3A_418 : vector<16xi32>
        %min3A_420 = arith.constant 31 : i32
        %min3A_421 = vector.broadcast %min3A_420 : i32 to vector<16xi32>
        %min3A_422 = arith.minsi %add3A_419, %min3A_421 : vector<16xi32>
        %swap3A = arith.constant 0 : index
        %swap3A_423 = tpu.vector_load %arg9[%swap3A] {strides = array<i32>} : memref<16xi32, #tpu.memory_space<vmem>>, vector<16xi32>,
        tpu.vector_store %arg9[%swap3A], %convert_element_type3A_405 {strides = array<i32>} : memref<16xi32, #tpu.memory_space<vmem>>, vector<16xi32>,
        %swap3A_424 = arith.constant 0 : index
        %swap3A_425 = tpu.vector_load %arg10[%swap3A_424] {strides = array<i32>} : memref<16xi32, #tpu.memory_space<vmem>>, vector<16xi32>,
        tpu.vector_store %arg10[%swap3A_424], %min3A_416 {strides = array<i32>} : memref<16xi32, #tpu.memory_space<vmem>>, vector<16xi32>,
        %swap3A_426 = arith.constant 0 : index
        %swap3A_427 = tpu.vector_load %arg11[%swap3A_426] {strides = array<i32>} : memref<16xi32, #tpu.memory_space<vmem>>, vector<16xi32>,
        tpu.vector_store %arg11[%swap3A_426], %convert_element_type3A_406 {strides = array<i32>} : memref<16xi32, #tpu.memory_space<vmem>>, vector<16xi32>,
        %swap3A_428 = arith.constant 0 : index
        %swap3A_429 = tpu.vector_load %arg12[%swap3A_428] {strides = array<i32>} : memref<16xi32, #tpu.memory_space<vmem>>, vector<16xi32>,
        tpu.vector_store %arg12[%swap3A_428], %min3A_422 {strides = array<i32>} : memref<16xi32, #tpu.memory_space<vmem>>, vector<16xi32>,
        %swap3A_430 = arith.constant 0 : index
        %swap3A_431 = tpu.vector_load %arg13[%swap3A_430] {strides = array<i32>} : memref<16xf32, #tpu.memory_space<vmem>>, vector<16xf32>,
        tpu.vector_store %arg13[%swap3A_430], %sub3A_408 {strides = array<i32>} : memref<16xf32, #tpu.memory_space<vmem>>, vector<16xf32>,
        %swap3A_432 = arith.constant 0 : index
        %swap3A_433 = tpu.vector_load %arg14[%swap3A_432] {strides = array<i32>} : memref<16xf32, #tpu.memory_space<vmem>>, vector<16xf32>,
        tpu.vector_store %arg14[%swap3A_432], %sub3A_410 {strides = array<i32>} : memref<16xf32, #tpu.memory_space<vmem>>, vector<16xf32>,
        %mul3A_434 = arith.constant 1024 : i32
        %mul3A_435 = arith.muli %select_n3A_326, %mul3A_434 : i32
        %broadcast_in_dim3A_436 = vector.broadcast %mul3A_435 : i32 to vector<16xi32>
        %gather3A_437 = tpu.vector_load_idx %arg9[%select_n3A] : memref<16xi32, #tpu.memory_space<vmem>>[vector<16xi32>], vector<16xi32>,
        %gather3A_438 = tpu.vector_load_idx %arg10[%select_n3A] : memref<16xi32, #tpu.memory_space<vmem>>[vector<16xi32>], vector<16xi32>,
        %gather3A_439 = tpu.vector_load_idx %arg11[%select_n3A_192] : memref<16xi32, #tpu.memory_space<vmem>>[vector<16xi32>], vector<16xi32>,
        %gather3A_440 = tpu.vector_load_idx %arg13[%select_n3A] : memref<16xf32, #tpu.memory_space<vmem>>[vector<16xi32>], vector<16xf32>,
        %swap3A_441 = arith.constant 0 : index
        %swap3A_442 = tpu.vector_load %arg15[%swap3A_441] {strides = array<i32>} : memref<64xf32, #tpu.memory_space<vmem>>, vector<16xf32>,
        tpu.vector_store %arg15[%swap3A_441], %gather3A_440 {strides = array<i32>} : memref<64xf32, #tpu.memory_space<vmem>>, vector<16xf32>,
        %gather3A_443 = tpu.vector_load_idx %arg14[%select_n3A_192] : memref<16xf32, #tpu.memory_space<vmem>>[vector<16xi32>], vector<16xf32>,
        %swap3A_444 = arith.constant 0 : index
        %swap3A_445 = tpu.vector_load %arg16[%swap3A_444] {strides = array<i32>} : memref<64xf32, #tpu.memory_space<vmem>>, vector<16xf32>,
        tpu.vector_store %arg16[%swap3A_444], %gather3A_443 {strides = array<i32>} : memref<64xf32, #tpu.memory_space<vmem>>, vector<16xf32>,
        %mul3A_446 = arith.constant 32 : i32
        %mul3A_447 = vector.broadcast %mul3A_446 : i32 to vector<16xi32>
        %mul3A_448 = arith.muli %gather3A_437, %mul3A_447 : vector<16xi32>
        %add3A_449 = arith.addi %broadcast_in_dim3A_436, %mul3A_448 : vector<16xi32>
        %add3A_450 = arith.addi %add3A_449, %gather3A_439 : vector<16xi32>
        %swap3A_451 = arith.constant 0 : index
        %swap3A_452 = tpu.vector_load %arg19[%swap3A_451] {strides = array<i32>} : memref<112xi32, #tpu.memory_space<vmem>>, vector<16xi32>,
        tpu.vector_store %arg19[%swap3A_451], %add3A_450 {strides = array<i32>} : memref<112xi32, #tpu.memory_space<vmem>>, vector<16xi32>,
        %mul3A_453 = arith.constant 32 : i32
        %mul3A_454 = vector.broadcast %mul3A_453 : i32 to vector<16xi32>
        %mul3A_455 = arith.muli %gather3A_438, %mul3A_454 : vector<16xi32>
        %add3A_456 = arith.addi %broadcast_in_dim3A_436, %mul3A_455 : vector<16xi32>
        %add3A_457 = arith.addi %add3A_456, %gather3A_439 : vector<16xi32>
        %swap3A_458 = arith.constant 0 : index
        %swap3A_459 = tpu.vector_load %arg20[%swap3A_458] {strides = array<i32>} : memref<112xi32, #tpu.memory_space<vmem>>, vector<16xi32>,
        tpu.vector_store %arg20[%swap3A_458], %add3A_457 {strides = array<i32>} : memref<112xi32, #tpu.memory_space<vmem>>, vector<16xi32>,
        %gather3A_460 = tpu.vector_load_idx %arg9[%select_n3A_67] : memref<16xi32, #tpu.memory_space<vmem>>[vector<16xi32>], vector<16xi32>,
        %gather3A_461 = tpu.vector_load_idx %arg10[%select_n3A_67] : memref<16xi32, #tpu.memory_space<vmem>>[vector<16xi32>], vector<16xi32>,
        %gather3A_462 = tpu.vector_load_idx %arg11[%select_n3A_217] : memref<16xi32, #tpu.memory_space<vmem>>[vector<16xi32>], vector<16xi32>,
        %gather3A_463 = tpu.vector_load_idx %arg13[%select_n3A_67] : memref<16xf32, #tpu.memory_space<vmem>>[vector<16xi32>], vector<16xf32>,
        %swap3A_464 = arith.constant 16 : index
        %swap3A_465 = tpu.vector_load %arg15[%swap3A_464] {strides = array<i32>} : memref<64xf32, #tpu.memory_space<vmem>>, vector<16xf32>,
        tpu.vector_store %arg15[%swap3A_464], %gather3A_463 {strides = array<i32>} : memref<64xf32, #tpu.memory_space<vmem>>, vector<16xf32>,
        %gather3A_466 = tpu.vector_load_idx %arg14[%select_n3A_217] : memref<16xf32, #tpu.memory_space<vmem>>[vector<16xi32>], vector<16xf32>,
        %swap3A_467 = arith.constant 16 : index
        %swap3A_468 = tpu.vector_load %arg16[%swap3A_467] {strides = array<i32>} : memref<64xf32, #tpu.memory_space<vmem>>, vector<16xf32>,
        tpu.vector_store %arg16[%swap3A_467], %gather3A_466 {strides = array<i32>} : memref<64xf32, #tpu.memory_space<vmem>>, vector<16xf32>,
        %mul3A_469 = arith.constant 32 : i32
        %mul3A_470 = vector.broadcast %mul3A_469 : i32 to vector<16xi32>
        %mul3A_471 = arith.muli %gather3A_460, %mul3A_470 : vector<16xi32>
        %add3A_472 = arith.addi %broadcast_in_dim3A_436, %mul3A_471 : vector<16xi32>
        %add3A_473 = arith.addi %add3A_472, %gather3A_462 : vector<16xi32>
        %swap3A_474 = arith.constant 16 : index
        %swap3A_475 = tpu.vector_load %arg19[%swap3A_474] {strides = array<i32>} : memref<112xi32, #tpu.memory_space<vmem>>, vector<16xi32>,
        tpu.vector_store %arg19[%swap3A_474], %add3A_473 {strides = array<i32>} : memref<112xi32, #tpu.memory_space<vmem>>, vector<16xi32>,
        %mul3A_476 = arith.constant 32 : i32
        %mul3A_477 = vector.broadcast %mul3A_476 : i32 to vector<16xi32>
        %mul3A_478 = arith.muli %gather3A_461, %mul3A_477 : vector<16xi32>
        %add3A_479 = arith.addi %broadcast_in_dim3A_436, %mul3A_478 : vector<16xi32>
        %add3A_480 = arith.addi %add3A_479, %gather3A_462 : vector<16xi32>
        %swap3A_481 = arith.constant 16 : index
        %swap3A_482 = tpu.vector_load %arg20[%swap3A_481] {strides = array<i32>} : memref<112xi32, #tpu.memory_space<vmem>>, vector<16xi32>,
        tpu.vector_store %arg20[%swap3A_481], %add3A_480 {strides = array<i32>} : memref<112xi32, #tpu.memory_space<vmem>>, vector<16xi32>,
        %gather3A_483 = tpu.vector_load_idx %arg9[%select_n3A_101] : memref<16xi32, #tpu.memory_space<vmem>>[vector<16xi32>], vector<16xi32>,
        %gather3A_484 = tpu.vector_load_idx %arg10[%select_n3A_101] : memref<16xi32, #tpu.memory_space<vmem>>[vector<16xi32>], vector<16xi32>,
        %gather3A_485 = tpu.vector_load_idx %arg11[%select_n3A_242] : memref<16xi32, #tpu.memory_space<vmem>>[vector<16xi32>], vector<16xi32>,
        %gather3A_486 = tpu.vector_load_idx %arg13[%select_n3A_101] : memref<16xf32, #tpu.memory_space<vmem>>[vector<16xi32>], vector<16xf32>,
        %swap3A_487 = arith.constant 32 : index
        %swap3A_488 = tpu.vector_load %arg15[%swap3A_487] {strides = array<i32>} : memref<64xf32, #tpu.memory_space<vmem>>, vector<16xf32>,
        tpu.vector_store %arg15[%swap3A_487], %gather3A_486 {strides = array<i32>} : memref<64xf32, #tpu.memory_space<vmem>>, vector<16xf32>,
        %gather3A_489 = tpu.vector_load_idx %arg14[%select_n3A_242] : memref<16xf32, #tpu.memory_space<vmem>>[vector<16xi32>], vector<16xf32>,
        %swap3A_490 = arith.constant 32 : index
        %swap3A_491 = tpu.vector_load %arg16[%swap3A_490] {strides = array<i32>} : memref<64xf32, #tpu.memory_space<vmem>>, vector<16xf32>,
        tpu.vector_store %arg16[%swap3A_490], %gather3A_489 {strides = array<i32>} : memref<64xf32, #tpu.memory_space<vmem>>, vector<16xf32>,
        %mul3A_492 = arith.constant 32 : i32
        %mul3A_493 = vector.broadcast %mul3A_492 : i32 to vector<16xi32>
        %mul3A_494 = arith.muli %gather3A_483, %mul3A_493 : vector<16xi32>
        %add3A_495 = arith.addi %broadcast_in_dim3A_436, %mul3A_494 : vector<16xi32>
        %add3A_496 = arith.addi %add3A_495, %gather3A_485 : vector<16xi32>
        %swap3A_497 = arith.constant 32 : index
        %swap3A_498 = tpu.vector_load %arg19[%swap3A_497] {strides = array<i32>} : memref<112xi32, #tpu.memory_space<vmem>>, vector<16xi32>,
        tpu.vector_store %arg19[%swap3A_497], %add3A_496 {strides = array<i32>} : memref<112xi32, #tpu.memory_space<vmem>>, vector<16xi32>,
        %mul3A_499 = arith.constant 32 : i32
        %mul3A_500 = vector.broadcast %mul3A_499 : i32 to vector<16xi32>
        %mul3A_501 = arith.muli %gather3A_484, %mul3A_500 : vector<16xi32>
        %add3A_502 = arith.addi %broadcast_in_dim3A_436, %mul3A_501 : vector<16xi32>
        %add3A_503 = arith.addi %add3A_502, %gather3A_485 : vector<16xi32>
        %swap3A_504 = arith.constant 32 : index
        %swap3A_505 = tpu.vector_load %arg20[%swap3A_504] {strides = array<i32>} : memref<112xi32, #tpu.memory_space<vmem>>, vector<16xi32>,
        tpu.vector_store %arg20[%swap3A_504], %add3A_503 {strides = array<i32>} : memref<112xi32, #tpu.memory_space<vmem>>, vector<16xi32>,
        %gather3A_506 = tpu.vector_load_idx %arg9[%select_n3A_135] : memref<16xi32, #tpu.memory_space<vmem>>[vector<16xi32>], vector<16xi32>,
        %gather3A_507 = tpu.vector_load_idx %arg10[%select_n3A_135] : memref<16xi32, #tpu.memory_space<vmem>>[vector<16xi32>], vector<16xi32>,
        %gather3A_508 = tpu.vector_load_idx %arg11[%select_n3A_267] : memref<16xi32, #tpu.memory_space<vmem>>[vector<16xi32>], vector<16xi32>,
        %gather3A_509 = tpu.vector_load_idx %arg13[%select_n3A_135] : memref<16xf32, #tpu.memory_space<vmem>>[vector<16xi32>], vector<16xf32>,
        %swap3A_510 = arith.constant 48 : index
        %swap3A_511 = tpu.vector_load %arg15[%swap3A_510] {strides = array<i32>} : memref<64xf32, #tpu.memory_space<vmem>>, vector<16xf32>,
        tpu.vector_store %arg15[%swap3A_510], %gather3A_509 {strides = array<i32>} : memref<64xf32, #tpu.memory_space<vmem>>, vector<16xf32>,
        %gather3A_512 = tpu.vector_load_idx %arg14[%select_n3A_267] : memref<16xf32, #tpu.memory_space<vmem>>[vector<16xi32>], vector<16xf32>,
        %swap3A_513 = arith.constant 48 : index
        %swap3A_514 = tpu.vector_load %arg16[%swap3A_513] {strides = array<i32>} : memref<64xf32, #tpu.memory_space<vmem>>, vector<16xf32>,
        tpu.vector_store %arg16[%swap3A_513], %gather3A_512 {strides = array<i32>} : memref<64xf32, #tpu.memory_space<vmem>>, vector<16xf32>,
        %mul3A_515 = arith.constant 32 : i32
        %mul3A_516 = vector.broadcast %mul3A_515 : i32 to vector<16xi32>
        %mul3A_517 = arith.muli %gather3A_506, %mul3A_516 : vector<16xi32>
        %add3A_518 = arith.addi %broadcast_in_dim3A_436, %mul3A_517 : vector<16xi32>
        %add3A_519 = arith.addi %add3A_518, %gather3A_508 : vector<16xi32>
        %swap3A_520 = arith.constant 48 : index
        %swap3A_521 = tpu.vector_load %arg19[%swap3A_520] {strides = array<i32>} : memref<112xi32, #tpu.memory_space<vmem>>, vector<16xi32>,
        tpu.vector_store %arg19[%swap3A_520], %add3A_519 {strides = array<i32>} : memref<112xi32, #tpu.memory_space<vmem>>, vector<16xi32>,
        %mul3A_522 = arith.constant 32 : i32
        %mul3A_523 = vector.broadcast %mul3A_522 : i32 to vector<16xi32>
        %mul3A_524 = arith.muli %gather3A_507, %mul3A_523 : vector<16xi32>
        %add3A_525 = arith.addi %broadcast_in_dim3A_436, %mul3A_524 : vector<16xi32>
        %add3A_526 = arith.addi %add3A_525, %gather3A_508 : vector<16xi32>
        %swap3A_527 = arith.constant 48 : index
        %swap3A_528 = tpu.vector_load %arg20[%swap3A_527] {strides = array<i32>} : memref<112xi32, #tpu.memory_space<vmem>>, vector<16xi32>,
        tpu.vector_store %arg20[%swap3A_527], %add3A_526 {strides = array<i32>} : memref<112xi32, #tpu.memory_space<vmem>>, vector<16xi32>,
        %gather3A_529 = tpu.vector_load_idx %arg12[%select_n3A_192] : memref<16xi32, #tpu.memory_space<vmem>>[vector<16xi32>], vector<16xi32>,
        %mul3A_530 = arith.constant 32 : i32
        %mul3A_531 = vector.broadcast %mul3A_530 : i32 to vector<16xi32>
        %mul3A_532 = arith.muli %gather3A_437, %mul3A_531 : vector<16xi32>
        %add3A_533 = arith.addi %broadcast_in_dim3A_436, %mul3A_532 : vector<16xi32>
        %add3A_534 = arith.addi %add3A_533, %gather3A_529 : vector<16xi32>
        %swap3A_535 = arith.constant 56 : index
        %swap3A_536 = tpu.vector_load %arg19[%swap3A_535] {strides = array<i32>} : memref<112xi32, #tpu.memory_space<vmem>>, vector<16xi32>,
        tpu.vector_store %arg19[%swap3A_535], %add3A_534 {strides = array<i32>} : memref<112xi32, #tpu.memory_space<vmem>>, vector<16xi32>,
        %mul3A_537 = arith.constant 32 : i32
        %mul3A_538 = vector.broadcast %mul3A_537 : i32 to vector<16xi32>
        %mul3A_539 = arith.muli %gather3A_438, %mul3A_538 : vector<16xi32>
        %add3A_540 = arith.addi %broadcast_in_dim3A_436, %mul3A_539 : vector<16xi32>
        %add3A_541 = arith.addi %add3A_540, %gather3A_529 : vector<16xi32>
        %swap3A_542 = arith.constant 56 : index
        %swap3A_543 = tpu.vector_load %arg20[%swap3A_542] {strides = array<i32>} : memref<112xi32, #tpu.memory_space<vmem>>, vector<16xi32>,
        tpu.vector_store %arg20[%swap3A_542], %add3A_541 {strides = array<i32>} : memref<112xi32, #tpu.memory_space<vmem>>, vector<16xi32>,
        %gather3A_544 = tpu.vector_load_idx %arg12[%select_n3A_217] : memref<16xi32, #tpu.memory_space<vmem>>[vector<16xi32>], vector<16xi32>,
        %mul3A_545 = arith.constant 32 : i32
        %mul3A_546 = vector.broadcast %mul3A_545 : i32 to vector<16xi32>
        %mul3A_547 = arith.muli %gather3A_460, %mul3A_546 : vector<16xi32>
        %add3A_548 = arith.addi %broadcast_in_dim3A_436, %mul3A_547 : vector<16xi32>
        %add3A_549 = arith.addi %add3A_548, %gather3A_544 : vector<16xi32>
        %swap3A_550 = arith.constant 72 : index
        %swap3A_551 = tpu.vector_load %arg19[%swap3A_550] {strides = array<i32>} : memref<112xi32, #tpu.memory_space<vmem>>, vector<16xi32>,
        tpu.vector_store %arg19[%swap3A_550], %add3A_549 {strides = array<i32>} : memref<112xi32, #tpu.memory_space<vmem>>, vector<16xi32>,
        %mul3A_552 = arith.constant 32 : i32
        %mul3A_553 = vector.broadcast %mul3A_552 : i32 to vector<16xi32>
        %mul3A_554 = arith.muli %gather3A_461, %mul3A_553 : vector<16xi32>
        %add3A_555 = arith.addi %broadcast_in_dim3A_436, %mul3A_554 : vector<16xi32>
        %add3A_556 = arith.addi %add3A_555, %gather3A_544 : vector<16xi32>
        %swap3A_557 = arith.constant 72 : index
        %swap3A_558 = tpu.vector_load %arg20[%swap3A_557] {strides = array<i32>} : memref<112xi32, #tpu.memory_space<vmem>>, vector<16xi32>,
        tpu.vector_store %arg20[%swap3A_557], %add3A_556 {strides = array<i32>} : memref<112xi32, #tpu.memory_space<vmem>>, vector<16xi32>,
        %gather3A_559 = tpu.vector_load_idx %arg12[%select_n3A_242] : memref<16xi32, #tpu.memory_space<vmem>>[vector<16xi32>], vector<16xi32>,
        %mul3A_560 = arith.constant 32 : i32
        %mul3A_561 = vector.broadcast %mul3A_560 : i32 to vector<16xi32>
        %mul3A_562 = arith.muli %gather3A_483, %mul3A_561 : vector<16xi32>
        %add3A_563 = arith.addi %broadcast_in_dim3A_436, %mul3A_562 : vector<16xi32>
        %add3A_564 = arith.addi %add3A_563, %gather3A_559 : vector<16xi32>
        %swap3A_565 = arith.constant 88 : index
        %swap3A_566 = tpu.vector_load %arg19[%swap3A_565] {strides = array<i32>} : memref<112xi32, #tpu.memory_space<vmem>>, vector<16xi32>,
        tpu.vector_store %arg19[%swap3A_565], %add3A_564 {strides = array<i32>} : memref<112xi32, #tpu.memory_space<vmem>>, vector<16xi32>,
        %mul3A_567 = arith.constant 32 : i32
        %mul3A_568 = vector.broadcast %mul3A_567 : i32 to vector<16xi32>
        %mul3A_569 = arith.muli %gather3A_484, %mul3A_568 : vector<16xi32>
        %add3A_570 = arith.addi %broadcast_in_dim3A_436, %mul3A_569 : vector<16xi32>
        %add3A_571 = arith.addi %add3A_570, %gather3A_559 : vector<16xi32>
        %swap3A_572 = arith.constant 88 : index
        %swap3A_573 = tpu.vector_load %arg20[%swap3A_572] {strides = array<i32>} : memref<112xi32, #tpu.memory_space<vmem>>, vector<16xi32>,
        tpu.vector_store %arg20[%swap3A_572], %add3A_571 {strides = array<i32>} : memref<112xi32, #tpu.memory_space<vmem>>, vector<16xi32>,
        %gather3A_574 = tpu.vector_load_idx %arg9[%select_n3A_169] : memref<16xi32, #tpu.memory_space<vmem>>[vector<16xi32>], vector<16xi32>,
        %gather3A_575 = tpu.vector_load_idx %arg10[%select_n3A_169] : memref<16xi32, #tpu.memory_space<vmem>>[vector<16xi32>], vector<16xi32>,
        %gather3A_576 = tpu.vector_load_idx %arg12[%select_n3A_292] : memref<16xi32, #tpu.memory_space<vmem>>[vector<16xi32>], vector<16xi32>,
        %mul3A_577 = arith.constant 32 : i32
        %mul3A_578 = vector.broadcast %mul3A_577 : i32 to vector<16xi32>
        %mul3A_579 = arith.muli %gather3A_574, %mul3A_578 : vector<16xi32>
        %add3A_580 = arith.addi %broadcast_in_dim3A_436, %mul3A_579 : vector<16xi32>
        %add3A_581 = arith.addi %add3A_580, %gather3A_576 : vector<16xi32>
        %swap3A_582 = arith.constant 96 : index
        %swap3A_583 = tpu.vector_load %arg19[%swap3A_582] {strides = array<i32>} : memref<112xi32, #tpu.memory_space<vmem>>, vector<16xi32>,
        tpu.vector_store %arg19[%swap3A_582], %add3A_581 {strides = array<i32>} : memref<112xi32, #tpu.memory_space<vmem>>, vector<16xi32>,
        %mul3A_584 = arith.constant 32 : i32
        %mul3A_585 = vector.broadcast %mul3A_584 : i32 to vector<16xi32>
        %mul3A_586 = arith.muli %gather3A_575, %mul3A_585 : vector<16xi32>
        %add3A_587 = arith.addi %broadcast_in_dim3A_436, %mul3A_586 : vector<16xi32>
        %add3A_588 = arith.addi %add3A_587, %gather3A_576 : vector<16xi32>
        %swap3A_589 = arith.constant 96 : index
        %swap3A_590 = tpu.vector_load %arg20[%swap3A_589] {strides = array<i32>} : memref<112xi32, #tpu.memory_space<vmem>>, vector<16xi32>,
        tpu.vector_store %arg20[%swap3A_589], %add3A_588 {strides = array<i32>} : memref<112xi32, #tpu.memory_space<vmem>>, vector<16xi32>,
        %dma_start3A = arith.constant 0 : i32
        %dma_start3A_591 = arith.constant 0 : i32
        %dma_start3A_592 = tpu.memref_slice %arg6[%dma_start3A, %dma_start3A_591] : memref<2048x256xf32, #tpu.memory_space<hbm>> -> memref<2048x256xf32, #tpu.memory_space<hbm>>
        tpu.enqueue_indirect_dma source(%dma_start3A_592 : memref<2048x256xf32, #tpu.memory_space<hbm>>) target(%arg23 : memref<112x256xf32, #tpu.memory_space<vmem>>) offsets(%arg19 : memref<112xi32, #tpu.memory_space<vmem>>) semaphore(%arg27 : memref<!tpu.dma_semaphore, #tpu.memory_space<semaphore_mem>>)
        %dma_start3A_593 = arith.constant 0 : i32
        %dma_start3A_594 = arith.constant 0 : i32
        %dma_start3A_595 = tpu.memref_slice %arg6[%dma_start3A_593, %dma_start3A_594] : memref<2048x256xf32, #tpu.memory_space<hbm>> -> memref<2048x256xf32, #tpu.memory_space<hbm>>
        tpu.enqueue_indirect_dma source(%dma_start3A_595 : memref<2048x256xf32, #tpu.memory_space<hbm>>) target(%arg24 : memref<112x256xf32, #tpu.memory_space<vmem>>) offsets(%arg20 : memref<112xi32, #tpu.memory_space<vmem>>) semaphore(%arg27 : memref<!tpu.dma_semaphore, #tpu.memory_space<semaphore_mem>>)
      } else {
      }
      %dma_wait3A = arith.constant 0 : i32
      %dma_wait3A_375 = arith.constant 0 : i32
      %dma_wait3A_376 = tpu.memref_slice %arg3[%dma_wait3A, %dma_wait3A_375] : memref<131072x256xf32, #tpu.memory_space<hbm>> -> memref<112x256xf32, #tpu.memory_space<hbm>>
      %dma_wait3A_377 = arith.constant 0 : i32
      %dma_wait3A_378 = arith.constant 0 : i32
      %dma_wait3A_379 = tpu.memref_slice %arg3[%dma_wait3A_377, %dma_wait3A_378] : memref<131072x256xf32, #tpu.memory_space<hbm>> -> memref<112x256xf32, #tpu.memory_space<hbm>>
      tpu.wait_dma2 semaphore(%arg27 : memref<!tpu.dma_semaphore, #tpu.memory_space<semaphore_mem>>) src(%dma_wait3A_379 : memref<112x256xf32, #tpu.memory_space<hbm>>) dst(%arg23 : memref<112x256xf32, #tpu.memory_space<vmem>>)
      %dma_wait3A_380 = arith.constant 0 : i32
      %dma_wait3A_381 = arith.constant 0 : i32
      %dma_wait3A_382 = tpu.memref_slice %arg3[%dma_wait3A_380, %dma_wait3A_381] : memref<131072x256xf32, #tpu.memory_space<hbm>> -> memref<112x256xf32, #tpu.memory_space<hbm>>
      %dma_wait3A_383 = arith.constant 0 : i32
      %dma_wait3A_384 = arith.constant 0 : i32
      %dma_wait3A_385 = tpu.memref_slice %arg3[%dma_wait3A_383, %dma_wait3A_384] : memref<131072x256xf32, #tpu.memory_space<hbm>> -> memref<112x256xf32, #tpu.memory_space<hbm>>
      tpu.wait_dma2 semaphore(%arg27 : memref<!tpu.dma_semaphore, #tpu.memory_space<semaphore_mem>>) src(%dma_wait3A_385 : memref<112x256xf32, #tpu.memory_space<hbm>>) dst(%arg24 : memref<112x256xf32, #tpu.memory_space<vmem>>)
      %add3A_386 = arith.addi %mul3A_2, %scan3A_301 : i32
      %scan3A_387 = arith.constant 0 : i32
      %scan3A_388 = arith.constant 0 : i32
      %scan3A_389 = arith.constant 49 : i32
      %scan3A_390 = arith.addi %scan3A_388, %scan3A_389 : i32
      %scan3A_391 = arith.constant 1 : i32
      scf.for %scan3A_393 = %scan3A_388 to %scan3A_390 step %scan3A_391  : i32 {
        %broadcast_in_dim3A_394 = vector.broadcast %scan3A_393 : i32 to vector<16xi32>
        %gather3A_395 = tpu.vector_load_idx %arg16[%broadcast_in_dim3A_394] : memref<64xf32, #tpu.memory_space<vmem>>[vector<16xi32>], vector<16xf32>,
        %gather3A_396 = tpu.vector_load_idx %arg15[%broadcast_in_dim3A_394] : memref<64xf32, #tpu.memory_space<vmem>>[vector<16xi32>], vector<16xf32>,
        %get3A = arith.index_cast %scan3A_393 : i32 to index
        %get3A_397 = arith.constant 0 : index
        %get3A_398 = tpu.vector_load %arg23[%get3A, %get3A_397] {strides = array<i32>} : memref<112x256xf32, #tpu.memory_space<vmem>>, vector<16xf32>,
        %add3A_399 = arith.constant 56 : i32
        %add3A_400 = arith.addi %add3A_399, %scan3A_393 : i32
        %get3A_401 = arith.index_cast %add3A_400 : i32 to index
        %get3A_402 = arith.constant 0 : index
        %get3A_403 = tpu.vector_load %arg23[%get3A_401, %get3A_402] {strides = array<i32>} : memref<112x256xf32, #tpu.memory_space<vmem>>, vector<16xf32>,
        %get3A_404 = arith.index_cast %scan3A_393 : i32 to index
        %get3A_405 = arith.constant 0 : index
        %get3A_406 = tpu.vector_load %arg24[%get3A_404, %get3A_405] {strides = array<i32>} : memref<112x256xf32, #tpu.memory_space<vmem>>, vector<16xf32>,
        %add3A_407 = arith.constant 56 : i32
        %add3A_408 = arith.addi %add3A_407, %scan3A_393 : i32
        %get3A_409 = arith.index_cast %add3A_408 : i32 to index
        %get3A_410 = arith.constant 0 : index
        %get3A_411 = tpu.vector_load %arg24[%get3A_409, %get3A_410] {strides = array<i32>} : memref<112x256xf32, #tpu.memory_space<vmem>>, vector<16xf32>,
        %sub3A_412 = arith.subf %get3A_403, %get3A_398 : vector<16xf32>
        %mul3A_413 = arith.mulf %gather3A_395, %sub3A_412 : vector<16xf32>
        %add3A_414 = arith.addf %get3A_398, %mul3A_413 : vector<16xf32>
        %sub3A_415 = arith.subf %get3A_411, %get3A_406 : vector<16xf32>
        %mul3A_416 = arith.mulf %gather3A_395, %sub3A_415 : vector<16xf32>
        %add3A_417 = arith.addf %get3A_406, %mul3A_416 : vector<16xf32>
        %sub3A_418 = arith.subf %add3A_417, %add3A_414 : vector<16xf32>
        %mul3A_419 = arith.mulf %gather3A_396, %sub3A_418 : vector<16xf32>
        %add3A_420 = arith.addf %add3A_414, %mul3A_419 : vector<16xf32>
        %swap3A = arith.index_cast %scan3A_393 : i32 to index
        %swap3A_421 = arith.constant 0 : index
        %swap3A_422 = tpu.vector_load %arg23[%swap3A, %swap3A_421] {strides = array<i32>} : memref<112x256xf32, #tpu.memory_space<vmem>>, vector<16xf32>,
        tpu.vector_store %arg23[%swap3A, %swap3A_421], %add3A_420 {strides = array<i32>} : memref<112x256xf32, #tpu.memory_space<vmem>>, vector<16xf32>,
        %get3A_423 = arith.index_cast %scan3A_393 : i32 to index
        %get3A_424 = arith.constant 16 : index
        %get3A_425 = tpu.vector_load %arg23[%get3A_423, %get3A_424] {strides = array<i32>} : memref<112x256xf32, #tpu.memory_space<vmem>>, vector<16xf32>,
        %add3A_426 = arith.constant 56 : i32
        %add3A_427 = arith.addi %add3A_426, %scan3A_393 : i32
        %get3A_428 = arith.index_cast %add3A_427 : i32 to index
        %get3A_429 = arith.constant 16 : index
        %get3A_430 = tpu.vector_load %arg23[%get3A_428, %get3A_429] {strides = array<i32>} : memref<112x256xf32, #tpu.memory_space<vmem>>, vector<16xf32>,
        %get3A_431 = arith.index_cast %scan3A_393 : i32 to index
        %get3A_432 = arith.constant 16 : index
        %get3A_433 = tpu.vector_load %arg24[%get3A_431, %get3A_432] {strides = array<i32>} : memref<112x256xf32, #tpu.memory_space<vmem>>, vector<16xf32>,
        %add3A_434 = arith.constant 56 : i32
        %add3A_435 = arith.addi %add3A_434, %scan3A_393 : i32
        %get3A_436 = arith.index_cast %add3A_435 : i32 to index
        %get3A_437 = arith.constant 16 : index
        %get3A_438 = tpu.vector_load %arg24[%get3A_436, %get3A_437] {strides = array<i32>} : memref<112x256xf32, #tpu.memory_space<vmem>>, vector<16xf32>,
        %sub3A_439 = arith.subf %get3A_430, %get3A_425 : vector<16xf32>
        %mul3A_440 = arith.mulf %gather3A_395, %sub3A_439 : vector<16xf32>
        %add3A_441 = arith.addf %get3A_425, %mul3A_440 : vector<16xf32>
        %sub3A_442 = arith.subf %get3A_438, %get3A_433 : vector<16xf32>
        %mul3A_443 = arith.mulf %gather3A_395, %sub3A_442 : vector<16xf32>
        %add3A_444 = arith.addf %get3A_433, %mul3A_443 : vector<16xf32>
        %sub3A_445 = arith.subf %add3A_444, %add3A_441 : vector<16xf32>
        %mul3A_446 = arith.mulf %gather3A_396, %sub3A_445 : vector<16xf32>
        %add3A_447 = arith.addf %add3A_441, %mul3A_446 : vector<16xf32>
        %swap3A_448 = arith.index_cast %scan3A_393 : i32 to index
        %swap3A_449 = arith.constant 16 : index
        %swap3A_450 = tpu.vector_load %arg23[%swap3A_448, %swap3A_449] {strides = array<i32>} : memref<112x256xf32, #tpu.memory_space<vmem>>, vector<16xf32>,
        tpu.vector_store %arg23[%swap3A_448, %swap3A_449], %add3A_447 {strides = array<i32>} : memref<112x256xf32, #tpu.memory_space<vmem>>, vector<16xf32>,
        %get3A_451 = arith.index_cast %scan3A_393 : i32 to index
        %get3A_452 = arith.constant 32 : index
        %get3A_453 = tpu.vector_load %arg23[%get3A_451, %get3A_452] {strides = array<i32>} : memref<112x256xf32, #tpu.memory_space<vmem>>, vector<16xf32>,
        %add3A_454 = arith.constant 56 : i32
        %add3A_455 = arith.addi %add3A_454, %scan3A_393 : i32
        %get3A_456 = arith.index_cast %add3A_455 : i32 to index
        %get3A_457 = arith.constant 32 : index
        %get3A_458 = tpu.vector_load %arg23[%get3A_456, %get3A_457] {strides = array<i32>} : memref<112x256xf32, #tpu.memory_space<vmem>>, vector<16xf32>,
        %get3A_459 = arith.index_cast %scan3A_393 : i32 to index
        %get3A_460 = arith.constant 32 : index
        %get3A_461 = tpu.vector_load %arg24[%get3A_459, %get3A_460] {strides = array<i32>} : memref<112x256xf32, #tpu.memory_space<vmem>>, vector<16xf32>,
        %add3A_462 = arith.constant 56 : i32
        %add3A_463 = arith.addi %add3A_462, %scan3A_393 : i32
        %get3A_464 = arith.index_cast %add3A_463 : i32 to index
        %get3A_465 = arith.constant 32 : index
        %get3A_466 = tpu.vector_load %arg24[%get3A_464, %get3A_465] {strides = array<i32>} : memref<112x256xf32, #tpu.memory_space<vmem>>, vector<16xf32>,
        %sub3A_467 = arith.subf %get3A_458, %get3A_453 : vector<16xf32>
        %mul3A_468 = arith.mulf %gather3A_395, %sub3A_467 : vector<16xf32>
        %add3A_469 = arith.addf %get3A_453, %mul3A_468 : vector<16xf32>
        %sub3A_470 = arith.subf %get3A_466, %get3A_461 : vector<16xf32>
        %mul3A_471 = arith.mulf %gather3A_395, %sub3A_470 : vector<16xf32>
        %add3A_472 = arith.addf %get3A_461, %mul3A_471 : vector<16xf32>
        %sub3A_473 = arith.subf %add3A_472, %add3A_469 : vector<16xf32>
        %mul3A_474 = arith.mulf %gather3A_396, %sub3A_473 : vector<16xf32>
        %add3A_475 = arith.addf %add3A_469, %mul3A_474 : vector<16xf32>
        %swap3A_476 = arith.index_cast %scan3A_393 : i32 to index
        %swap3A_477 = arith.constant 32 : index
        %swap3A_478 = tpu.vector_load %arg23[%swap3A_476, %swap3A_477] {strides = array<i32>} : memref<112x256xf32, #tpu.memory_space<vmem>>, vector<16xf32>,
        tpu.vector_store %arg23[%swap3A_476, %swap3A_477], %add3A_475 {strides = array<i32>} : memref<112x256xf32, #tpu.memory_space<vmem>>, vector<16xf32>,
        %get3A_479 = arith.index_cast %scan3A_393 : i32 to index
        %get3A_480 = arith.constant 48 : index
        %get3A_481 = tpu.vector_load %arg23[%get3A_479, %get3A_480] {strides = array<i32>} : memref<112x256xf32, #tpu.memory_space<vmem>>, vector<16xf32>,
        %add3A_482 = arith.constant 56 : i32
        %add3A_483 = arith.addi %add3A_482, %scan3A_393 : i32
        %get3A_484 = arith.index_cast %add3A_483 : i32 to index
        %get3A_485 = arith.constant 48 : index
        %get3A_486 = tpu.vector_load %arg23[%get3A_484, %get3A_485] {strides = array<i32>} : memref<112x256xf32, #tpu.memory_space<vmem>>, vector<16xf32>,
        %get3A_487 = arith.index_cast %scan3A_393 : i32 to index
        %get3A_488 = arith.constant 48 : index
        %get3A_489 = tpu.vector_load %arg24[%get3A_487, %get3A_488] {strides = array<i32>} : memref<112x256xf32, #tpu.memory_space<vmem>>, vector<16xf32>,
        %add3A_490 = arith.constant 56 : i32
        %add3A_491 = arith.addi %add3A_490, %scan3A_393 : i32
        %get3A_492 = arith.index_cast %add3A_491 : i32 to index
        %get3A_493 = arith.constant 48 : index
        %get3A_494 = tpu.vector_load %arg24[%get3A_492, %get3A_493] {strides = array<i32>} : memref<112x256xf32, #tpu.memory_space<vmem>>, vector<16xf32>,
        %sub3A_495 = arith.subf %get3A_486, %get3A_481 : vector<16xf32>
        %mul3A_496 = arith.mulf %gather3A_395, %sub3A_495 : vector<16xf32>
        %add3A_497 = arith.addf %get3A_481, %mul3A_496 : vector<16xf32>
        %sub3A_498 = arith.subf %get3A_494, %get3A_489 : vector<16xf32>
        %mul3A_499 = arith.mulf %gather3A_395, %sub3A_498 : vector<16xf32>
        %add3A_500 = arith.addf %get3A_489, %mul3A_499 : vector<16xf32>
        %sub3A_501 = arith.subf %add3A_500, %add3A_497 : vector<16xf32>
        %mul3A_502 = arith.mulf %gather3A_396, %sub3A_501 : vector<16xf32>
        %add3A_503 = arith.addf %add3A_497, %mul3A_502 : vector<16xf32>
        %swap3A_504 = arith.index_cast %scan3A_393 : i32 to index
        %swap3A_505 = arith.constant 48 : index
        %swap3A_506 = tpu.vector_load %arg23[%swap3A_504, %swap3A_505] {strides = array<i32>} : memref<112x256xf32, #tpu.memory_space<vmem>>, vector<16xf32>,
        tpu.vector_store %arg23[%swap3A_504, %swap3A_505], %add3A_503 {strides = array<i32>} : memref<112x256xf32, #tpu.memory_space<vmem>>, vector<16xf32>,
        %get3A_507 = arith.index_cast %scan3A_393 : i32 to index
        %get3A_508 = arith.constant 64 : index
        %get3A_509 = tpu.vector_load %arg23[%get3A_507, %get3A_508] {strides = array<i32>} : memref<112x256xf32, #tpu.memory_space<vmem>>, vector<16xf32>,
        %add3A_510 = arith.constant 56 : i32
        %add3A_511 = arith.addi %add3A_510, %scan3A_393 : i32
        %get3A_512 = arith.index_cast %add3A_511 : i32 to index
        %get3A_513 = arith.constant 64 : index
        %get3A_514 = tpu.vector_load %arg23[%get3A_512, %get3A_513] {strides = array<i32>} : memref<112x256xf32, #tpu.memory_space<vmem>>, vector<16xf32>,
        %get3A_515 = arith.index_cast %scan3A_393 : i32 to index
        %get3A_516 = arith.constant 64 : index
        %get3A_517 = tpu.vector_load %arg24[%get3A_515, %get3A_516] {strides = array<i32>} : memref<112x256xf32, #tpu.memory_space<vmem>>, vector<16xf32>,
        %add3A_518 = arith.constant 56 : i32
        %add3A_519 = arith.addi %add3A_518, %scan3A_393 : i32
        %get3A_520 = arith.index_cast %add3A_519 : i32 to index
        %get3A_521 = arith.constant 64 : index
        %get3A_522 = tpu.vector_load %arg24[%get3A_520, %get3A_521] {strides = array<i32>} : memref<112x256xf32, #tpu.memory_space<vmem>>, vector<16xf32>,
        %sub3A_523 = arith.subf %get3A_514, %get3A_509 : vector<16xf32>
        %mul3A_524 = arith.mulf %gather3A_395, %sub3A_523 : vector<16xf32>
        %add3A_525 = arith.addf %get3A_509, %mul3A_524 : vector<16xf32>
        %sub3A_526 = arith.subf %get3A_522, %get3A_517 : vector<16xf32>
        %mul3A_527 = arith.mulf %gather3A_395, %sub3A_526 : vector<16xf32>
        %add3A_528 = arith.addf %get3A_517, %mul3A_527 : vector<16xf32>
        %sub3A_529 = arith.subf %add3A_528, %add3A_525 : vector<16xf32>
        %mul3A_530 = arith.mulf %gather3A_396, %sub3A_529 : vector<16xf32>
        %add3A_531 = arith.addf %add3A_525, %mul3A_530 : vector<16xf32>
        %swap3A_532 = arith.index_cast %scan3A_393 : i32 to index
        %swap3A_533 = arith.constant 64 : index
        %swap3A_534 = tpu.vector_load %arg23[%swap3A_532, %swap3A_533] {strides = array<i32>} : memref<112x256xf32, #tpu.memory_space<vmem>>, vector<16xf32>,
        tpu.vector_store %arg23[%swap3A_532, %swap3A_533], %add3A_531 {strides = array<i32>} : memref<112x256xf32, #tpu.memory_space<vmem>>, vector<16xf32>,
        %get3A_535 = arith.index_cast %scan3A_393 : i32 to index
        %get3A_536 = arith.constant 80 : index
        %get3A_537 = tpu.vector_load %arg23[%get3A_535, %get3A_536] {strides = array<i32>} : memref<112x256xf32, #tpu.memory_space<vmem>>, vector<16xf32>,
        %add3A_538 = arith.constant 56 : i32
        %add3A_539 = arith.addi %add3A_538, %scan3A_393 : i32
        %get3A_540 = arith.index_cast %add3A_539 : i32 to index
        %get3A_541 = arith.constant 80 : index
        %get3A_542 = tpu.vector_load %arg23[%get3A_540, %get3A_541] {strides = array<i32>} : memref<112x256xf32, #tpu.memory_space<vmem>>, vector<16xf32>,
        %get3A_543 = arith.index_cast %scan3A_393 : i32 to index
        %get3A_544 = arith.constant 80 : index
        %get3A_545 = tpu.vector_load %arg24[%get3A_543, %get3A_544] {strides = array<i32>} : memref<112x256xf32, #tpu.memory_space<vmem>>, vector<16xf32>,
        %add3A_546 = arith.constant 56 : i32
        %add3A_547 = arith.addi %add3A_546, %scan3A_393 : i32
        %get3A_548 = arith.index_cast %add3A_547 : i32 to index
        %get3A_549 = arith.constant 80 : index
        %get3A_550 = tpu.vector_load %arg24[%get3A_548, %get3A_549] {strides = array<i32>} : memref<112x256xf32, #tpu.memory_space<vmem>>, vector<16xf32>,
        %sub3A_551 = arith.subf %get3A_542, %get3A_537 : vector<16xf32>
        %mul3A_552 = arith.mulf %gather3A_395, %sub3A_551 : vector<16xf32>
        %add3A_553 = arith.addf %get3A_537, %mul3A_552 : vector<16xf32>
        %sub3A_554 = arith.subf %get3A_550, %get3A_545 : vector<16xf32>
        %mul3A_555 = arith.mulf %gather3A_395, %sub3A_554 : vector<16xf32>
        %add3A_556 = arith.addf %get3A_545, %mul3A_555 : vector<16xf32>
        %sub3A_557 = arith.subf %add3A_556, %add3A_553 : vector<16xf32>
        %mul3A_558 = arith.mulf %gather3A_396, %sub3A_557 : vector<16xf32>
        %add3A_559 = arith.addf %add3A_553, %mul3A_558 : vector<16xf32>
        %swap3A_560 = arith.index_cast %scan3A_393 : i32 to index
        %swap3A_561 = arith.constant 80 : index
        %swap3A_562 = tpu.vector_load %arg23[%swap3A_560, %swap3A_561] {strides = array<i32>} : memref<112x256xf32, #tpu.memory_space<vmem>>, vector<16xf32>,
        tpu.vector_store %arg23[%swap3A_560, %swap3A_561], %add3A_559 {strides = array<i32>} : memref<112x256xf32, #tpu.memory_space<vmem>>, vector<16xf32>,
        %get3A_563 = arith.index_cast %scan3A_393 : i32 to index
        %get3A_564 = arith.constant 96 : index
        %get3A_565 = tpu.vector_load %arg23[%get3A_563, %get3A_564] {strides = array<i32>} : memref<112x256xf32, #tpu.memory_space<vmem>>, vector<16xf32>,
        %add3A_566 = arith.constant 56 : i32
        %add3A_567 = arith.addi %add3A_566, %scan3A_393 : i32
        %get3A_568 = arith.index_cast %add3A_567 : i32 to index
        %get3A_569 = arith.constant 96 : index
        %get3A_570 = tpu.vector_load %arg23[%get3A_568, %get3A_569] {strides = array<i32>} : memref<112x256xf32, #tpu.memory_space<vmem>>, vector<16xf32>,
        %get3A_571 = arith.index_cast %scan3A_393 : i32 to index
        %get3A_572 = arith.constant 96 : index
        %get3A_573 = tpu.vector_load %arg24[%get3A_571, %get3A_572] {strides = array<i32>} : memref<112x256xf32, #tpu.memory_space<vmem>>, vector<16xf32>,
        %add3A_574 = arith.constant 56 : i32
        %add3A_575 = arith.addi %add3A_574, %scan3A_393 : i32
        %get3A_576 = arith.index_cast %add3A_575 : i32 to index
        %get3A_577 = arith.constant 96 : index
        %get3A_578 = tpu.vector_load %arg24[%get3A_576, %get3A_577] {strides = array<i32>} : memref<112x256xf32, #tpu.memory_space<vmem>>, vector<16xf32>,
        %sub3A_579 = arith.subf %get3A_570, %get3A_565 : vector<16xf32>
        %mul3A_580 = arith.mulf %gather3A_395, %sub3A_579 : vector<16xf32>
        %add3A_581 = arith.addf %get3A_565, %mul3A_580 : vector<16xf32>
        %sub3A_582 = arith.subf %get3A_578, %get3A_573 : vector<16xf32>
        %mul3A_583 = arith.mulf %gather3A_395, %sub3A_582 : vector<16xf32>
        %add3A_584 = arith.addf %get3A_573, %mul3A_583 : vector<16xf32>
        %sub3A_585 = arith.subf %add3A_584, %add3A_581 : vector<16xf32>
        %mul3A_586 = arith.mulf %gather3A_396, %sub3A_585 : vector<16xf32>
        %add3A_587 = arith.addf %add3A_581, %mul3A_586 : vector<16xf32>
        %swap3A_588 = arith.index_cast %scan3A_393 : i32 to index
        %swap3A_589 = arith.constant 96 : index
        %swap3A_590 = tpu.vector_load %arg23[%swap3A_588, %swap3A_589] {strides = array<i32>} : memref<112x256xf32, #tpu.memory_space<vmem>>, vector<16xf32>,
        tpu.vector_store %arg23[%swap3A_588, %swap3A_589], %add3A_587 {strides = array<i32>} : memref<112x256xf32, #tpu.memory_space<vmem>>, vector<16xf32>,
        %get3A_591 = arith.index_cast %scan3A_393 : i32 to index
        %get3A_592 = arith.constant 112 : index
        %get3A_593 = tpu.vector_load %arg23[%get3A_591, %get3A_592] {strides = array<i32>} : memref<112x256xf32, #tpu.memory_space<vmem>>, vector<16xf32>,
        %add3A_594 = arith.constant 56 : i32
        %add3A_595 = arith.addi %add3A_594, %scan3A_393 : i32
        %get3A_596 = arith.index_cast %add3A_595 : i32 to index
        %get3A_597 = arith.constant 112 : index
        %get3A_598 = tpu.vector_load %arg23[%get3A_596, %get3A_597] {strides = array<i32>} : memref<112x256xf32, #tpu.memory_space<vmem>>, vector<16xf32>,
        %get3A_599 = arith.index_cast %scan3A_393 : i32 to index
        %get3A_600 = arith.constant 112 : index
        %get3A_601 = tpu.vector_load %arg24[%get3A_599, %get3A_600] {strides = array<i32>} : memref<112x256xf32, #tpu.memory_space<vmem>>, vector<16xf32>,
        %add3A_602 = arith.constant 56 : i32
        %add3A_603 = arith.addi %add3A_602, %scan3A_393 : i32
        %get3A_604 = arith.index_cast %add3A_603 : i32 to index
        %get3A_605 = arith.constant 112 : index
        %get3A_606 = tpu.vector_load %arg24[%get3A_604, %get3A_605] {strides = array<i32>} : memref<112x256xf32, #tpu.memory_space<vmem>>, vector<16xf32>,
        %sub3A_607 = arith.subf %get3A_598, %get3A_593 : vector<16xf32>
        %mul3A_608 = arith.mulf %gather3A_395, %sub3A_607 : vector<16xf32>
        %add3A_609 = arith.addf %get3A_593, %mul3A_608 : vector<16xf32>
        %sub3A_610 = arith.subf %get3A_606, %get3A_601 : vector<16xf32>
        %mul3A_611 = arith.mulf %gather3A_395, %sub3A_610 : vector<16xf32>
        %add3A_612 = arith.addf %get3A_601, %mul3A_611 : vector<16xf32>
        %sub3A_613 = arith.subf %add3A_612, %add3A_609 : vector<16xf32>
        %mul3A_614 = arith.mulf %gather3A_396, %sub3A_613 : vector<16xf32>
        %add3A_615 = arith.addf %add3A_609, %mul3A_614 : vector<16xf32>
        %swap3A_616 = arith.index_cast %scan3A_393 : i32 to index
        %swap3A_617 = arith.constant 112 : index
        %swap3A_618 = tpu.vector_load %arg23[%swap3A_616, %swap3A_617] {strides = array<i32>} : memref<112x256xf32, #tpu.memory_space<vmem>>, vector<16xf32>,
        tpu.vector_store %arg23[%swap3A_616, %swap3A_617], %add3A_615 {strides = array<i32>} : memref<112x256xf32, #tpu.memory_space<vmem>>, vector<16xf32>,
        %get3A_619 = arith.index_cast %scan3A_393 : i32 to index
        %get3A_620 = arith.constant 128 : index
        %get3A_621 = tpu.vector_load %arg23[%get3A_619, %get3A_620] {strides = array<i32>} : memref<112x256xf32, #tpu.memory_space<vmem>>, vector<16xf32>,
        %add3A_622 = arith.constant 56 : i32
        %add3A_623 = arith.addi %add3A_622, %scan3A_393 : i32
        %get3A_624 = arith.index_cast %add3A_623 : i32 to index
        %get3A_625 = arith.constant 128 : index
        %get3A_626 = tpu.vector_load %arg23[%get3A_624, %get3A_625] {strides = array<i32>} : memref<112x256xf32, #tpu.memory_space<vmem>>, vector<16xf32>,
        %get3A_627 = arith.index_cast %scan3A_393 : i32 to index
        %get3A_628 = arith.constant 128 : index
        %get3A_629 = tpu.vector_load %arg24[%get3A_627, %get3A_628] {strides = array<i32>} : memref<112x256xf32, #tpu.memory_space<vmem>>, vector<16xf32>,
        %add3A_630 = arith.constant 56 : i32
        %add3A_631 = arith.addi %add3A_630, %scan3A_393 : i32
        %get3A_632 = arith.index_cast %add3A_631 : i32 to index
        %get3A_633 = arith.constant 128 : index
        %get3A_634 = tpu.vector_load %arg24[%get3A_632, %get3A_633] {strides = array<i32>} : memref<112x256xf32, #tpu.memory_space<vmem>>, vector<16xf32>,
        %sub3A_635 = arith.subf %get3A_626, %get3A_621 : vector<16xf32>
        %mul3A_636 = arith.mulf %gather3A_395, %sub3A_635 : vector<16xf32>
        %add3A_637 = arith.addf %get3A_621, %mul3A_636 : vector<16xf32>
        %sub3A_638 = arith.subf %get3A_634, %get3A_629 : vector<16xf32>
        %mul3A_639 = arith.mulf %gather3A_395, %sub3A_638 : vector<16xf32>
        %add3A_640 = arith.addf %get3A_629, %mul3A_639 : vector<16xf32>
        %sub3A_641 = arith.subf %add3A_640, %add3A_637 : vector<16xf32>
        %mul3A_642 = arith.mulf %gather3A_396, %sub3A_641 : vector<16xf32>
        %add3A_643 = arith.addf %add3A_637, %mul3A_642 : vector<16xf32>
        %swap3A_644 = arith.index_cast %scan3A_393 : i32 to index
        %swap3A_645 = arith.constant 128 : index
        %swap3A_646 = tpu.vector_load %arg23[%swap3A_644, %swap3A_645] {strides = array<i32>} : memref<112x256xf32, #tpu.memory_space<vmem>>, vector<16xf32>,
        tpu.vector_store %arg23[%swap3A_644, %swap3A_645], %add3A_643 {strides = array<i32>} : memref<112x256xf32, #tpu.memory_space<vmem>>, vector<16xf32>,
        %get3A_647 = arith.index_cast %scan3A_393 : i32 to index
        %get3A_648 = arith.constant 144 : index
        %get3A_649 = tpu.vector_load %arg23[%get3A_647, %get3A_648] {strides = array<i32>} : memref<112x256xf32, #tpu.memory_space<vmem>>, vector<16xf32>,
        %add3A_650 = arith.constant 56 : i32
        %add3A_651 = arith.addi %add3A_650, %scan3A_393 : i32
        %get3A_652 = arith.index_cast %add3A_651 : i32 to index
        %get3A_653 = arith.constant 144 : index
        %get3A_654 = tpu.vector_load %arg23[%get3A_652, %get3A_653] {strides = array<i32>} : memref<112x256xf32, #tpu.memory_space<vmem>>, vector<16xf32>,
        %get3A_655 = arith.index_cast %scan3A_393 : i32 to index
        %get3A_656 = arith.constant 144 : index
        %get3A_657 = tpu.vector_load %arg24[%get3A_655, %get3A_656] {strides = array<i32>} : memref<112x256xf32, #tpu.memory_space<vmem>>, vector<16xf32>,
        %add3A_658 = arith.constant 56 : i32
        %add3A_659 = arith.addi %add3A_658, %scan3A_393 : i32
        %get3A_660 = arith.index_cast %add3A_659 : i32 to index
        %get3A_661 = arith.constant 144 : index
        %get3A_662 = tpu.vector_load %arg24[%get3A_660, %get3A_661] {strides = array<i32>} : memref<112x256xf32, #tpu.memory_space<vmem>>, vector<16xf32>,
        %sub3A_663 = arith.subf %get3A_654, %get3A_649 : vector<16xf32>
        %mul3A_664 = arith.mulf %gather3A_395, %sub3A_663 : vector<16xf32>
        %add3A_665 = arith.addf %get3A_649, %mul3A_664 : vector<16xf32>
        %sub3A_666 = arith.subf %get3A_662, %get3A_657 : vector<16xf32>
        %mul3A_667 = arith.mulf %gather3A_395, %sub3A_666 : vector<16xf32>
        %add3A_668 = arith.addf %get3A_657, %mul3A_667 : vector<16xf32>
        %sub3A_669 = arith.subf %add3A_668, %add3A_665 : vector<16xf32>
        %mul3A_670 = arith.mulf %gather3A_396, %sub3A_669 : vector<16xf32>
        %add3A_671 = arith.addf %add3A_665, %mul3A_670 : vector<16xf32>
        %swap3A_672 = arith.index_cast %scan3A_393 : i32 to index
        %swap3A_673 = arith.constant 144 : index
        %swap3A_674 = tpu.vector_load %arg23[%swap3A_672, %swap3A_673] {strides = array<i32>} : memref<112x256xf32, #tpu.memory_space<vmem>>, vector<16xf32>,
        tpu.vector_store %arg23[%swap3A_672, %swap3A_673], %add3A_671 {strides = array<i32>} : memref<112x256xf32, #tpu.memory_space<vmem>>, vector<16xf32>,
        %get3A_675 = arith.index_cast %scan3A_393 : i32 to index
        %get3A_676 = arith.constant 160 : index
        %get3A_677 = tpu.vector_load %arg23[%get3A_675, %get3A_676] {strides = array<i32>} : memref<112x256xf32, #tpu.memory_space<vmem>>, vector<16xf32>,
        %add3A_678 = arith.constant 56 : i32
        %add3A_679 = arith.addi %add3A_678, %scan3A_393 : i32
        %get3A_680 = arith.index_cast %add3A_679 : i32 to index
        %get3A_681 = arith.constant 160 : index
        %get3A_682 = tpu.vector_load %arg23[%get3A_680, %get3A_681] {strides = array<i32>} : memref<112x256xf32, #tpu.memory_space<vmem>>, vector<16xf32>,
        %get3A_683 = arith.index_cast %scan3A_393 : i32 to index
        %get3A_684 = arith.constant 160 : index
        %get3A_685 = tpu.vector_load %arg24[%get3A_683, %get3A_684] {strides = array<i32>} : memref<112x256xf32, #tpu.memory_space<vmem>>, vector<16xf32>,
        %add3A_686 = arith.constant 56 : i32
        %add3A_687 = arith.addi %add3A_686, %scan3A_393 : i32
        %get3A_688 = arith.index_cast %add3A_687 : i32 to index
        %get3A_689 = arith.constant 160 : index
        %get3A_690 = tpu.vector_load %arg24[%get3A_688, %get3A_689] {strides = array<i32>} : memref<112x256xf32, #tpu.memory_space<vmem>>, vector<16xf32>,
        %sub3A_691 = arith.subf %get3A_682, %get3A_677 : vector<16xf32>
        %mul3A_692 = arith.mulf %gather3A_395, %sub3A_691 : vector<16xf32>
        %add3A_693 = arith.addf %get3A_677, %mul3A_692 : vector<16xf32>
        %sub3A_694 = arith.subf %get3A_690, %get3A_685 : vector<16xf32>
        %mul3A_695 = arith.mulf %gather3A_395, %sub3A_694 : vector<16xf32>
        %add3A_696 = arith.addf %get3A_685, %mul3A_695 : vector<16xf32>
        %sub3A_697 = arith.subf %add3A_696, %add3A_693 : vector<16xf32>
        %mul3A_698 = arith.mulf %gather3A_396, %sub3A_697 : vector<16xf32>
        %add3A_699 = arith.addf %add3A_693, %mul3A_698 : vector<16xf32>
        %swap3A_700 = arith.index_cast %scan3A_393 : i32 to index
        %swap3A_701 = arith.constant 160 : index
        %swap3A_702 = tpu.vector_load %arg23[%swap3A_700, %swap3A_701] {strides = array<i32>} : memref<112x256xf32, #tpu.memory_space<vmem>>, vector<16xf32>,
        tpu.vector_store %arg23[%swap3A_700, %swap3A_701], %add3A_699 {strides = array<i32>} : memref<112x256xf32, #tpu.memory_space<vmem>>, vector<16xf32>,
        %get3A_703 = arith.index_cast %scan3A_393 : i32 to index
        %get3A_704 = arith.constant 176 : index
        %get3A_705 = tpu.vector_load %arg23[%get3A_703, %get3A_704] {strides = array<i32>} : memref<112x256xf32, #tpu.memory_space<vmem>>, vector<16xf32>,
        %add3A_706 = arith.constant 56 : i32
        %add3A_707 = arith.addi %add3A_706, %scan3A_393 : i32
        %get3A_708 = arith.index_cast %add3A_707 : i32 to index
        %get3A_709 = arith.constant 176 : index
        %get3A_710 = tpu.vector_load %arg23[%get3A_708, %get3A_709] {strides = array<i32>} : memref<112x256xf32, #tpu.memory_space<vmem>>, vector<16xf32>,
        %get3A_711 = arith.index_cast %scan3A_393 : i32 to index
        %get3A_712 = arith.constant 176 : index
        %get3A_713 = tpu.vector_load %arg24[%get3A_711, %get3A_712] {strides = array<i32>} : memref<112x256xf32, #tpu.memory_space<vmem>>, vector<16xf32>,
        %add3A_714 = arith.constant 56 : i32
        %add3A_715 = arith.addi %add3A_714, %scan3A_393 : i32
        %get3A_716 = arith.index_cast %add3A_715 : i32 to index
        %get3A_717 = arith.constant 176 : index
        %get3A_718 = tpu.vector_load %arg24[%get3A_716, %get3A_717] {strides = array<i32>} : memref<112x256xf32, #tpu.memory_space<vmem>>, vector<16xf32>,
        %sub3A_719 = arith.subf %get3A_710, %get3A_705 : vector<16xf32>
        %mul3A_720 = arith.mulf %gather3A_395, %sub3A_719 : vector<16xf32>
        %add3A_721 = arith.addf %get3A_705, %mul3A_720 : vector<16xf32>
        %sub3A_722 = arith.subf %get3A_718, %get3A_713 : vector<16xf32>
        %mul3A_723 = arith.mulf %gather3A_395, %sub3A_722 : vector<16xf32>
        %add3A_724 = arith.addf %get3A_713, %mul3A_723 : vector<16xf32>
        %sub3A_725 = arith.subf %add3A_724, %add3A_721 : vector<16xf32>
        %mul3A_726 = arith.mulf %gather3A_396, %sub3A_725 : vector<16xf32>
        %add3A_727 = arith.addf %add3A_721, %mul3A_726 : vector<16xf32>
        %swap3A_728 = arith.index_cast %scan3A_393 : i32 to index
        %swap3A_729 = arith.constant 176 : index
        %swap3A_730 = tpu.vector_load %arg23[%swap3A_728, %swap3A_729] {strides = array<i32>} : memref<112x256xf32, #tpu.memory_space<vmem>>, vector<16xf32>,
        tpu.vector_store %arg23[%swap3A_728, %swap3A_729], %add3A_727 {strides = array<i32>} : memref<112x256xf32, #tpu.memory_space<vmem>>, vector<16xf32>,
        %get3A_731 = arith.index_cast %scan3A_393 : i32 to index
        %get3A_732 = arith.constant 192 : index
        %get3A_733 = tpu.vector_load %arg23[%get3A_731, %get3A_732] {strides = array<i32>} : memref<112x256xf32, #tpu.memory_space<vmem>>, vector<16xf32>,
        %add3A_734 = arith.constant 56 : i32
        %add3A_735 = arith.addi %add3A_734, %scan3A_393 : i32
        %get3A_736 = arith.index_cast %add3A_735 : i32 to index
        %get3A_737 = arith.constant 192 : index
        %get3A_738 = tpu.vector_load %arg23[%get3A_736, %get3A_737] {strides = array<i32>} : memref<112x256xf32, #tpu.memory_space<vmem>>, vector<16xf32>,
        %get3A_739 = arith.index_cast %scan3A_393 : i32 to index
        %get3A_740 = arith.constant 192 : index
        %get3A_741 = tpu.vector_load %arg24[%get3A_739, %get3A_740] {strides = array<i32>} : memref<112x256xf32, #tpu.memory_space<vmem>>, vector<16xf32>,
        %add3A_742 = arith.constant 56 : i32
        %add3A_743 = arith.addi %add3A_742, %scan3A_393 : i32
        %get3A_744 = arith.index_cast %add3A_743 : i32 to index
        %get3A_745 = arith.constant 192 : index
        %get3A_746 = tpu.vector_load %arg24[%get3A_744, %get3A_745] {strides = array<i32>} : memref<112x256xf32, #tpu.memory_space<vmem>>, vector<16xf32>,
        %sub3A_747 = arith.subf %get3A_738, %get3A_733 : vector<16xf32>
        %mul3A_748 = arith.mulf %gather3A_395, %sub3A_747 : vector<16xf32>
        %add3A_749 = arith.addf %get3A_733, %mul3A_748 : vector<16xf32>
        %sub3A_750 = arith.subf %get3A_746, %get3A_741 : vector<16xf32>
        %mul3A_751 = arith.mulf %gather3A_395, %sub3A_750 : vector<16xf32>
        %add3A_752 = arith.addf %get3A_741, %mul3A_751 : vector<16xf32>
        %sub3A_753 = arith.subf %add3A_752, %add3A_749 : vector<16xf32>
        %mul3A_754 = arith.mulf %gather3A_396, %sub3A_753 : vector<16xf32>
        %add3A_755 = arith.addf %add3A_749, %mul3A_754 : vector<16xf32>
        %swap3A_756 = arith.index_cast %scan3A_393 : i32 to index
        %swap3A_757 = arith.constant 192 : index
        %swap3A_758 = tpu.vector_load %arg23[%swap3A_756, %swap3A_757] {strides = array<i32>} : memref<112x256xf32, #tpu.memory_space<vmem>>, vector<16xf32>,
        tpu.vector_store %arg23[%swap3A_756, %swap3A_757], %add3A_755 {strides = array<i32>} : memref<112x256xf32, #tpu.memory_space<vmem>>, vector<16xf32>,
        %get3A_759 = arith.index_cast %scan3A_393 : i32 to index
        %get3A_760 = arith.constant 208 : index
        %get3A_761 = tpu.vector_load %arg23[%get3A_759, %get3A_760] {strides = array<i32>} : memref<112x256xf32, #tpu.memory_space<vmem>>, vector<16xf32>,
        %add3A_762 = arith.constant 56 : i32
        %add3A_763 = arith.addi %add3A_762, %scan3A_393 : i32
        %get3A_764 = arith.index_cast %add3A_763 : i32 to index
        %get3A_765 = arith.constant 208 : index
        %get3A_766 = tpu.vector_load %arg23[%get3A_764, %get3A_765] {strides = array<i32>} : memref<112x256xf32, #tpu.memory_space<vmem>>, vector<16xf32>,
        %get3A_767 = arith.index_cast %scan3A_393 : i32 to index
        %get3A_768 = arith.constant 208 : index
        %get3A_769 = tpu.vector_load %arg24[%get3A_767, %get3A_768] {strides = array<i32>} : memref<112x256xf32, #tpu.memory_space<vmem>>, vector<16xf32>,
        %add3A_770 = arith.constant 56 : i32
        %add3A_771 = arith.addi %add3A_770, %scan3A_393 : i32
        %get3A_772 = arith.index_cast %add3A_771 : i32 to index
        %get3A_773 = arith.constant 208 : index
        %get3A_774 = tpu.vector_load %arg24[%get3A_772, %get3A_773] {strides = array<i32>} : memref<112x256xf32, #tpu.memory_space<vmem>>, vector<16xf32>,
        %sub3A_775 = arith.subf %get3A_766, %get3A_761 : vector<16xf32>
        %mul3A_776 = arith.mulf %gather3A_395, %sub3A_775 : vector<16xf32>
        %add3A_777 = arith.addf %get3A_761, %mul3A_776 : vector<16xf32>
        %sub3A_778 = arith.subf %get3A_774, %get3A_769 : vector<16xf32>
        %mul3A_779 = arith.mulf %gather3A_395, %sub3A_778 : vector<16xf32>
        %add3A_780 = arith.addf %get3A_769, %mul3A_779 : vector<16xf32>
        %sub3A_781 = arith.subf %add3A_780, %add3A_777 : vector<16xf32>
        %mul3A_782 = arith.mulf %gather3A_396, %sub3A_781 : vector<16xf32>
        %add3A_783 = arith.addf %add3A_777, %mul3A_782 : vector<16xf32>
        %swap3A_784 = arith.index_cast %scan3A_393 : i32 to index
        %swap3A_785 = arith.constant 208 : index
        %swap3A_786 = tpu.vector_load %arg23[%swap3A_784, %swap3A_785] {strides = array<i32>} : memref<112x256xf32, #tpu.memory_space<vmem>>, vector<16xf32>,
        tpu.vector_store %arg23[%swap3A_784, %swap3A_785], %add3A_783 {strides = array<i32>} : memref<112x256xf32, #tpu.memory_space<vmem>>, vector<16xf32>,
        %get3A_787 = arith.index_cast %scan3A_393 : i32 to index
        %get3A_788 = arith.constant 224 : index
        %get3A_789 = tpu.vector_load %arg23[%get3A_787, %get3A_788] {strides = array<i32>} : memref<112x256xf32, #tpu.memory_space<vmem>>, vector<16xf32>,
        %add3A_790 = arith.constant 56 : i32
        %add3A_791 = arith.addi %add3A_790, %scan3A_393 : i32
        %get3A_792 = arith.index_cast %add3A_791 : i32 to index
        %get3A_793 = arith.constant 224 : index
        %get3A_794 = tpu.vector_load %arg23[%get3A_792, %get3A_793] {strides = array<i32>} : memref<112x256xf32, #tpu.memory_space<vmem>>, vector<16xf32>,
        %get3A_795 = arith.index_cast %scan3A_393 : i32 to index
        %get3A_796 = arith.constant 224 : index
        %get3A_797 = tpu.vector_load %arg24[%get3A_795, %get3A_796] {strides = array<i32>} : memref<112x256xf32, #tpu.memory_space<vmem>>, vector<16xf32>,
        %add3A_798 = arith.constant 56 : i32
        %add3A_799 = arith.addi %add3A_798, %scan3A_393 : i32
        %get3A_800 = arith.index_cast %add3A_799 : i32 to index
        %get3A_801 = arith.constant 224 : index
        %get3A_802 = tpu.vector_load %arg24[%get3A_800, %get3A_801] {strides = array<i32>} : memref<112x256xf32, #tpu.memory_space<vmem>>, vector<16xf32>,
        %sub3A_803 = arith.subf %get3A_794, %get3A_789 : vector<16xf32>
        %mul3A_804 = arith.mulf %gather3A_395, %sub3A_803 : vector<16xf32>
        %add3A_805 = arith.addf %get3A_789, %mul3A_804 : vector<16xf32>
        %sub3A_806 = arith.subf %get3A_802, %get3A_797 : vector<16xf32>
        %mul3A_807 = arith.mulf %gather3A_395, %sub3A_806 : vector<16xf32>
        %add3A_808 = arith.addf %get3A_797, %mul3A_807 : vector<16xf32>
        %sub3A_809 = arith.subf %add3A_808, %add3A_805 : vector<16xf32>
        %mul3A_810 = arith.mulf %gather3A_396, %sub3A_809 : vector<16xf32>
        %add3A_811 = arith.addf %add3A_805, %mul3A_810 : vector<16xf32>
        %swap3A_812 = arith.index_cast %scan3A_393 : i32 to index
        %swap3A_813 = arith.constant 224 : index
        %swap3A_814 = tpu.vector_load %arg23[%swap3A_812, %swap3A_813] {strides = array<i32>} : memref<112x256xf32, #tpu.memory_space<vmem>>, vector<16xf32>,
        tpu.vector_store %arg23[%swap3A_812, %swap3A_813], %add3A_811 {strides = array<i32>} : memref<112x256xf32, #tpu.memory_space<vmem>>, vector<16xf32>,
        %get3A_815 = arith.index_cast %scan3A_393 : i32 to index
        %get3A_816 = arith.constant 240 : index
        %get3A_817 = tpu.vector_load %arg23[%get3A_815, %get3A_816] {strides = array<i32>} : memref<112x256xf32, #tpu.memory_space<vmem>>, vector<16xf32>,
        %add3A_818 = arith.constant 56 : i32
        %add3A_819 = arith.addi %add3A_818, %scan3A_393 : i32
        %get3A_820 = arith.index_cast %add3A_819 : i32 to index
        %get3A_821 = arith.constant 240 : index
        %get3A_822 = tpu.vector_load %arg23[%get3A_820, %get3A_821] {strides = array<i32>} : memref<112x256xf32, #tpu.memory_space<vmem>>, vector<16xf32>,
        %get3A_823 = arith.index_cast %scan3A_393 : i32 to index
        %get3A_824 = arith.constant 240 : index
        %get3A_825 = tpu.vector_load %arg24[%get3A_823, %get3A_824] {strides = array<i32>} : memref<112x256xf32, #tpu.memory_space<vmem>>, vector<16xf32>,
        %add3A_826 = arith.constant 56 : i32
        %add3A_827 = arith.addi %add3A_826, %scan3A_393 : i32
        %get3A_828 = arith.index_cast %add3A_827 : i32 to index
        %get3A_829 = arith.constant 240 : index
        %get3A_830 = tpu.vector_load %arg24[%get3A_828, %get3A_829] {strides = array<i32>} : memref<112x256xf32, #tpu.memory_space<vmem>>, vector<16xf32>,
        %sub3A_831 = arith.subf %get3A_822, %get3A_817 : vector<16xf32>
        %mul3A_832 = arith.mulf %gather3A_395, %sub3A_831 : vector<16xf32>
        %add3A_833 = arith.addf %get3A_817, %mul3A_832 : vector<16xf32>
        %sub3A_834 = arith.subf %get3A_830, %get3A_825 : vector<16xf32>
        %mul3A_835 = arith.mulf %gather3A_395, %sub3A_834 : vector<16xf32>
        %add3A_836 = arith.addf %get3A_825, %mul3A_835 : vector<16xf32>
        %sub3A_837 = arith.subf %add3A_836, %add3A_833 : vector<16xf32>
        %mul3A_838 = arith.mulf %gather3A_396, %sub3A_837 : vector<16xf32>
        %add3A_839 = arith.addf %add3A_833, %mul3A_838 : vector<16xf32>
        %swap3A_840 = arith.index_cast %scan3A_393 : i32 to index
        %swap3A_841 = arith.constant 240 : index
        %swap3A_842 = tpu.vector_load %arg23[%swap3A_840, %swap3A_841] {strides = array<i32>} : memref<112x256xf32, #tpu.memory_space<vmem>>, vector<16xf32>,
        tpu.vector_store %arg23[%swap3A_840, %swap3A_841], %add3A_839 {strides = array<i32>} : memref<112x256xf32, #tpu.memory_space<vmem>>, vector<16xf32>,
      }
      %scan3A_392 = arith.constant 49 : i32
      "tpu.region"() ({
        %run_scoped3A = tpu.sem_alloc : memref<!tpu.dma_semaphore, #tpu.memory_space<semaphore_mem>>
        %dma_start3A = arith.constant 0 : i32
        %dma_start3A_393 = arith.constant 0 : i32
        %dma_start3A_394 = tpu.memref_slice %arg23[%dma_start3A, %dma_start3A_393] : memref<112x256xf32, #tpu.memory_space<vmem>> -> memref<56x256xf32, #tpu.memory_space<vmem>>
        %dma_start3A_395 = arith.constant 0 : i32
        %dma_start3A_396 = arith.constant 0 : i32
        %dma_start3A_397 = tpu.memref_slice %arg7[%add3A_386, %dma_start3A_395, %dma_start3A_396] : memref<512x56x256xf32, #tpu.memory_space<hbm>> -> memref<1x56x256xf32, #tpu.memory_space<hbm>>
        %dma_start3A_398 = tpu.memref_squeeze %dma_start3A_397 : memref<1x56x256xf32, #tpu.memory_space<hbm>> -> memref<56x256xf32, #tpu.memory_space<hbm>>
        %dma_start3A_399 = arith.constant 0 : i32
        %dma_start3A_400 = arith.constant 0 : i32
        %dma_start3A_401 = tpu.memref_slice %arg7[%add3A_386, %dma_start3A_399, %dma_start3A_400] : memref<512x56x256xf32, #tpu.memory_space<hbm>> -> memref<1x56x256xf32, #tpu.memory_space<hbm>>
        %dma_start3A_402 = tpu.memref_squeeze %dma_start3A_401 : memref<1x56x256xf32, #tpu.memory_space<hbm>> -> memref<56x256xf32, #tpu.memory_space<hbm>>
        %dma_start3A_403 = arith.constant 0 : i32
        %dma_start3A_404 = arith.constant 0 : i32
        %dma_start3A_405 = tpu.memref_slice %arg23[%dma_start3A_403, %dma_start3A_404] : memref<112x256xf32, #tpu.memory_space<vmem>> -> memref<56x256xf32, #tpu.memory_space<vmem>>
        tpu.enqueue_dma source(%dma_start3A_405 : memref<56x256xf32, #tpu.memory_space<vmem>>) target(%dma_start3A_402 : memref<56x256xf32, #tpu.memory_space<hbm>>) target_semaphore(%run_scoped3A : memref<!tpu.dma_semaphore, #tpu.memory_space<semaphore_mem>>)
        %dma_wait3A_406 = arith.constant 0 : i32
        %dma_wait3A_407 = arith.constant 0 : i32
        %dma_wait3A_408 = tpu.memref_slice %arg23[%dma_wait3A_406, %dma_wait3A_407] : memref<112x256xf32, #tpu.memory_space<vmem>> -> memref<56x256xf32, #tpu.memory_space<vmem>>
        %dma_wait3A_409 = arith.constant 0 : i32
        %dma_wait3A_410 = arith.constant 0 : i32
        %dma_wait3A_411 = tpu.memref_slice %arg7[%add3A_386, %dma_wait3A_409, %dma_wait3A_410] : memref<512x56x256xf32, #tpu.memory_space<hbm>> -> memref<1x56x256xf32, #tpu.memory_space<hbm>>
        %dma_wait3A_412 = tpu.memref_squeeze %dma_wait3A_411 : memref<1x56x256xf32, #tpu.memory_space<hbm>> -> memref<56x256xf32, #tpu.memory_space<hbm>>
        %dma_wait3A_413 = arith.constant 0 : i32
        %dma_wait3A_414 = arith.constant 0 : i32
        %dma_wait3A_415 = tpu.memref_slice %arg7[%add3A_386, %dma_wait3A_413, %dma_wait3A_414] : memref<512x56x256xf32, #tpu.memory_space<hbm>> -> memref<1x56x256xf32, #tpu.memory_space<hbm>>
        %dma_wait3A_416 = tpu.memref_squeeze %dma_wait3A_415 : memref<1x56x256xf32, #tpu.memory_space<hbm>> -> memref<56x256xf32, #tpu.memory_space<hbm>>
        %dma_wait3A_417 = arith.constant 0 : i32
        %dma_wait3A_418 = arith.constant 0 : i32
        %dma_wait3A_419 = tpu.memref_slice %arg23[%dma_wait3A_417, %dma_wait3A_418] : memref<112x256xf32, #tpu.memory_space<vmem>> -> memref<56x256xf32, #tpu.memory_space<vmem>>
        tpu.wait_dma2 semaphore(%run_scoped3A : memref<!tpu.dma_semaphore, #tpu.memory_space<semaphore_mem>>) src(%dma_wait3A_419 : memref<56x256xf32, #tpu.memory_space<vmem>>) dst(%dma_wait3A_416 : memref<56x256xf32, #tpu.memory_space<hbm>>)
        tpu.yield
      }) : () -> ()
    }
    %scan3A_300 = arith.constant 16 : i32
    return
  }
}

</mosaic_0001>

<sc_bundles>
// kernel: _run.3.cloned.1.call-start
scs
__scs_entry_jumppad:
0x0: {  	(pc) =	sbr.rel $0x88, $3  }
0x1: {  	(tag) =	ssettag $0x0;
	lr =	simm.s32 $0x1  }
0x2: {  	[smem:$0x3F9C] =	sst lr;
	_ =	strace $0xD0000000  }
0x3: {  	_ = 	snop  }
0x4: {  	_ = 	snop  }
0x5: {  	_ = 	snop  }
0x6: {  	_ = 	snop  }
0x7: {  	_ = 	snop  }
__scs_overlays_trampoline_lowered:
0x8: {  	[smem:$0x3FAB] =	sst s0  }
0x9: {  	[smem:$0x3FAC] =	sst s1  }
0xa: {  	[smem:$0x3FAD] =	sst s2  }
0xb: {  	[smem:$0x3FAE] =	sst s3  }
0xc: {  	[smem:$0x3FAF] =	sst s4  }
0xd: {  	[smem:$0x3FB0] =	sst s5  }
0xe: {  	[smem:$0x3FB1] =	sst s6  }
0xf: {  	[smem:$0x3FB2] =	sst s7  }
0x10: {  	[smem:$0x3FB3] =	sst s8  }
0x11: {  	[smem:$0x3FB4] =	sst s9;
	s0 =	simm.s32 @!p0 $0x0  }
0x12: {  	s1 =	sld [smem:$0x3F9A];
	s0 =	simm.s32 @p0 $0x1  }
0x13: {  	[smem:$0x3FB5] =	sst s0;
	s0 =	simm.s32 @!p1 $0x0  }
0x14: {  	s2 =	sld [smem:$0x3F99];
	s0 =	simm.s32 @p1 $0x1  }
0x15: {  	[smem:$0x3FB6] =	sst s0;
	s0 =	simm.s32 @!p2 $0x0  }
0x16: {  	s3 =	sld [smem:$0x3FDB];
	s0 =	simm.s32 @p2 $0x1  }
0x17: {  	s4 =	simm.s32 $0x1BF5;
	[smem:$0x3FB8] =	sst s0  }
0x18: {  	s0 =	sld [smem:$0x3F9B];
	_ =	swait.ge [sflag:s4], $0x0  }
0x19: {  	s7 =	sld [smem:$0x3F9C]  }
0x1a: {  	s8 =	sadd.s32 $0xFFFFE003, lr  }
0x1b: {  	s9 =	sadd.s32 $0xFFFFFEF7, lr;
	s5 =	simm.s32 $0xFFFFFFFF;
	p2 =	slt.u32 s8, $0xFFFFF086  }
0x1c: {  	p1 =	slt.u32 s9, $0xF7A;
	s5 =	simm.s32 @!p2 $0x0  }
0x1d: {  	s5 =	simm.s32 @p1 $0x1;
	p0 =	seq.s32 s7, s2  }
0x1e: {  	s7 =	smul.u32 @!p0 $0xF7A, s2;
	p2 =	seq.s32 @!p0 s5, $0x0  }
0x1f: {  	s9 =	smul.u32 $0xF7A, s1;
	s8 =	simm.s32 @!p0 $0x1BF5;
	p2 =	por !p2, p0  }
0x20: {  	[sflag:s8] =	ssyncset.s32 @!p0 $0xFFFFF086;
	s6 =	sadd.s32 @!p0 s3, s7;
	s7 =	simm.s32 @!p0 $0x108  }
0x21: {  	s3 =	sadd.s32 s3, s9;
	s6 =	sadd.s32 @!p0 $0x88, s6;
	s7 =	simm.s32 @p2 $0x1082  }
0x22: {  	[simem:s7], [sflag:s8] =	dma.local @!p0 [hbm:s6], $0xF7A  }
0x23: {  	s9 =	sor.u32 $0xD0000000, s2;
	s6 =	simm.s32 $0x108;
	_ =	swait.ge @!p0 [sflag:s8], $0x0  }
0x24: {  	s3 =	sadd.s32 $0x88, s3;
	s6 =	simm.s32 @!p1 $0x1082;
	[sflag:s4] =	ssyncset.s32 $0xFFFFF086  }
0x25: {  	[simem:s6], [sflag:s4] =	dma.local [hbm:s3], $0xF7A  }
0x26: {  	[smem:$0x3F9C] =	sst s1;
	(tag) =	ssettag s2;
	_ =	strace s9  }
0x27: {  	s1 =	sld [smem:$0x3FAC]  }
0x28: {  	s2 =	sld [smem:$0x3FAD]  }
0x29: {  	s4 =	sld [smem:$0x3FAF]  }
0x2a: {  	p0 =	seq.s32 s5, $0x0;
	s5 =	sld [smem:$0x3FB0]  }
0x2b: {  	s6 =	sld [smem:$0x3FB1]  }
0x2c: {  	s7 =	sld [smem:$0x3FB2]  }
0x2d: {  	s3 =	simm.s32 $0x108;
	s8 =	sld [smem:$0x3FB3]  }
0x2e: {  	s3 =	simm.s32 @!p0 $0x1082;
	s9 =	sld [smem:$0x3FB4]  }
0x2f: {  	lr =	sadd.s32 s0, s3;
	s0 =	sld [smem:$0x3FAB]  }
0x30: {  	s3 =	sld [smem:$0x3FAE]  }
0x31: {  	[smem:$0x3FB7] =	sst s10  }
0x32: {  	s10 =	sld [smem:$0x3FB5];
	_ =	sdelay $0x3  }
0x33: {  	p0 =	seq.s32 s10, $0x1;
	s10 =	sld [smem:$0x3FB7];
	_ =	sdelay $0x3  }
0x34: {  	[smem:$0x3FB7] =	sst s10  }
0x35: {  	s10 =	sld [smem:$0x3FB6];
	_ =	sdelay $0x3  }
0x36: {  	p1 =	seq.s32 s10, $0x1;
	s10 =	sld [smem:$0x3FB7];
	_ =	sdelay $0x3  }
0x37: {  	[smem:$0x3FB7] =	sst s10  }
0x38: {  	s10 =	sld [smem:$0x3FB8]  }
0x39: {  	_ = 	snop;
	(pc) =	sbr.ind lr, $3  }
0x3a: {  	_ = 	snop  }
0x3b: {  	_ = 	snop  }
0x3c: {  	p2 =	seq.s32 s10, $0x1;
	s10 =	sld [smem:$0x3FB7]  }
0x3d: {  	_ =	shalt  }
0x3e: {  	_ =	shalt  }
0x3f: {  	_ =	shalt  }
0x40: {  	_ =	shalt  }
0x41: {  	_ =	shalt  }
0x42: {  	_ =	shalt  }
0x43: {  	_ =	shalt  }
0x44: {  	_ =	shalt  }
0x45: {  	_ =	shalt  }
0x46: {  	_ =	shalt  }
0x47: {  	_ =	shalt  }
0x48: {  	_ =	shalt  }
0x49: {  	_ =	shalt  }
0x4a: {  	_ =	shalt  }
0x4b: {  	_ =	shalt  }
0x4c: {  	_ =	shalt  }
0x4d: {  	_ =	shalt  }
0x4e: {  	_ =	shalt  }
0x4f: {  	_ =	shalt  }
0x50: {  	_ =	shalt  }
0x51: {  	_ =	shalt  }
0x52: {  	_ =	shalt  }
0x53: {  	_ =	shalt  }
0x54: {  	_ =	shalt  }
0x55: {  	_ =	shalt  }
0x56: {  	_ =	shalt  }
0x57: {  	_ =	shalt  }
0x58: {  	_ =	shalt  }
0x59: {  	_ =	shalt  }
0x5a: {  	_ =	shalt  }
0x5b: {  	_ =	shalt  }
0x5c: {  	_ =	shalt  }
0x5d: {  	_ =	shalt  }
0x5e: {  	_ =	shalt  }
0x5f: {  	_ =	shalt  }
0x60: {  	_ =	shalt  }
0x61: {  	_ =	shalt  }
0x62: {  	_ =	shalt  }
0x63: {  	_ =	shalt  }
0x64: {  	_ =	shalt  }
0x65: {  	_ =	shalt  }
0x66: {  	_ =	shalt  }
0x67: {  	_ =	shalt  }
0x68: {  	_ =	shalt  }
0x69: {  	_ =	shalt  }
0x6a: {  	_ =	shalt  }
0x6b: {  	_ =	shalt  }
0x6c: {  	_ =	shalt  }
0x6d: {  	_ =	shalt  }
0x6e: {  	_ =	shalt  }
0x6f: {  	_ =	shalt  }
0x70: {  	_ =	shalt  }
0x71: {  	_ =	shalt  }
0x72: {  	_ =	shalt  }
0x73: {  	_ =	shalt  }
0x74: {  	_ =	shalt  }
0x75: {  	_ =	shalt  }
0x76: {  	_ =	shalt  }
0x77: {  	_ =	shalt  }
0x78: {  	_ =	shalt  }
0x79: {  	_ =	shalt  }
0x7a: {  	_ =	shalt  }
0x7b: {  	_ =	shalt  }
0x7c: {  	_ =	shalt  }
0x7d: {  	_ =	shalt  }
0x7e: {  	_ =	shalt  }
0x7f: {  	_ =	shalt  }
0x80: {  	_ =	shalt  }
0x81: {  	_ =	shalt  }
0x82: {  	_ =	shalt  }
0x83: {  	_ =	shalt  }
0x84: {  	_ =	shalt  }
0x85: {  	_ =	shalt  }
0x86: {  	_ =	shalt  }
0x87: {  	_ =	shalt  }
.Lfunc_end0:
.L_simem_size_0:
called_computation_lowered:
.L_overlay_start_0:
0x88: {  	s2 =	sld [smem:$0x3FD9]  }
0x89: {  	s3 =	sld [smem:$0x3FFE];
	_ =	sdelay $0x1  }
0x8a: {  	s1 =	srdreg.scid  }
0x8b: {  	s0 =	sand.u32 $0x1, s1  }
0x8c: {  	s17 =	sshll.u32 s0, $0xA;
	s2 =	sadd.s32 s3, s2  }
0x8d: {  	s2 =	sadd.s32 s2, s17  }
0x8e: {  	[smem:$0x3FC3] =	sst s2  }
0x8f: {  	_ = 	snop  }
0x90: {  	s2 =	sld [smem:$0x3FC8]  }
0x91: {  	s18 =	sld [smem:$0x3FC7]  }
0x92: {  	s4 =	sld [smem:$0x3FC6]  }
0x93: {  	s5 =	sld [smem:$0x3FC5]  }
0x94: {  	s6 =	sld [smem:$0x3FD0];
	(tm) =	ssettm $0x1  }
0x95: {  	s7 =	sld [smem:$0x3FFB];
	_ =	sdelay $0x3  }
0x96: {  	_ =	strace s7  }
0x97: {  	s7 =	sld [smem:$0x3FFC];
	_ =	sdelay $0x3  }
0x98: {  	_ =	strace s7  }
0x99: {  	s7 =	sld [smem:$0x3FFD];
	_ =	sdelay $0x3  }
0x9a: {  	_ =	strace s7  }
0x9b: {  	_ =	strace $0x8FFFFFFF  }
0x9c: {  	s19 =	sld [smem:$0x3FDB];
	_ =	sdelay $0x1  }
0x9d: {  	s8 =	simm.s32 $_scs_section_size  }
0x9e: {  	s9 =	simm.s32 $_size__tile_overlayer_lowered;
	s10 =	simm.s32 $_tile_overlayer_lowered  }
0x9f: {  	s22 =	simm.s32 $0x1BFF;
	s21 =	sshll.u32 s10, $0x1;
	s7 =	sadd.s32 s8, s19  }
0xa0: {  	s11 =	simm.s32 $0x0;
	s20 =	sshll.u32 s9, $0x1;
	s9 =	sadd.s32 s21, s7  }
0xa1: {  	[timem:s11], [sflag:s22] =	dma.local [hbm:s9], s20  }
0xa2: {  	_ =	swait.ge [sflag:s22], s20  }
0xa3: {  	s8 =	ssub.s32 $0x0, s20;
	[sflag:s22] =	ssyncset.done $0x0  }
0xa4: {  	[sflag:s22] =	ssyncadd.s32 s8;
	_ =	sdelay $0x1  }
0xa5: {  	s23 =	simm.s32 $0x1B8B  }
0xa6: {  	_ =	swait.ge [sflag:s23], $0x1  }
0xa7: {  	[sflag:s23] =	ssyncset.done $0x0  }
0xa8: {  	s25 =	simm.s32 $0x1B8E;
	s24 =	sld [smem:$0x3FFE];
	[sflag:s23] =	ssyncadd.s32 $0xFFFFFFFF  }
0xa9: {  	s26 =	simm.s32 $execute0_lowered;
	[smem:$0x3FD2] =	sst s25  }
0xaa: {  	s9 =	sshll.u32 s26, $0x1;
	_ =	strace $0x80000046;
	[dreg:$0x1] =	wrdreg $0xFFFFFFFF  }
0xab: {  	s28 =	simm.s32 $_size_execute0_lowered;
	s7 =	sadd.s32 s7, s9;
	[dreg:$0x0] =	wrdreg $0x0  }
0xac: {  	s9 =	sshll.u32 s28, $0x1;
	[dreg:$0x2] =	wrdreg s7  }
0xad: {  	[dreg:$0x3] =	wrdreg s9  }
0xae: {  	[dreg:$0x4] =	wrdreg $0xC0  }
0xaf: {  	_ =	task [dreg:s11], $0x5FFFF  }
0xb0: {  	[dreg:$0x1] =	wrdreg $0xFFFFFFFF  }
0xb1: {  	[dreg:$0x0] =	wrdreg $0x60  }
0xb2: {  	[dreg:$0x2] =	wrdreg s24  }
0xb3: {  	[dreg:$0x3] =	wrdreg s2  }
0xb4: {  	[dreg:$0x4] =	wrdreg s18  }
0xb5: {  	[dreg:$0x5] =	wrdreg s4  }
0xb6: {  	[dreg:$0x6] =	wrdreg s5  }
0xb7: {  	[dreg:$0x7] =	wrdreg s6  }
0xb8: {  	[dreg:$0x8] =	wrdreg $0x9  }
0xb9: {  	_ =	task.clear_ibuf [dreg:s11], $0x9FFFF;
	_ =	strace $0x90000046  }
0xba: {  	s29 =	simm.s32 $0x9;
	_ =	strace $0x80000048  }
0xbb: {  	_ =	swait.ge [sflag:s29], $0x1  }
0xbc: {  	[sflag:s29] =	ssyncadd.s32 $0xFFFFFFFF  }
0xbd: {  	_ =	strace $0x90000048  }
0xbe: {  	_ =	sfence  }
0xbf: {  	s30 =	sld [smem:$0x0];
	_ =	sdelay $0x2  }
0xc0: {  	s31 =	sshll.u32 s1, $0xD;
	s1 =	sshrl.u32 s1, $0x2  }
0xc1: {  	s3 =	sand.u32 $0x4000, s31;
	s1 =	sadd.s32 s1, s30  }
0xc2: {  	s0 =	sor.u32 s3, s0;
	s1 =	sshll.u32 s1, $0x11  }
0xc3: {  	s0 =	sor.u32 s1, s0  }
0xc4: {  	s0 =	sadd.s32 $0x8F2B, s0  }
0xc5: {  	[sflag:s0] =	ssyncadd.remote.s32 $0x1  }
0xc6: {  	_ =	sfence.sel $0xFFFF  }
0xc7: {  	[dreg:$0x0] =	wrdreg $0xFFFFFFFF;
	(pc) =	sbr.abs _section_cstart, $3  }
0xc8: {  	[dreg:$0x1] =	wrdreg $0xFFFFFFFF  }
0xc9: {  	_ =	task.clear_ibuf [dreg:s11], $0x2FFFF;
	_ =	strace $0x9FFFFFFF  }
0xca: {  	(tm) =	ssettm $0x7FFFFFFF  }
0xcb: {  	_ =	shalt  }
tec
execute0_lowered:
.L_overlay_start_1:
0x0: {  	(tag) =	ssettag $0x1  }
0x1: {  	v0 =	vimm.f32 $1.000000000e+00;
	vm0 =	vcmask $0x300  }
0x2: {  	vm1 =	vcmask $0x1B00;
	v5 =	vimm.s32 $0x2;
	v6 =	vimm.s32 $0x10654321  }
0x3: {  	v7 =	vimm.s32 $0x6543210;
	v8 =	vimm.s32 $0x4;
	v9 =	vimm.s32 $0x21065432  }
0x4: {  	v10 =	vimm.s32 $0x5040404;
	v11 =	vimm.s32 $0x43210654;
	v13 =	vimm.s32 $0x54321065  }
0x5: {  	vm2 =	vcmask $0x2710;
	v14 =	vimm.s32 $0x7070706;
	v15 =	vimm.s32 $0x65432106  }
0x6: {  	v17 =	vlaneseq.u32;
	v0 =	vsel vm0, $0x0, v0;
	vm0 =	vcmask $0x704  }
0x7: {  	v5 =	vsel vm1, $0x0, v5;
	v6 =	vunpack.c.l.s4.s8 v6;
	v7 =	vunpack.c.l.s4.s8 v7  }
0x8: {  	s4 =	stileid.u32;
	vm1 =	vcmask $0x1300;
	v9 =	vunpack.c.l.s4.s8 v9;
	v10 =	vunpack.c.0.s8.s32 v10  }
0x9: {  	s0 =	sshrl.u32 s4, $0x3;
	v11 =	vunpack.c.l.s4.s8 v11;
	v0 =	vsel vm0, $0x3E2AAAAB, v0;
	vm0 =	vcmask $0xB08  }
0xa: {  	v13 =	vunpack.c.l.s4.s8 v13;
	v14 =	vunpack.c.0.s8.s32 v14;
	s1 =	sshll.u32 s0, $0xA;
	s3 =	sshll.u32 s0, $0xE;
	v1 =	vsel vm0, $0x3EAAAAAB, v0  }
0xb: {  	vm0 =	vcmask $0xF0C;
	v0 =	vmov s1;
	v2 =	vmov s3  }
0xc: {  	v6 =	vunpack.c.0.s8.s32 v6;
	v12 =	vunpack.c.0.s8.s32 v7;
	v7 =	vsel vm1, $0x2, v8  }
0xd: {  	s2 =	rddreg [dreg:$0x0];
	s24 =	srdreg.scid;
	vm1 =	vcmask $0x2F14;
	v8 =	vimm.s32 $0x32106543;
	v9 =	vunpack.c.0.s8.s32 v9  }
0xe: {  	s8 =	simm.s32 $0x0;
	s11 =	simm.s32 $0x2;
	s23 =	sshll.u32 s0, $0xC;
	v11 =	vunpack.c.0.s8.s32 v11;
	v3 =	vsel vm0, $0x3F000000, v1;
	vm0 =	vcmask $0x1310  }
0xf: {  	s12 =	simm.s32 $0x800;
	s13 =	simm.s32 $0x880;
	s14 =	simm.s32 $0x900;
	v1 =	vmov s23;
	v8 =	vunpack.c.l.s4.s8 v8;
	v7 =	vsel vm1, $0x3, v7  }
0x10: {  	s15 =	simm.s32 $0xA00;
	s16 =	simm.s32 $0xA80;
	s0 =	sshll.u32 s0, $0x10;
	vm1 =	vcmask $0xF00;
	v4 =	vsel vm0, $0x3F2AAAAB, v3;
	vm0 =	vcmask $0x1714  }
0x11: {  	s18 =	simm.s32 $0x980;
	s19 =	simm.s32 $0xD00;
	s6 =	simm.s32 $0xA500;
	v3 =	vmov s0;
	v6 =	vcombine.low v12, v6;
	v8 =	vunpack.c.0.s8.s32 v8  }
0x12: {  	s17 =	simm.s32 $0x1;
	s20 =	simm.s32 $0xB500;
	s21 =	simm.s32 $0xBD00;
	v10 =	vnsel vm1, $0x6, v10;
	v4 =	vsel vm0, $0x3F555556, v4;
	vm0 =	vcmask $0x371C  }
0x13: {  	s22 =	simm.s32 $0xC500;
	s28 =	simm.s32 $0xB80;
	s25 =	sand.u32 $0x1, s24;
	v8 =	vcombine.low v9, v8;
	v9 =	vsel vm2, $0x5, v10;
	v10 =	vunpack.c.l.s4.s8 v15  }
0x14: {  	s29 =	simm.s32 $0xB00;
	s26 =	sshll.u32 s4, $0x5;
	s30 =	sshll.u32 s25, $0x4;
	v15 =	vunpack.c.0.s8.s32 v13;
	v13 =	vnsel vm1, $0x9, v14;
	vm2 =	vcmask $0x1F10  }
0x15: {  	[smem:$0x7FF] =	sst s8;
	s24 =	simm.s32 $0xD500;
	s7 =	sor.u32 s30, s26;
	v5 =	vsel vm0, $0x1, v5;
	vm0 =	vmmov $0xffff;
	v13 =	vsel vm2, $0x7, v13  }
0x16: {  	_ =	strace $0x80000047;
	s1 =	sshll.u32 s7, $0x4;
	s0 =	ssub.s32 $0x2, s25;
	vm2 =	vcmask $0x3B20;
	v14 =	vunpack.c.0.s8.s32 v10;
	v10 =	vimm.s32 $0x6060505  }
0x17: {  	s3 =	simm.s32 $0xAD00;
	s1 =	sadd.s32 s1, s2;
	s31 =	sshrl.u32 s0, $0x1;
	v16 =	vunpack.c.0.s8.s32 v10;
	v10 =	vcombine.low v11, v15;
	v11 =	vsel vm2, $0x8, v13  }
0x18: {  	s26 =	simm.s32 $0xE500;
	s1 =	sadd.s32 $0x400, s1;
	s0 =	ssub.s32 s0, s31;
	v12 =	vcombine.low v14, v12;
	v14 =	vcombine.low v15, v14;
	v15 =	vand.u32 $0x7, v17  }
0x19: {  	s23 =	simm.s32 $0xCD00;
	[dreg:$0x7] =	wrdreg s1;
	s0 =	smax.u32 s0, $0x1;
	v13 =	vnsel vm1, $0x7, v16;
	vm1 =	vcmask $0x2310;
	v16 =	vshrl.u32 v17, $0x3  }
0x1a: {  	s25 =	simm.s32 $0xDD00;
	s1 =	simm.s32 $0x0;
	[dreg:$0x8] =	wrdreg s0;
	v17 =	vor.u32 $0x8, v17;
	v13 =	vsel vm1, $0x6, v13;
	v16 =	vmul.u32 $0x8, v16  }
.LBB2_1:
0x1b: {  	[dreg:$0x9] =	wrdreg s1  }
0x1c: {  	s0 =	rddreg [dreg:$0x7]  }
0x1d: {  	[tilespmem:s8], [sflag:$0x2] =	stream.linear.gather [hbm4b:s0+s8], $0x800, $0x38;
	[tilespmem:$0xED00] =	vst v63  }
0x1e: {  	_ =	swait.ge [sflag:s11], $0x800  }
0x1f: {  	[sflag:s11] =	ssyncset.done $0x0  }
0x20: {  	s30 =	simm.s32 $0x0;
	[sflag:s11] =	ssyncadd.s32 $0xFFFFF800  }
.LBB2_2:
0x21: {  	s0 =	sshll.u32 s30, $0x7  }
0x22: {  	v18 =	vmov s0  }
0x23: {  	v19 =	vor.u32 $0x1, v18  }
0x24: {  	v20 =	vor.u32 $0x2, v18  }
0x25: {  	v21 =	vor.u32 $0x3, v18;
	_ =	sdelay $0x1  }
0x26: {  	v18 =	vld.idx.msk [tilespmem:v18+s8+$0x0], $0xffff  }
0x27: {  	v19 =	vld.idx.msk [tilespmem:v19+s8+$0x0], $0xffff  }
0x28: {  	v20 =	vld.idx.msk [tilespmem:v20+s8+$0x0], $0xffff  }
0x29: {  	v21 =	vld.idx.msk [tilespmem:v21+s8+$0x0], $0xffff;
	_ =	sdelay $0x4  }
0x2a: {  	v20 =	vsub.f32 v20, v18;
	v21 =	vsub.f32 v21, v19;
	_ =	sdelay $0x1  }
0x2b: {  	v22 =	vmul.f32 v21, v20;
	_ =	sdelay $0x1  }
0x2c: {  	(xrf0) =	vmax.scan.msk.f32 $0xffff, v22;
	_ =	sdelay $0x5  }
0x2d: {  	v22, _, _ =	vpop (xrf0)  }
0x2e: {  	(v2sf) =	vpush v22, $0xF;
	_ =	sdelay $0xe  }
0x2f: {  	s10 =	spop (v2sf)  }
0x30: {  	p0 =	sgt.f32 s10, $5.981445310e-03;
	p1 =	sge.f32 s10, $2.392578130e-02  }
0x31: {  	s1 =	simm.s32 $0x3;
	s2 =	simm.s32 $0x1;
	p2 =	sgt.f32 s10, $9.570312500e-02  }
0x32: {  	s0 =	simm.s32 $0x1;
	s1 =	simm.s32 @!p0 $0x2;
	s2 =	simm.s32 @!p1 $0x0  }
0x33: {  	s0 =	simm.s32 @!p2 $0x0;
	s1 =	sadd.s32 s2, s1  }
0x34: {  	v20 =	vmul.f32 v4, v20;
	s0 =	sadd.s32 s0, s1  }
0x35: {  	v21 =	vmul.f32 v4, v21;
	p0 =	sgt.s32 s0, $0x3  }
0x36: {  	v18 =	vadd.f32 v20, v18;
	p2 =	seq.s32 @p0 s0, $0x4  }
0x37: {  	v19 =	vadd.f32 v21, v19;
	p1 =	por !p2, !p0  }
0x38: {  	p3 =	por p2, !p0;
	p2 =	seq.s32 @!p0 s0, $0x2;
	v20 =	vmul.f32 @!p1 $6.300000000e+01, v18  }
0x39: {  	v21 =	vmul.f32 @!p1 $6.300000000e+01, v19;
	v22 =	vmul.f32 @!p3 $3.100000000e+01, v18;
	p4 =	por p2, p0  }
0x3a: {  	v24 =	vmul.f32 @!p3 $3.100000000e+01, v19;
	p2 =	por !p2, p0;
	v30 =	vmul.f32 @!p4 $1.270000000e+02, v18  }
0x3b: {  	v31 =	vmul.f32 @!p4 $1.270000000e+02, v19;
	v18 =	vmul.f32 @!p2 $2.550000000e+02, v18  }
0x3c: {  	v19 =	vmul.f32 @!p2 $2.550000000e+02, v19;
	v23 =	vtrunc.f32 @!p1 v20  }
0x3d: {  	v25 =	vtrunc.f32 @!p3 v22;
	v26 =	vtrunc.f32 @!p3 v24  }
0x3e: {  	v27 =	vtrunc.f32 @!p1 v21;
	v23 =	vcvt.f32.s32 @!p1 v23  }
0x3f: {  	v25 =	vcvt.f32.s32 @!p3 v25;
	v26 =	vcvt.f32.s32 @!p3 v26  }
0x40: {  	v27 =	vcvt.f32.s32 @!p1 v27;
	v33 =	vtrunc.f32 @!p4 v31  }
0x41: {  	v33 =	vcvt.f32.s32 @!p4 v33;
	v29 =	vcvt.s32.f32 @!p3 v26  }
0x42: {  	v28 =	vcvt.s32.f32 @!p3 v25;
	v32 =	vadd.s32 @!p3 $0x1, v26;
	v34 =	vcvt.s32.f32 @!p1 v23  }
0x43: {  	v36 =	vcvt.s32.f32 @!p1 v27;
	v24 =	vsub.f32 @!p3 v24, v29;
	v29 =	vtrunc.f32 @!p4 v30  }
0x44: {  	v22 =	vsub.f32 @!p3 v22, v28;
	v28 =	vadd.s32 @!p3 $0x1, v25;
	v29 =	vcvt.f32.s32 @!p4 v29  }
0x45: {  	v37 =	vcvt.s32.f32 @!p4 v33;
	v20 =	vsub.f32 @!p1 v20, v34;
	vm1 =	vlt.s32 @!p3 v28, $0x1F  }
0x46: {  	v28 =	vnsel @!p3 vm1, $0x1F, v28;
	vm1 =	vlt.s32 @!p3 v32, $0x1F;
	v35 =	vcvt.s32.f32 @!p4 v29  }
0x47: {  	v34 =	vadd.s32 @!p1 $0x1, v23;
	v32 =	vnsel @!p3 vm1, $0x1F, v32;
	v38 =	vadd.s32 @!p4 $0x1, v29  }
0x48: {  	vm1 =	vlt.s32 @!p4 v38, $0x7F;
	v30 =	vsub.f32 @!p4 v30, v35;
	v35 =	vadd.s32 @!p4 $0x1, v33  }
0x49: {  	v31 =	vsub.f32 @!p4 v31, v37;
	v37 =	vnsel @!p4 vm1, $0x7F, v38;
	vm1 =	vlt.s32 @!p4 v35, $0x7F  }
0x4a: {  	v26 =	vpsel p1, v26, v27;
	v35 =	vnsel @!p4 vm1, $0x7F, v35;
	vm1 =	vlt.s32 @!p1 v34, $0x3F  }
0x4b: {  	v21 =	vsub.f32 @!p1 v21, v36;
	v36 =	vadd.s32 @!p1 $0x1, v27;
	v34 =	vnsel @!p1 vm1, $0x3F, v34  }
0x4c: {  	v23 =	vpsel p1, v25, v23;
	v25 =	vpsel p1, v28, v34;
	v28 =	vtrunc.f32 @!p2 v18  }
0x4d: {  	vm1 =	vlt.s32 @!p1 v36, $0x3F;
	v27 =	vcvt.f32.s32 @!p2 v28;
	v28 =	vtrunc.f32 @!p2 v19  }
0x4e: {  	v55 =	vpsel p1, v22, v20;
	v36 =	vnsel @!p1 vm1, $0x3F, v36;
	v20 =	vcvt.f32.s32 @!p2 v28  }
0x4f: {  	v28 =	vpsel p1, v24, v21;
	v21 =	vcvt.s32.f32 @!p2 v27;
	v24 =	vadd.s32 @!p2 $0x1, v27  }
0x50: {  	v27 =	vpsel p2, v29, v27;
	v22 =	vcvt.s32.f32 @!p2 v20;
	vm1 =	vlt.s32 @!p2 v24, $0xFF  }
0x51: {  	v29 =	vpsel p2, v33, v20;
	v18 =	vsub.f32 @!p2 v18, v21;
	v21 =	vadd.s32 @!p2 $0x1, v20  }
0x52: {  	v19 =	vsub.f32 @!p2 v19, v22;
	v22 =	vnsel @!p2 vm1, $0xFF, v24;
	vm1 =	vlt.s32 @!p2 v21, $0xFF  }
0x53: {  	v20 =	vpsel p0, v23, v27;
	v21 =	vnsel @!p2 vm1, $0xFF, v21;
	v22 =	vpsel p2, v37, v22  }
0x54: {  	[tilespmem:$0x800] =	vst v20;
	v58 =	vpsel p2, v35, v21;
	v21 =	vpsel p0, v25, v22  }
0x55: {  	v24 =	vimm.s32 @!p2 $0x8;
	v18 =	vpsel p2, v30, v18;
	v22 =	vpsel p0, v26, v29;
	[tilespmem:$0x880] =	vst v21  }
0x56: {  	v32 =	vpsel p1, v32, v36;
	v30 =	vpsel p2, $0x7, v24;
	v24 =	vpsel p0, v55, v18;
	[tilespmem:$0x900] =	vst v22  }
0x57: {  	v19 =	vpsel p2, v31, v19;
	v23 =	vpsel p0, v32, v58;
	[tilespmem:$0xA00] =	vst v24  }
0x58: {  	v25 =	vpsel p0, v28, v19;
	[tilespmem:$0x980] =	vst v23  }
0x59: {  	[tilespmem:$0xA80] =	vst v25  }
0x5a: {  	v20 =	vld.idx.msk [tilespmem:v5+s15+$0x0], $0xffff;
	_ =	sdelay $0x2  }
0x5b: {  	v21 =	vld.idx.msk [tilespmem:v5+s12+$0x0], $0xffff  }
0x5c: {  	v22 =	vld.idx.msk [tilespmem:v5+s13+$0x0], $0xffff  }
0x5d: {  	v23 =	vld.idx.msk [tilespmem:v6+s14+$0x0], $0xffff;
	[tilespmem:$0xB00] =	vst v20  }
0x5e: {  	v38 =	vimm.s32 @!p1 $0x6;
	v20 =	vld.idx.msk [tilespmem:v6+s16+$0x0], $0xffff  }
0x5f: {  	v56 =	vpsel p1, $0x5, v38  }
0x60: {  	v57 =	vpsel p1, v0, v1;
	v31 =	vpsel p2, v2, v3;
	v18 =	vpsel p0, v56, v30  }
0x61: {  	v19 =	vpsel p0, v57, v31;
	v21 =	vshll.u32 v21, v18  }
0x62: {  	v22 =	vshll.u32 v22, v18;
	v21 =	vadd.s32 v19, v21  }
0x63: {  	v22 =	vadd.s32 v19, v22;
	[tilespmem:$0xB80] =	vst v20;
	v20 =	vadd.s32 v23, v21  }
0x64: {  	[tilespmem:$0xC00] =	vst v20;
	v20 =	vadd.s32 v23, v22  }
0x65: {  	[tilespmem:$0xC80] =	vst v20  }
0x66: {  	v20 =	vld.idx.msk [tilespmem:v7+s15+$0x0], $0xffff;
	_ =	sdelay $0x2  }
0x67: {  	v23 =	vld.idx.msk [tilespmem:v7+s12+$0x0], $0xffff  }
0x68: {  	v24 =	vld.idx.msk [tilespmem:v7+s13+$0x0], $0xffff  }
0x69: {  	v25 =	vld.idx.msk [tilespmem:v8+s14+$0x0], $0xffff;
	[tilespmem:$0xB10] =	vst v20  }
0x6a: {  	v20 =	vld.idx.msk [tilespmem:v8+s16+$0x0], $0xffff;
	_ =	sdelay $0x2  }
0x6b: {  	v23 =	vshll.u32 v23, v18  }
0x6c: {  	v24 =	vshll.u32 v24, v18;
	v23 =	vadd.s32 v19, v23  }
0x6d: {  	v24 =	vadd.s32 v19, v24;
	[tilespmem:$0xB90] =	vst v20;
	v20 =	vadd.s32 v25, v23  }
0x6e: {  	[tilespmem:$0xC10] =	vst v20;
	v20 =	vadd.s32 v25, v24  }
0x6f: {  	[tilespmem:$0xC90] =	vst v20  }
0x70: {  	v20 =	vld.idx.msk [tilespmem:v9+s15+$0x0], $0xffff;
	_ =	sdelay $0x2  }
0x71: {  	v25 =	vld.idx.msk [tilespmem:v9+s12+$0x0], $0xffff  }
0x72: {  	v26 =	vld.idx.msk [tilespmem:v9+s13+$0x0], $0xffff  }
0x73: {  	v27 =	vld.idx.msk [tilespmem:v10+s14+$0x0], $0xffff;
	[tilespmem:$0xB20] =	vst v20  }
0x74: {  	v20 =	vld.idx.msk [tilespmem:v10+s16+$0x0], $0xffff;
	_ =	sdelay $0x2  }
0x75: {  	v25 =	vshll.u32 v25, v18  }
0x76: {  	v26 =	vshll.u32 v26, v18;
	v25 =	vadd.s32 v19, v25  }
0x77: {  	v26 =	vadd.s32 v19, v26;
	[tilespmem:$0xBA0] =	vst v20;
	v20 =	vadd.s32 v27, v25  }
0x78: {  	[tilespmem:$0xC20] =	vst v20;
	v20 =	vadd.s32 v27, v26  }
0x79: {  	[tilespmem:$0xCA0] =	vst v20  }
0x7a: {  	v20 =	vld.idx.msk [tilespmem:v11+s15+$0x0], $0xffff;
	_ =	sdelay $0x2  }
0x7b: {  	v27 =	vld.idx.msk [tilespmem:v11+s12+$0x0], $0xffff  }
0x7c: {  	v28 =	vld.idx.msk [tilespmem:v11+s13+$0x0], $0xffff  }
0x7d: {  	v29 =	vld.idx.msk [tilespmem:v12+s14+$0x0], $0xffff;
	[tilespmem:$0xB30] =	vst v20  }
0x7e: {  	v20 =	vld.idx.msk [tilespmem:v12+s16+$0x0], $0xffff;
	_ =	sdelay $0x3  }
0x7f: {  	v27 =	vshll.u32 v27, v18;
	v29 =	vadd.s32 v19, v29  }
0x80: {  	[tilespmem:$0xBB0] =	vst v20;
	v20 =	vadd.s32 v27, v29;
	v27 =	vshll.u32 v28, v18  }
0x81: {  	[tilespmem:$0xC30] =	vst v20;
	v20 =	vadd.s32 v27, v29  }
0x82: {  	[tilespmem:$0xCB0] =	vst v20  }
0x83: {  	v20 =	vld.idx.msk [tilespmem:v6+s18+$0x0], $0xffff;
	_ =	sdelay $0x4  }
0x84: {  	v21 =	vadd.s32 v21, v20  }
0x85: {  	v20 =	vadd.s32 v22, v20;
	[tilespmem:$0xC38] =	vst v21  }
0x86: {  	[tilespmem:$0xCB8] =	vst v20  }
0x87: {  	v20 =	vld.idx.msk [tilespmem:v8+s18+$0x0], $0xffff;
	_ =	sdelay $0x4  }
0x88: {  	v21 =	vadd.s32 v23, v20  }
0x89: {  	v20 =	vadd.s32 v24, v20;
	[tilespmem:$0xC48] =	vst v21  }
0x8a: {  	[tilespmem:$0xCC8] =	vst v20  }
0x8b: {  	v20 =	vld.idx.msk [tilespmem:v10+s18+$0x0], $0xffff;
	_ =	sdelay $0x2  }
0x8c: {  	v21 =	vld [tilespmem:$0xC00];
	_ =	sdelay $0x1  }
0x8d: {  	v22 =	vadd.s32 v25, v20  }
0x8e: {  	v20 =	vadd.s32 v26, v20;
	[tilespmem:$0xC58] =	vst v22  }
0x8f: {  	[tilespmem:$0xCD8] =	vst v20  }
0x90: {  	v22 =	vshll.u32 v21, $0x1;
	v20 =	vld.idx.msk [tilespmem:v13+s12+$0x0], $0xffff  }
0x91: {  	v21 =	vand.u32 $0x7, v21;
	v23 =	vld.idx.msk [tilespmem:v14+s18+$0x0], $0xffff;
	v22 =	vand.u32 $0xFFFFFFF0, v22  }
0x92: {  	v24 =	vld.idx.msk [tilespmem:v13+s13+$0x0], $0xffff;
	v21 =	vor.u32 v21, v22  }
0x93: {  	v22 =	vperm.xlane v21, v15  }
0x94: {  	s2 =	rddreg [dreg:$0x4]  }
0x95: {  	s1 =	rddreg [dreg:$0x3];
	v21 =	vperm.xlane v21, v17;
	v22 =	vadd.s32 v16, v22  }
0x96: {  	s0 =	rddreg [dreg:$0x1];
	v20 =	vshll.u32 v20, v18;
	v19 =	vadd.s32 v19, v23  }
0x97: {  	s1 =	smov.u32 @p1 s2;
	s2 =	rddreg [dreg:$0x2];
	v21 =	vadd.s32 v16, v21;
	v18 =	vshll.u32 v24, v18;
	v20 =	vadd.s32 v20, v19  }
0x98: {  	s0 =	smov.u32 @p2 s2;
	v18 =	vadd.s32 v18, v19;
	[tilespmem:$0xC60] =	vst v20  }
0x99: {  	s9 =	simm.s32 $0x0;
	s0 =	smov.u32 @p0 s1;
	[tilespmem:$0xCE0] =	vst v18  }
0x9a: {  	[tilespmem:s19], [sflag:$0x1] =	stream.indirect_vreg.gather [hbm4b:s0+s9], $0x80, v22, vm0, $0xb8;
	[tilespmem:$0xED00] =	vst v63  }
0x9b: {  	s2 =	simm.s32 $0x1500  }
0x9c: {  	[tilespmem:s2], [sflag:$0x1] =	stream.indirect_vreg.gather [hbm4b:s0+s9], $0x80, v21, vm0, $0xb8;
	[tilespmem:$0xED00] =	vst v63  }
0x9d: {  	v18 =	vld [tilespmem:$0xC10];
	_ =	sdelay $0x4  }
0x9e: {  	v19 =	vshll.u32 v18, $0x1  }
0x9f: {  	v18 =	vand.u32 $0x7, v18;
	v19 =	vand.u32 $0xFFFFFFF0, v19  }
0xa0: {  	v18 =	vor.u32 v18, v19  }
0xa1: {  	v19 =	vperm.xlane v18, v15;
	_ =	sdelay $0x1  }
0xa2: {  	v18 =	vperm.xlane v18, v17;
	v19 =	vadd.s32 v16, v19;
	_ =	sdelay $0x1  }
0xa3: {  	v18 =	vadd.s32 v16, v18;
	_ =	sdelay $0x1  }
0xa4: {  	s4 =	simm.s32 $0x1D00  }
0xa5: {  	[tilespmem:s4], [sflag:$0x1] =	stream.indirect_vreg.gather [hbm4b:s0+s9], $0x80, v19, vm0, $0xb8;
	[tilespmem:$0xED00] =	vst v63  }
0xa6: {  	s5 =	simm.s32 $0x2500  }
0xa7: {  	[tilespmem:s5], [sflag:$0x1] =	stream.indirect_vreg.gather [hbm4b:s0+s9], $0x80, v18, vm0, $0xb8;
	[tilespmem:$0xED00] =	vst v63  }
0xa8: {  	v18 =	vld [tilespmem:$0xC20];
	_ =	sdelay $0x4  }
0xa9: {  	v19 =	vshll.u32 v18, $0x1  }
0xaa: {  	v18 =	vand.u32 $0x7, v18;
	v19 =	vand.u32 $0xFFFFFFF0, v19  }
0xab: {  	v18 =	vor.u32 v18, v19  }
0xac: {  	v19 =	vperm.xlane v18, v15;
	_ =	sdelay $0x1  }
0xad: {  	v18 =	vperm.xlane v18, v17;
	v19 =	vadd.s32 v16, v19;
	_ =	sdelay $0x1  }
0xae: {  	v18 =	vadd.s32 v16, v18;
	_ =	sdelay $0x1  }
0xaf: {  	s10 =	simm.s32 $0x2D00  }
0xb0: {  	[tilespmem:s10], [sflag:$0x1] =	stream.indirect_vreg.gather [hbm4b:s0+s9], $0x80, v19, vm0, $0xb8;
	[tilespmem:$0xED00] =	vst v63  }
0xb1: {  	s2 =	simm.s32 $0x3500  }
0xb2: {  	[tilespmem:s2], [sflag:$0x1] =	stream.indirect_vreg.gather [hbm4b:s0+s9], $0x80, v18, vm0, $0xb8;
	[tilespmem:$0xED00] =	vst v63  }
0xb3: {  	v18 =	vld [tilespmem:$0xC30];
	_ =	sdelay $0x4  }
0xb4: {  	v19 =	vshll.u32 v18, $0x1  }
0xb5: {  	v18 =	vand.u32 $0x7, v18;
	v19 =	vand.u32 $0xFFFFFFF0, v19  }
0xb6: {  	v18 =	vor.u32 v18, v19  }
0xb7: {  	v19 =	vperm.xlane v18, v15;
	_ =	sdelay $0x1  }
0xb8: {  	v18 =	vperm.xlane v18, v17;
	v19 =	vadd.s32 v16, v19;
	_ =	sdelay $0x1  }
0xb9: {  	v18 =	vadd.s32 v16, v18;
	_ =	sdelay $0x1  }
0xba: {  	s4 =	simm.s32 $0x3D00  }
0xbb: {  	[tilespmem:s4], [sflag:$0x1] =	stream.indirect_vreg.gather [hbm4b:s0+s9], $0x80, v19, vm0, $0xb8;
	[tilespmem:$0xED00] =	vst v63  }
0xbc: {  	s5 =	simm.s32 $0x4500  }
0xbd: {  	[tilespmem:s5], [sflag:$0x1] =	stream.indirect_vreg.gather [hbm4b:s0+s9], $0x80, v18, vm0, $0xb8;
	[tilespmem:$0xED00] =	vst v63  }
0xbe: {  	v18 =	vld [tilespmem:$0xC40];
	_ =	sdelay $0x4  }
0xbf: {  	v19 =	vshll.u32 v18, $0x1  }
0xc0: {  	v18 =	vand.u32 $0x7, v18;
	v19 =	vand.u32 $0xFFFFFFF0, v19  }
0xc1: {  	v18 =	vor.u32 v18, v19  }
0xc2: {  	v19 =	vperm.xlane v18, v15;
	_ =	sdelay $0x1  }
0xc3: {  	v18 =	vperm.xlane v18, v17;
	v19 =	vadd.s32 v16, v19;
	_ =	sdelay $0x1  }
0xc4: {  	v18 =	vadd.s32 v16, v18;
	_ =	sdelay $0x1  }
0xc5: {  	s10 =	simm.s32 $0x4D00  }
0xc6: {  	[tilespmem:s10], [sflag:$0x1] =	stream.indirect_vreg.gather [hbm4b:s0+s9], $0x80, v19, vm0, $0xb8;
	[tilespmem:$0xED00] =	vst v63  }
0xc7: {  	s2 =	simm.s32 $0x5500  }
0xc8: {  	[tilespmem:s2], [sflag:$0x1] =	stream.indirect_vreg.gather [hbm4b:s0+s9], $0x80, v18, vm0, $0xb8;
	[tilespmem:$0xED00] =	vst v63  }
0xc9: {  	v18 =	vld [tilespmem:$0xC50];
	_ =	sdelay $0x4  }
0xca: {  	v19 =	vshll.u32 v18, $0x1  }
0xcb: {  	v18 =	vand.u32 $0x7, v18;
	v19 =	vand.u32 $0xFFFFFFF0, v19  }
0xcc: {  	v18 =	vor.u32 v18, v19  }
0xcd: {  	v19 =	vperm.xlane v18, v15;
	_ =	sdelay $0x1  }
0xce: {  	v18 =	vperm.xlane v18, v17;
	v19 =	vadd.s32 v16, v19;
	_ =	sdelay $0x1  }
0xcf: {  	v18 =	vadd.s32 v16, v18;
	_ =	sdelay $0x1  }
0xd0: {  	s4 =	simm.s32 $0x5D00  }
0xd1: {  	[tilespmem:s4], [sflag:$0x1] =	stream.indirect_vreg.gather [hbm4b:s0+s9], $0x80, v19, vm0, $0xb8;
	[tilespmem:$0xED00] =	vst v63  }
0xd2: {  	s5 =	simm.s32 $0x6500  }
0xd3: {  	[tilespmem:s5], [sflag:$0x1] =	stream.indirect_vreg.gather [hbm4b:s0+s9], $0x80, v18, vm0, $0xb8;
	[tilespmem:$0xED00] =	vst v63  }
0xd4: {  	v18 =	vld [tilespmem:$0xC60];
	_ =	sdelay $0x4  }
0xd5: {  	v19 =	vshll.u32 v18, $0x1  }
0xd6: {  	v18 =	vand.u32 $0x7, v18;
	v19 =	vand.u32 $0xFFFFFFF0, v19  }
0xd7: {  	v18 =	vor.u32 v18, v19  }
0xd8: {  	v19 =	vperm.xlane v18, v15;
	_ =	sdelay $0x1  }
0xd9: {  	v18 =	vperm.xlane v18, v17;
	v19 =	vadd.s32 v16, v19;
	_ =	sdelay $0x1  }
0xda: {  	v18 =	vadd.s32 v16, v18;
	_ =	sdelay $0x1  }
0xdb: {  	s10 =	simm.s32 $0x6D00  }
0xdc: {  	[tilespmem:s10], [sflag:$0x1] =	stream.indirect_vreg.gather [hbm4b:s0+s9], $0x80, v19, vm0, $0xb8;
	[tilespmem:$0xED00] =	vst v63  }
0xdd: {  	s2 =	simm.s32 $0x7500  }
0xde: {  	[tilespmem:s2], [sflag:$0x1] =	stream.indirect_vreg.gather [hbm4b:s0+s9], $0x80, v18, vm0, $0xb8;
	[tilespmem:$0xED00] =	vst v63  }
0xdf: {  	v18 =	vld [tilespmem:$0xC80];
	_ =	sdelay $0x4  }
0xe0: {  	v19 =	vshll.u32 v18, $0x1  }
0xe1: {  	v18 =	vand.u32 $0x7, v18;
	v19 =	vand.u32 $0xFFFFFFF0, v19  }
0xe2: {  	v18 =	vor.u32 v18, v19  }
0xe3: {  	v19 =	vperm.xlane v18, v15;
	_ =	sdelay $0x1  }
0xe4: {  	v18 =	vperm.xlane v18, v17;
	v19 =	vadd.s32 v16, v19;
	_ =	sdelay $0x1  }
0xe5: {  	v18 =	vadd.s32 v16, v18;
	_ =	sdelay $0x1  }
0xe6: {  	s4 =	simm.s32 $0x7D00  }
0xe7: {  	[tilespmem:s4], [sflag:$0x1] =	stream.indirect_vreg.gather [hbm4b:s0+s9], $0x80, v19, vm0, $0xb8;
	[tilespmem:$0xED00] =	vst v63  }
0xe8: {  	s5 =	simm.s32 $0x8500  }
0xe9: {  	[tilespmem:s5], [sflag:$0x1] =	stream.indirect_vreg.gather [hbm4b:s0+s9], $0x80, v18, vm0, $0xb8;
	[tilespmem:$0xED00] =	vst v63  }
0xea: {  	v18 =	vld [tilespmem:$0xC90];
	_ =	sdelay $0x4  }
0xeb: {  	v19 =	vshll.u32 v18, $0x1  }
0xec: {  	v18 =	vand.u32 $0x7, v18;
	v19 =	vand.u32 $0xFFFFFFF0, v19  }
0xed: {  	v18 =	vor.u32 v18, v19  }
0xee: {  	v19 =	vperm.xlane v18, v15;
	_ =	sdelay $0x1  }
0xef: {  	v18 =	vperm.xlane v18, v17;
	v19 =	vadd.s32 v16, v19;
	_ =	sdelay $0x1  }
0xf0: {  	v18 =	vadd.s32 v16, v18;
	_ =	sdelay $0x1  }
0xf1: {  	s10 =	simm.s32 $0x8D00  }
0xf2: {  	[tilespmem:s10], [sflag:$0x1] =	stream.indirect_vreg.gather [hbm4b:s0+s9], $0x80, v19, vm0, $0xb8;
	[tilespmem:$0xED00] =	vst v63  }
0xf3: {  	s2 =	simm.s32 $0x9500  }
0xf4: {  	[tilespmem:s2], [sflag:$0x1] =	stream.indirect_vreg.gather [hbm4b:s0+s9], $0x80, v18, vm0, $0xb8;
	[tilespmem:$0xED00] =	vst v63  }
0xf5: {  	v18 =	vld [tilespmem:$0xCA0];
	_ =	sdelay $0x4  }
0xf6: {  	v19 =	vshll.u32 v18, $0x1  }
0xf7: {  	v18 =	vand.u32 $0x7, v18;
	v19 =	vand.u32 $0xFFFFFFF0, v19  }
0xf8: {  	v18 =	vor.u32 v18, v19  }
0xf9: {  	v19 =	vperm.xlane v18, v15;
	_ =	sdelay $0x1  }
0xfa: {  	v18 =	vperm.xlane v18, v17;
	v19 =	vadd.s32 v16, v19;
	_ =	sdelay $0x1  }
0xfb: {  	v18 =	vadd.s32 v16, v18;
	_ =	sdelay $0x1  }
0xfc: {  	s4 =	simm.s32 $0x9D00  }
0xfd: {  	[tilespmem:s4], [sflag:$0x1] =	stream.indirect_vreg.gather [hbm4b:s0+s9], $0x80, v19, vm0, $0xb8;
	[tilespmem:$0xED00] =	vst v63  }
0xfe: {  	_ = 	snop  }
0xff: {  	[tilespmem:s6], [sflag:$0x1] =	stream.indirect_vreg.gather [hbm4b:s0+s9], $0x80, v18, vm0, $0xb8;
	[tilespmem:$0xED00] =	vst v63  }
0x100: {  	v18 =	vld [tilespmem:$0xCB0];
	_ =	sdelay $0x4  }
0x101: {  	v19 =	vshll.u32 v18, $0x1  }
0x102: {  	v18 =	vand.u32 $0x7, v18;
	v19 =	vand.u32 $0xFFFFFFF0, v19  }
0x103: {  	v18 =	vor.u32 v18, v19  }
0x104: {  	v19 =	vperm.xlane v18, v15;
	_ =	sdelay $0x1  }
0x105: {  	v18 =	vperm.xlane v18, v17;
	v19 =	vadd.s32 v16, v19;
	_ =	sdelay $0x1  }
0x106: {  	v18 =	vadd.s32 v16, v18;
	_ =	sdelay $0x2  }
0x107: {  	[tilespmem:s3], [sflag:$0x1] =	stream.indirect_vreg.gather [hbm4b:s0+s9], $0x80, v19, vm0, $0xb8;
	[tilespmem:$0xED00] =	vst v63  }
0x108: {  	_ = 	snop  }
0x109: {  	[tilespmem:s20], [sflag:$0x1] =	stream.indirect_vreg.gather [hbm4b:s0+s9], $0x80, v18, vm0, $0xb8;
	[tilespmem:$0xED00] =	vst v63  }
0x10a: {  	v18 =	vld [tilespmem:$0xCC0];
	_ =	sdelay $0x4  }
0x10b: {  	v19 =	vshll.u32 v18, $0x1  }
0x10c: {  	v18 =	vand.u32 $0x7, v18;
	v19 =	vand.u32 $0xFFFFFFF0, v19  }
0x10d: {  	v18 =	vor.u32 v18, v19  }
0x10e: {  	v19 =	vperm.xlane v18, v15;
	_ =	sdelay $0x1  }
0x10f: {  	v18 =	vperm.xlane v18, v17;
	v19 =	vadd.s32 v16, v19;
	_ =	sdelay $0x1  }
0x110: {  	v18 =	vadd.s32 v16, v18;
	_ =	sdelay $0x2  }
0x111: {  	[tilespmem:s21], [sflag:$0x1] =	stream.indirect_vreg.gather [hbm4b:s0+s9], $0x80, v19, vm0, $0xb8;
	[tilespmem:$0xED00] =	vst v63  }
0x112: {  	_ = 	snop  }
0x113: {  	[tilespmem:s22], [sflag:$0x1] =	stream.indirect_vreg.gather [hbm4b:s0+s9], $0x80, v18, vm0, $0xb8;
	[tilespmem:$0xED00] =	vst v63  }
0x114: {  	v18 =	vld [tilespmem:$0xCD0];
	_ =	sdelay $0x4  }
0x115: {  	v19 =	vshll.u32 v18, $0x1  }
0x116: {  	v18 =	vand.u32 $0x7, v18;
	v19 =	vand.u32 $0xFFFFFFF0, v19  }
0x117: {  	v18 =	vor.u32 v18, v19  }
0x118: {  	v19 =	vperm.xlane v18, v15;
	_ =	sdelay $0x1  }
0x119: {  	v18 =	vperm.xlane v18, v17;
	v19 =	vadd.s32 v16, v19;
	_ =	sdelay $0x1  }
0x11a: {  	v18 =	vadd.s32 v16, v18;
	_ =	sdelay $0x2  }
0x11b: {  	[tilespmem:s23], [sflag:$0x1] =	stream.indirect_vreg.gather [hbm4b:s0+s9], $0x80, v19, vm0, $0xb8;
	[tilespmem:$0xED00] =	vst v63  }
0x11c: {  	_ = 	snop  }
0x11d: {  	[tilespmem:s24], [sflag:$0x1] =	stream.indirect_vreg.gather [hbm4b:s0+s9], $0x80, v18, vm0, $0xb8;
	[tilespmem:$0xED00] =	vst v63  }
0x11e: {  	v18 =	vld [tilespmem:$0xCE0];
	_ =	sdelay $0x4  }
0x11f: {  	v19 =	vshll.u32 v18, $0x1  }
0x120: {  	v18 =	vand.u32 $0x7, v18;
	v19 =	vand.u32 $0xFFFFFFF0, v19  }
0x121: {  	v18 =	vor.u32 v18, v19  }
0x122: {  	v19 =	vperm.xlane v18, v15;
	_ =	sdelay $0x1  }
0x123: {  	v18 =	vperm.xlane v18, v17;
	v19 =	vadd.s32 v16, v19;
	_ =	sdelay $0x1  }
0x124: {  	v18 =	vadd.s32 v16, v18;
	_ =	sdelay $0x2  }
0x125: {  	[tilespmem:s25], [sflag:$0x1] =	stream.indirect_vreg.gather [hbm4b:s0+s9], $0x80, v19, vm0, $0xb8;
	[tilespmem:$0xED00] =	vst v63  }
0x126: {  	_ = 	snop  }
0x127: {  	[tilespmem:s26], [sflag:$0x1] =	stream.indirect_vreg.gather [hbm4b:s0+s9], $0x80, v18, vm0, $0xb8;
	[tilespmem:$0xED00] =	vst v63  }
0x128: {  	_ =	swait.ge [sflag:s17], $0x7000  }
0x129: {  	[sflag:s17] =	ssyncset.done $0x0  }
0x12a: {  	[sflag:s17] =	ssyncadd.s32 $0xFFFF9000  }
0x12b: {  	_ =	swait.ge [sflag:s17], $0x7000  }
0x12c: {  	s5 =	sand.u32 $0x3800, s9;
	s10 =	sand.u32 $0x380, s9;
	[sflag:s17] =	ssyncset.done $0x0  }
0x12d: {  	s5 =	sor.u32 s10, s5;
	[sflag:s17] =	ssyncadd.s32 $0xFFFF9000  }
0x12e: {  	v25 =	vld [tilespmem:s5+$0x1100]  }
0x12f: {  	v24 =	vld [tilespmem:s5+$0xB570]  }
0x130: {  	v26 =	vld [tilespmem:s5+$0x7D70]  }
0x131: {  	v22 =	vld [tilespmem:s5+$0x4570]  }
0x132: {  	v27 =	vld [tilespmem:s5+$0xD70]  }
0x133: {  	v28 =	vld [tilespmem:s5+$0xB560]  }
0x134: {  	v29 =	vld [tilespmem:s5+$0x7D60]  }
0x135: {  	v30 =	vld [tilespmem:s5+$0x4560]  }
0x136: {  	v32 =	vld [tilespmem:s5+$0xD60]  }
0x137: {  	v59 =	vld [tilespmem:s5+$0xB550]  }
0x138: {  	v34 =	vld [tilespmem:s5+$0x7D50]  }
0x139: {  	v62 =	vld [tilespmem:s5+$0x4550]  }
0x13a: {  	v36 =	vld [tilespmem:s5+$0xD50]  }
0x13b: {  	v18 =	vld [tilespmem:s5+$0xB540]  }
0x13c: {  	v23 =	vld [tilespmem:s5+$0xB530]  }
0x13d: {  	v63 =	vld [tilespmem:s5+$0x7D30]  }
0x13e: {  	v60 =	vld [tilespmem:s5+$0xB960]  }
0x13f: {  	v39 =	vld [tilespmem:s5+$0x4530]  }
0x140: {  	v31 =	vld [tilespmem:s5+$0xB950]  }
0x141: {  	v20 =	vld [tilespmem:s5+$0x7D40]  }
0x142: {  	v40 =	vld [tilespmem:s5+$0x4520]  }
0x143: {  	v41 =	vld [tilespmem:s5+$0x8160]  }
0x144: {  	v42 =	vld [tilespmem:s5+$0xB940]  }
0x145: {  	v43 =	vld [tilespmem:s5+$0x8140]  }
0x146: {  	v47 =	vmov s9;
	v44 =	vld [tilespmem:s5+$0xB510]  }
0x147: {  	v46 =	vld [tilespmem:s5+$0xB930]  }
0x148: {  	v48 =	vld [tilespmem:s5+$0x8130]  }
0x149: {  	v19 =	vld [tilespmem:s5+$0x7D00]  }
0x14a: {  	v51 =	vld [tilespmem:s5+$0xB900]  }
0x14b: {  	v21 =	vld.idx.msk [tilespmem:v47+s28+$0x0], $0xffff  }
0x14c: {  	v61 =	vld [tilespmem:s5+$0x4900]  }
0x14d: {  	v53 =	vld [tilespmem:s5+$0x8100];
	v52 =	vsub.f32 v23, v63;
	v23 =	vsub.f32 v18, v20  }
0x14e: {  	v56 =	vld [tilespmem:s5+$0x1110];
	v38 =	vsub.f32 v60, v41;
	v35 =	vsub.f32 v62, v36  }
0x14f: {  	v57 =	vld [tilespmem:s5+$0x4910];
	v42 =	vsub.f32 v42, v43;
	v33 =	vsub.f32 v59, v34  }
0x150: {  	v49 =	vld [tilespmem:s5+$0x4500];
	v30 =	vsub.f32 v30, v32;
	v54 =	vsub.f32 v22, v27  }
0x151: {  	v55 =	vld [tilespmem:s5+$0xB500];
	v46 =	vsub.f32 v46, v48;
	v28 =	vsub.f32 v28, v29  }
0x152: {  	v18 =	vld.idx.msk [tilespmem:v47+s29+$0x0], $0xffff;
	v24 =	vsub.f32 v24, v26;
	v47 =	vsub.f32 v61, v25  }
0x153: {  	v50 =	vld [tilespmem:s5+$0x4930];
	v51 =	vsub.f32 v51, v53;
	v52 =	vmul.f32 v52, v21;
	v54 =	vmul.f32 v54, v21  }
0x154: {  	v22 =	vld [tilespmem:s5+$0xD00];
	v60 =	vsub.f32 v57, v56;
	v30 =	vmul.f32 v30, v21;
	v28 =	vmul.f32 v28, v21  }
0x155: {  	v57 =	vld [tilespmem:s5+$0x1130];
	v62 =	vmul.f32 v24, v21;
	v59 =	vmul.f32 v51, v21;
	v58 =	vadd.f32 v52, v63  }
0x156: {  	v45 =	vld [tilespmem:s5+$0x4940];
	v52 =	vadd.f32 v30, v32;
	v30 =	vmul.f32 v47, v21;
	v47 =	vsub.f32 v55, v19  }
0x157: {  	v24 =	vld [tilespmem:s5+$0x8110];
	v33 =	vmul.f32 v33, v21;
	v26 =	vadd.f32 v62, v26;
	v54 =	vadd.f32 v54, v27  }
0x158: {  	v51 =	vld [tilespmem:s5+$0x1120];
	v27 =	vadd.f32 v59, v53;
	v28 =	vadd.f32 v28, v29  }
0x159: {  	v63 =	vld [tilespmem:s5+$0xB910];
	v33 =	vadd.f32 v33, v34;
	v49 =	vsub.f32 v49, v22  }
0x15a: {  	v35 =	vmul.f32 v35, v21;
	v55 =	vld [tilespmem:s5+$0x4920];
	v50 =	vsub.f32 v50, v57;
	v30 =	vadd.f32 v30, v25  }
0x15b: {  	v29 =	vld [tilespmem:s5+$0xB920];
	v25 =	vmul.f32 v38, v21;
	v26 =	vsub.f32 v26, v54;
	v61 =	vsub.f32 v28, v52  }
0x15c: {  	v37 =	vmul.f32 v60, v21;
	v38 =	vld [tilespmem:s5+$0x8120];
	v28 =	vadd.f32 v35, v36;
	v53 =	vsub.f32 v27, v30  }
0x15d: {  	v59 =	vld [tilespmem:s5+$0x4510];
	v27 =	vadd.f32 v25, v41;
	v26 =	vmul.f32 v26, v18;
	v36 =	vmul.f32 v61, v18  }
0x15e: {  	v35 =	vld [tilespmem:s5+$0x7D10];
	v61 =	vmul.f32 v46, v21;
	v33 =	vsub.f32 v33, v28;
	v32 =	vsub.f32 v63, v24  }
0x15f: {  	v46 =	vld [tilespmem:s5+$0x1140];
	v60 =	vsub.f32 v55, v51;
	v63 =	vadd.f32 v26, v54  }
0x160: {  	v55 =	vld [tilespmem:s5+$0xB520];
	v62 =	vmul.f32 v53, v18;
	v26 =	vadd.f32 v37, v56;
	v48 =	vadd.f32 v61, v48  }
0x161: {  	v54 =	vld [tilespmem:s5+$0xD20];
	v56 =	vmul.f32 v42, v21;
	v36 =	vadd.f32 v36, v52;
	v29 =	vsub.f32 v29, v38  }
0x162: {  	v53 =	vld [tilespmem:s5+$0x7D20];
	v34 =	vadd.f32 v62, v30;
	v62 =	vmul.f32 v60, v21;
	v30 =	vmul.f32 v32, v21  }
0x163: {  	[tilespmem:s5+$0xD70] =	vst v63;
	v63 =	vmul.f32 v50, v21;
	v60 =	vsub.f32 v44, v35;
	v50 =	vld [tilespmem:s5+$0xD30];
	v32 =	vmul.f32 v47, v21  }
0x164: {  	v47 =	vld [tilespmem:s5+$0x1150];
	[tilespmem:s5+$0xD60] =	vst v36;
	v36 =	vadd.f32 v56, v43;
	v29 =	vmul.f32 v29, v21;
	v61 =	vsub.f32 v45, v46  }
0x165: {  	v45 =	vld [tilespmem:s5+$0x4950];
	v51 =	vadd.f32 v62, v51;
	v37 =	vadd.f32 v63, v57  }
0x166: {  	v62 =	vmul.f32 v60, v21;
	v57 =	vld [tilespmem:s5+$0x8150];
	v29 =	vadd.f32 v29, v38;
	v40 =	vsub.f32 v40, v54  }
0x167: {  	v25 =	vld [tilespmem:s5+$0xD10];
	[tilespmem:s5+$0x1100] =	vst v34;
	v34 =	vmul.f32 v61, v21;
	v61 =	vsub.f32 v55, v53;
	v52 =	vsub.f32 v48, v37  }
0x168: {  	v38 =	vld [tilespmem:s5+$0x1160];
	v63 =	vsub.f32 v29, v51;
	v29 =	vadd.f32 v62, v35;
	v60 =	vmul.f32 v40, v21  }
0x169: {  	v39 =	vsub.f32 v39, v50;
	v42 =	vadd.f32 v34, v46;
	v34 =	vld [tilespmem:s5+$0x4960]  }
0x16a: {  	v40 =	vmul.f32 v61, v21;
	v62 =	vmul.f32 v63, v18;
	v35 =	vadd.f32 v60, v54  }
0x16b: {  	v41 =	vld [tilespmem:s5+$0x4970];
	v39 =	vmul.f32 v39, v21;
	v63 =	vsub.f32 v45, v47;
	v56 =	vsub.f32 v31, v57  }
0x16c: {  	v48 =	vld [tilespmem:s5+$0x8170];
	v44 =	vmul.f32 v52, v18;
	v60 =	vsub.f32 v59, v25;
	v53 =	vadd.f32 v40, v53  }
0x16d: {  	v46 =	vld [tilespmem:s5+$0x1170];
	v45 =	vmul.f32 v49, v21;
	v43 =	vadd.f32 v62, v51;
	v31 =	vadd.f32 v39, v50  }
0x16e: {  	v52 =	vld [tilespmem:s5+$0xB970];
	v61 =	vmul.f32 v63, v21;
	v62 =	vmul.f32 v56, v21;
	v63 =	vsub.f32 v34, v38  }
0x16f: {  	s31 =	sadd.s32 s7, s30;
	v50 =	vld [tilespmem:s5+$0x4540];
	v40 =	vmul.f32 v60, v21;
	v51 =	vsub.f32 v53, v35;
	v34 =	vsub.f32 v58, v31  }
0x170: {  	s10 =	simm.s32 $0x1;
	s0 =	simm.s32 $0x80;
	s9 =	simm.s32 $0x100;
	v49 =	vadd.f32 v61, v47;
	v47 =	vld [tilespmem:s5+$0xD40];
	v53 =	vadd.f32 v62, v57;
	v54 =	vmul.f32 v63, v21  }
.LBB2_3:
0x171: {  	s1 =	smov.u32 s10  }
0x172: {  	v39 =	vmov s10;
	s2 =	sand.u32 $0x3800, s9;
	s4 =	sand.u32 $0x380, s0;
	v55 =	vsub.f32 v36, v42;
	v41 =	vsub.f32 v41, v46;
	s1 =	sadd.s32 $0x1, s10  }
0x173: {  	p0 =	sne.s32 s10, $0x30;
	v23 =	vmul.f32 v23, v21;
	s2 =	sor.u32 s4, s2;
	v51 =	vmul.f32 v51, v18;
	v52 =	vsub.f32 v52, v48  }
0x174: {  	v53 =	vsub.f32 v53, v49;
	v54 =	vadd.f32 v54, v38;
	v56 =	vmul.f32 v41, v21;
	v36 =	vld [tilespmem:s2+$0x1100]  }
0x175: {  	v20 =	vadd.f32 v23, v20;
	v23 =	vmul.f32 v55, v18;
	v52 =	vmul.f32 v52, v21;
	v41 =	vld [tilespmem:s2+$0xB570]  }
0x176: {  	v44 =	vadd.f32 v44, v37;
	v50 =	vsub.f32 v50, v47;
	v53 =	vmul.f32 v53, v18;
	v38 =	vld [tilespmem:s2+$0x7D70]  }
0x177: {  	v46 =	vadd.f32 v56, v46;
	v48 =	vadd.f32 v52, v48;
	v55 =	vld [tilespmem:s2+$0x4570]  }
0x178: {  	v23 =	vadd.f32 v23, v42;
	v52 =	vmul.f32 v33, v18;
	v42 =	vadd.f32 v53, v49;
	v37 =	vld [tilespmem:s2+$0xD70];
	[tilespmem:s5+$0x1130] =	vst v44  }
0x179: {  	v22 =	vadd.f32 v45, v22;
	v21 =	vmul.f32 v50, v21;
	v44 =	vld [tilespmem:s2+$0xB560];
	[tilespmem:s5+$0x1120] =	vst v43;
	v43 =	vsub.f32 v48, v46  }
0x17a: {  	v24 =	vadd.f32 v30, v24;
	v28 =	vadd.f32 v52, v28;
	v33 =	vld [tilespmem:s2+$0x7D60];
	[tilespmem:s5+$0x1150] =	vst v42  }
0x17b: {  	v27 =	vsub.f32 v27, v54;
	v21 =	vadd.f32 v21, v47;
	v42 =	vld [tilespmem:s2+$0x4560];
	v30 =	vmul.f32 v43, v18  }
0x17c: {  	v19 =	vadd.f32 v32, v19;
	v24 =	vsub.f32 v24, v26;
	v43 =	vld [tilespmem:s2+$0xD60];
	[tilespmem:s5+$0x1140] =	vst v23  }
0x17d: {  	v20 =	vsub.f32 v20, v21;
	v23 =	vmul.f32 v27, v18;
	v32 =	vld [tilespmem:s2+$0xB550];
	[tilespmem:s5+$0xD50] =	vst v28;
	v27 =	vadd.f32 v30, v46  }
0x17e: {  	v19 =	vsub.f32 v19, v22;
	v35 =	vadd.f32 v51, v35;
	v24 =	vmul.f32 v24, v18;
	v30 =	vld [tilespmem:s2+$0x7D50]  }
0x17f: {  	v20 =	vmul.f32 v20, v18;
	v23 =	vadd.f32 v23, v54;
	v45 =	vld [tilespmem:s2+$0x4550];
	[tilespmem:s5+$0x1170] =	vst v27  }
0x180: {  	v25 =	vadd.f32 v40, v25;
	v19 =	vmul.f32 v19, v18;
	v24 =	vadd.f32 v24, v26;
	v28 =	vld [tilespmem:s2+$0xD50];
	[tilespmem:s5+$0xD20] =	vst v35  }
0x181: {  	v20 =	vadd.f32 v20, v21;
	v26 =	vld [tilespmem:s2+$0xB540]  }
0x182: {  	v19 =	vadd.f32 v19, v22;
	v22 =	vsub.f32 v29, v25;
	v21 =	vld [tilespmem:s2+$0xB530];
	[tilespmem:s5+$0x1110] =	vst v24  }
0x183: {  	v24 =	vld [tilespmem:s2+$0x7D30];
	[tilespmem:s5+$0x1160] =	vst v23  }
0x184: {  	v27 =	vld [tilespmem:s2+$0xB960];
	[tilespmem:s5+$0xD00] =	vst v19;
	v19 =	vmul.f32 v22, v18;
	v18 =	vmul.f32 v34, v18  }
0x185: {  	v35 =	vld [tilespmem:s2+$0x4530];
	[tilespmem:s5+$0xD40] =	vst v20  }
0x186: {  	v34 =	vld [tilespmem:s2+$0xB950];
	v19 =	vadd.f32 v19, v25;
	v18 =	vadd.f32 v18, v31  }
0x187: {  	v20 =	vld [tilespmem:s2+$0x7D40]  }
0x188: {  	v29 =	vld [tilespmem:s2+$0x4520];
	v25 =	vsub.f32 v21, v24;
	[tilespmem:s5+$0xD10] =	vst v19  }
0x189: {  	v40 =	vld [tilespmem:s2+$0x8160];
	[tilespmem:s5+$0xD30] =	vst v18;
	s5 =	smov.u32 s2  }
0x18a: {  	v18 =	vld [tilespmem:s5+$0xB940]  }
0x18b: {  	v31 =	vld [tilespmem:s5+$0x8140]  }
0x18c: {  	v46 =	vld [tilespmem:s5+$0xB510]  }
0x18d: {  	v23 =	vsub.f32 v26, v20;
	v47 =	vld [tilespmem:s5+$0x4940]  }
0x18e: {  	v22 =	vld [tilespmem:s5+$0xB930];
	v26 =	vsub.f32 v27, v40  }
0x18f: {  	v27 =	vsub.f32 v45, v28;
	v45 =	vld [tilespmem:s5+$0x8130]  }
0x190: {  	v19 =	vld [tilespmem:s5+$0x7D00];
	v48 =	vsub.f32 v18, v31  }
0x191: {  	v32 =	vsub.f32 v32, v30;
	v49 =	vld [tilespmem:s5+$0x4500]  }
0x192: {  	v50 =	vld [tilespmem:s5+$0x4930]  }
0x193: {  	v42 =	vsub.f32 v42, v43;
	v51 =	vld [tilespmem:s5+$0xB900]  }
0x194: {  	v21 =	vld.idx.msk [tilespmem:v39+s28+$0x0], $0xffff;
	v52 =	vsub.f32 v22, v45  }
0x195: {  	v18 =	vld.idx.msk [tilespmem:v39+s29+$0x0], $0xffff;
	v39 =	vsub.f32 v44, v33  }
0x196: {  	v44 =	vld [tilespmem:s5+$0x4900]  }
0x197: {  	v53 =	vsub.f32 v55, v37;
	v54 =	vld [tilespmem:s5+$0x8100]  }
0x198: {  	v22 =	vld [tilespmem:s5+$0xD00]  }
0x199: {  	v55 =	vld [tilespmem:s5+$0xB500]  }
0x19a: {  	v41 =	vsub.f32 v41, v38;
	v25 =	vmul.f32 v25, v21;
	v53 =	vmul.f32 v53, v21;
	v56 =	vld [tilespmem:s5+$0x1110]  }
0x19b: {  	v42 =	vmul.f32 v42, v21;
	v57 =	vmul.f32 v39, v21;
	v44 =	vsub.f32 v44, v36;
	v58 =	vld [tilespmem:s5+$0x4910]  }
0x19c: {  	v39 =	vadd.f32 v25, v24;
	v25 =	vmul.f32 v41, v21;
	v41 =	vsub.f32 v51, v54;
	v24 =	vld [tilespmem:s5+$0x8110]  }
0x19d: {  	v42 =	vadd.f32 v42, v43;
	v49 =	vsub.f32 v49, v22;
	v43 =	vmul.f32 v44, v21;
	v44 =	vld [tilespmem:s5+$0xB910]  }
0x19e: {  	v25 =	vadd.f32 v25, v38;
	v51 =	vsub.f32 v55, v19;
	v38 =	vmul.f32 v41, v21;
	v41 =	vld [tilespmem:s5+$0x1120]  }
0x19f: {  	v26 =	vmul.f32 v26, v21;
	v37 =	vadd.f32 v53, v37;
	v36 =	vadd.f32 v43, v36;
	v43 =	vld [tilespmem:s5+$0x4920]  }
0x1a0: {  	v53 =	vmul.f32 v27, v21;
	v27 =	vadd.f32 v38, v54;
	v38 =	vsub.f32 v58, v56;
	v54 =	vld [tilespmem:s5+$0x8120]  }
0x1a1: {  	v32 =	vmul.f32 v32, v21;
	v33 =	vadd.f32 v57, v33;
	v55 =	vsub.f32 v25, v37;
	v57 =	vld [tilespmem:s5+$0xB920]  }
0x1a2: {  	v58 =	vsub.f32 v27, v36;
	v38 =	vmul.f32 v38, v21;
	v59 =	vld [tilespmem:s5+$0x1130];
	v27 =	vadd.f32 v26, v40  }
0x1a3: {  	v26 =	vsub.f32 v33, v42;
	v33 =	vmul.f32 v55, v18;
	v40 =	vsub.f32 v44, v24;
	v25 =	vld [tilespmem:s5+$0xD10]  }
0x1a4: {  	v32 =	vadd.f32 v32, v30;
	v28 =	vadd.f32 v53, v28;
	v55 =	vld [tilespmem:s5+$0x4510];
	v30 =	vmul.f32 v58, v18  }
0x1a5: {  	v53 =	vmul.f32 v26, v18;
	v33 =	vadd.f32 v33, v37;
	v37 =	vsub.f32 v43, v41;
	v44 =	vld [tilespmem:s5+$0x7D10]  }
0x1a6: {  	v26 =	vadd.f32 v38, v56;
	v43 =	vmul.f32 v52, v21;
	v38 =	vsub.f32 v57, v54;
	v52 =	vld [tilespmem:s5+$0x1140]  }
0x1a7: {  	v36 =	vadd.f32 v30, v36;
	v37 =	vmul.f32 v37, v21;
	v56 =	vld [tilespmem:s5+$0xD20];
	[tilespmem:s5+$0xD70] =	vst v33;
	v50 =	vsub.f32 v50, v59  }
0x1a8: {  	v30 =	vmul.f32 v40, v21;
	v40 =	vadd.f32 v43, v45;
	v57 =	vld [tilespmem:s5+$0x7D20];
	v38 =	vmul.f32 v38, v21  }
0x1a9: {  	v33 =	vsub.f32 v32, v28;
	v58 =	vadd.f32 v37, v41;
	v43 =	vld [tilespmem:s5+$0xB520];
	[tilespmem:s5+$0x1100] =	vst v36;
	v36 =	vmul.f32 v50, v21  }
0x1aa: {  	v45 =	vmul.f32 v48, v21;
	v41 =	vsub.f32 v46, v44;
	v50 =	vld [tilespmem:s5+$0xD30];
	v38 =	vadd.f32 v38, v54  }
0x1ab: {  	v32 =	vmul.f32 v51, v21;
	v37 =	vadd.f32 v36, v59;
	v36 =	vsub.f32 v47, v52;
	v51 =	vld [tilespmem:s5+$0x1150]  }
0x1ac: {  	v41 =	vmul.f32 v41, v21;
	v46 =	vsub.f32 v29, v56;
	v47 =	vsub.f32 v38, v58;
	v48 =	vld [tilespmem:s5+$0x4950]  }
0x1ad: {  	v42 =	vadd.f32 v53, v42;
	v40 =	vsub.f32 v40, v37;
	v36 =	vmul.f32 v36, v21;
	v53 =	vld [tilespmem:s5+$0x8150]  }
0x1ae: {  	v29 =	vadd.f32 v41, v44;
	v46 =	vmul.f32 v46, v21;
	v41 =	vsub.f32 v43, v57;
	v38 =	vld [tilespmem:s5+$0x1160]  }
0x1af: {  	v43 =	vsub.f32 v35, v50;
	[tilespmem:s5+$0xD60] =	vst v42;
	v44 =	vmul.f32 v40, v18;
	v42 =	vadd.f32 v36, v52;
	v40 =	vld [tilespmem:s5+$0x4960]  }
0x1b0: {  	v47 =	vmul.f32 v47, v18;
	v36 =	vadd.f32 v45, v31;
	v54 =	vmul.f32 v41, v21;
	v41 =	vld [tilespmem:s5+$0x4970]  }
0x1b1: {  	v35 =	vadd.f32 v46, v56;
	v31 =	vmul.f32 v43, v21;
	v52 =	vsub.f32 v48, v51;
	v46 =	vld [tilespmem:s5+$0x1170]  }
.Ltmp0:
0x1b2: {  	v45 =	vmul.f32 v49, v21;
	v43 =	vadd.f32 v47, v58;
	v34 =	vsub.f32 v34, v53;
	v48 =	vld [tilespmem:s5+$0x8170];
	(pc) =	sbr.rel @p0 .LBB2_3-.Ltmp0, $4  }
0x1b3: {  	v47 =	vsub.f32 v55, v25;
	v31 =	vadd.f32 v31, v50;
	v49 =	vmul.f32 v52, v21;
	v52 =	vld [tilespmem:s5+$0xB970]  }
0x1b4: {  	v54 =	vadd.f32 v54, v57;
	v50 =	vld [tilespmem:s5+$0x4540];
	v55 =	vmul.f32 v34, v21;
	v56 =	vsub.f32 v40, v38  }
0x1b5: {  	v40 =	vmul.f32 v47, v21;
	v34 =	vsub.f32 v39, v31;
	v47 =	vld [tilespmem:s5+$0xD40];
	v49 =	vadd.f32 v49, v51  }
0x1b6: {  	s0 =	sadd.s32 $0x80, s0;
	s9 =	sadd.s32 $0x100, s9;
	s10 =	smov.u32 s1;
	v51 =	vsub.f32 v54, v35;
	v53 =	vadd.f32 v55, v53;
	v54 =	vmul.f32 v56, v21  }
0x1b7: {  	v39 =	vsub.f32 v41, v46;
	v36 =	vsub.f32 v36, v42  }
0x1b8: {  	v37 =	vadd.f32 v44, v37;
	v22 =	vadd.f32 v45, v22  }
0x1b9: {  	v24 =	vadd.f32 v30, v24;
	v19 =	vadd.f32 v32, v19  }
0x1ba: {  	v23 =	vmul.f32 v23, v21;
	v59 =	vadd.f32 v40, v25;
	v60 =	vsub.f32 v52, v48  }
0x1bb: {  	v33 =	vmul.f32 v33, v18;
	v61 =	vsub.f32 v53, v49;
	v38 =	vadd.f32 v54, v38  }
0x1bc: {  	v57 =	vmul.f32 v51, v18;
	v39 =	vmul.f32 v39, v21;
	v20 =	vadd.f32 v23, v20  }
0x1bd: {  	v62 =	vmul.f32 v36, v18;
	v28 =	vadd.f32 v33, v28;
	v24 =	vsub.f32 v24, v26  }
0x1be: {  	v19 =	vsub.f32 v19, v22;
	v41 =	vmul.f32 v60, v21;
	v63 =	vsub.f32 v50, v47  }
0x1bf: {  	[tilespmem:s5+$0x1120] =	vst v43;
	v52 =	vmul.f32 v61, v18;
	v27 =	vsub.f32 v27, v38;
	v61 =	vadd.f32 v57, v35  }
0x1c0: {  	[tilespmem:s5+$0x1130] =	vst v37;
	v39 =	vadd.f32 v39, v46;
	v23 =	vadd.f32 v62, v42;
	v54 =	vmul.f32 v63, v21  }
0x1c1: {  	v58 =	vmul.f32 v24, v18;
	[tilespmem:s5+$0xD50] =	vst v28;
	v62 =	vsub.f32 v29, v59;
	v41 =	vadd.f32 v41, v48  }
0x1c2: {  	v19 =	vmul.f32 v19, v18;
	v53 =	vadd.f32 v52, v49;
	[tilespmem:s5+$0xD20] =	vst v61;
	v21 =	vadd.f32 v54, v47  }
0x1c3: {  	v60 =	vmul.f32 v27, v18;
	[tilespmem:s5+$0x1140] =	vst v23;
	v23 =	vadd.f32 v58, v26;
	v55 =	vsub.f32 v41, v39  }
0x1c4: {  	v19 =	vadd.f32 v19, v22;
	v63 =	vmul.f32 v62, v18;
	[tilespmem:s5+$0x1150] =	vst v53;
	v20 =	vsub.f32 v20, v21  }
0x1c5: {  	v25 =	vadd.f32 v60, v38;
	[tilespmem:s5+$0x1110] =	vst v23;
	v56 =	vmul.f32 v55, v18  }
0x1c6: {  	[tilespmem:s5+$0xD00] =	vst v19;
	v19 =	vadd.f32 v63, v59;
	v20 =	vmul.f32 v20, v18  }
0x1c7: {  	[tilespmem:s5+$0x1160] =	vst v25;
	v30 =	vadd.f32 v56, v39;
	v18 =	vmul.f32 v34, v18  }
0x1c8: {  	[tilespmem:s5+$0xD10] =	vst v19;
	v20 =	vadd.f32 v20, v21  }
0x1c9: {  	s0 =	smul.u32 $0x700, s31;
	s30 =	sadd.s32 $0x1, s30;
	[tilespmem:s5+$0x1170] =	vst v30;
	v18 =	vadd.f32 v18, v31  }
0x1ca: {  	s1 =	rddreg [dreg:$0x5];
	p0 =	sne.s32 s30, $0x10;
	[tilespmem:s5+$0xD40] =	vst v20  }
.Ltmp1:
0x1cb: {  	s0 =	sadd.s32 s1, s0;
	[tilespmem:s5+$0xD30] =	vst v18;
	(pc) =	sbr.rel @p0 .LBB2_2-.Ltmp1, $4  }
0x1cc: {  	[hbm4b:s0+s8] =	stream.linear.scatter [tilespmem:s19], [sflag:$0x2], $0x3800, $0x38;
	[tilespmem:$0xED00] =	vst v63  }
0x1cd: {  	_ =	swait.ge [sflag:s11], $0x3800  }
0x1ce: {  	[sflag:s11] =	ssyncset.done $0x0  }
0x1cf: {  	[sflag:s11] =	ssyncadd.s32 $0xFFFFC800  }
0x1d0: {  	s1 =	rddreg [dreg:$0x9]  }
0x1d1: {  	s0 =	rddreg [dreg:$0x8];
	s1 =	sadd.s32 $0x1, s1  }
0x1d2: {  	p0 =	sne.s32 s1, s0  }
.Ltmp2:
0x1d3: {  	_ = 	snop;
	(pc) =	sbr.rel @p0 .LBB2_1-.Ltmp2, $1  }
0x1d4: {  	_ =	sdelay $0x3  }
0x1d5: {  	_ =	sfence.sel $0x180000  }
0x1d6: {  	[bflag:$0x0] =	sbarrier.arrive $0xFFFF  }
0x1d7: {  	_ =	strace $0x90000047  }
0x1d8: {  	s0 =	stileid.u32;
	[bflag:$0x2] =	sbarrier.arrive $0xFFFF  }
0x1d9: {  	p0 =	sne.s32 s0, $0x0;
	s0 =	rddreg [dreg:$0x6]  }
0x1da: {  	s0 =	sadd.s32 @!p0 $0x100000, s0  }
0x1db: {  	[sflag:s0] =	ssyncadd.tile.s32 @!p0 $0x1;
	_ =	shalt  }
.Lfunc_end2:
_tile_overlayer_lowered:
.L_overlay_start_2:
0x1dc: {  	(tag) =	ssettag $0x2  }
0x1dd: {  	s0 =	rddreg [dreg:$0x0];
	s2 =	stileid.u32  }
0x1de: {  	s1 =	rddreg [dreg:$0x1];
	p0 =	sne.s32 s2, $0x0  }
0x1df: {  	s3 =	rddreg [dreg:$0x2];
	[bflag:$0x3] =	sbarrier.arrive $0xFFFF;
	s2 =	simm.s32 @!p0 $0x1C02  }
0x1e0: {  	[timem:s3], [sflag:s2] =	dma.local @!p0 [hbm:s0], s1  }
0x1e1: {  	s0 =	simm.s32 @!p0 $0x2  }
0x1e2: {  	_ =	swait.ge @!p0 [sflag:s0], s1  }
0x1e3: {  	s1 =	ssub.s32 @!p0 $0x0, s1;
	[sflag:s0] =	ssyncset.done @!p0 $0x0  }
0x1e4: {  	[sflag:s0] =	ssyncadd.s32 @!p0 s1  }
0x1e5: {  	[bflag:$0x3] =	sbarrier.arrive $0xFFFF  }
0x1e6: {  	_ =	shalt  }

</sc_bundles>
